<compile_context>
chip_gen: v7x
topology: tpu7x:2x2x1
jax: 0.10.2.dev20260603
libtpu: 0.0.44.dev20260713+nightly
codegen_flags: <defaults>
</compile_context>

<pallas_src>
import functools

import jax
import jax.numpy as jnp
from jax import lax
from jax.experimental import pallas as pl
from jax.experimental.pallas import tpu as pltpu
from jax.experimental.pallas import tpu_sc as plsc

MASK_RATIO = 0.75

NC = 2
NS = 16
NW = NC * NS
L = 16

GC = 64
SC_CH = 128


def _sc_random_mask(x2, gidx, pos, rvals, n_keep_rows, n_total, num_keep):
    dim = x2.shape[1]
    n_gc = n_keep_rows // NW // GC
    n_sc = n_total // NS // SC_CH
    e_per_t = n_total // NW

    mesh = plsc.VectorSubcoreMesh(core_axis_name="c", subcore_axis_name="s")

    @functools.partial(
        pl.kernel,
        mesh=mesh,
        out_type=[
            jax.ShapeDtypeStruct((n_keep_rows, dim), jnp.float32),
            jax.ShapeDtypeStruct((n_total,), jnp.int32),
            jax.ShapeDtypeStruct((n_total,), jnp.float32),
        ],
        scratch_types=[
            pltpu.VMEM((n_gc, GC), jnp.int32),
            pltpu.VMEM((GC, dim), jnp.float32),
            pltpu.VMEM((GC, dim), jnp.float32),
            pltpu.VMEM((n_sc, SC_CH), jnp.int32),
            pltpu.VMEM((n_sc, SC_CH), jnp.int32),
            pltpu.VMEM((e_per_t,), jnp.int32),
            pltpu.VMEM((e_per_t,), jnp.float32),
            pltpu.VMEM_SHARED((n_total,), jnp.int32),
            pltpu.SemaphoreType.DMA,
            pltpu.SemaphoreType.DMA,
            pltpu.SemaphoreType.DMA,
            pltpu.SemaphoreType.DMA,
            pltpu.SemaphoreType.DMA,
        ],
    )
    def body(x_hbm, gidx_hbm, pos_hbm, rv_hbm,
             xe_hbm, restore_hbm, mask_hbm,
             idx_v, rows_a, rows_b, pos_v, rv_v, rb, mb, restore_sh,
             sem_l, sem_ga, sem_gb, sem_s, sem_w):
        cid = lax.axis_index("c")
        sid = lax.axis_index("s")
        wid = sid * NC + cid
        gbase = wid * (n_gc * GC)

        loads = [pltpu.async_copy(gidx_hbm.at[wid], idx_v, sem_l),
                 pltpu.async_copy(pos_hbm.at[sid], pos_v, sem_l),
                 pltpu.async_copy(rv_hbm.at[sid], rv_v, sem_l)]
        for cp in loads:
            cp.wait()

        bufs = (rows_a, rows_b)
        gsems = (sem_ga, sem_gb)
        gcps = [pltpu.async_copy(x_hbm.at[idx_v.at[0]], rows_a, sem_ga),
                pltpu.async_copy(x_hbm.at[idx_v.at[1]], rows_b, sem_gb)]

        scps = []
        for c in range(n_sc):
            scps.append(pltpu.async_copy(
                rv_v.at[c], restore_sh.at[pos_v.at[c]], sem_s))
        for cp in scps:
            cp.wait()
        plsc.subcore_barrier()

        obase = cid * (NS * e_per_t) + sid * e_per_t
        pltpu.sync_copy(restore_sh.at[pl.ds(obase, e_per_t)], rb)
        for k in range(e_per_t // L):
            r = rb[pl.ds(k * L, L)]
            mb[pl.ds(k * L, L)] = jnp.where(
                r < num_keep, jnp.float32(0.0), jnp.float32(1.0))
        wcps = [pltpu.async_copy(rb, restore_hbm.at[pl.ds(obase, e_per_t)],
                                 sem_w),
                pltpu.async_copy(mb, mask_hbm.at[pl.ds(obase, e_per_t)],
                                 sem_w)]

        for c in range(n_gc):
            gcps[c % 2].wait()
            wcp = pltpu.async_copy(
                bufs[c % 2], xe_hbm.at[pl.ds(gbase + c * GC, GC)], sem_w)
            if c + 2 < n_gc:
                wcp.wait()
                gcps[c % 2] = pltpu.async_copy(
                    x_hbm.at[idx_v.at[c + 2]], bufs[c % 2], gsems[c % 2])
            else:
                wcps.append(wcp)

        for cp in wcps:
            cp.wait()

    return body(x2, gidx, pos, rvals)


def kernel(x):
    batch, length, dim = x.shape
    num_keep = int(length * (1 - MASK_RATIO))
    n_total = batch * length
    n_keep_rows = batch * num_keep

    noise = jax.random.uniform(jax.random.key(42), (batch, length),
                               dtype=jnp.float32)
    ids_shuffle = jnp.argsort(noise, axis=1).astype(jnp.int32)

    boff = (jnp.arange(batch, dtype=jnp.int32) * length)[:, None]
    pos = (ids_shuffle + boff).reshape(NS, -1, SC_CH)
    gidx = (ids_shuffle[:, :num_keep] + boff).reshape(NW, -1, GC)
    rank = jnp.tile(jnp.arange(length, dtype=jnp.int32), batch)
    rvals = rank.reshape(NS, -1, SC_CH)

    x2 = x.reshape(n_total, dim)
    xe_flat, restore_flat, mask_flat = _sc_random_mask(
        x2, gidx, pos, rvals, n_keep_rows, n_total, num_keep)

    return (xe_flat.reshape(batch, num_keep, dim),
            mask_flat.reshape(batch, length),
            restore_flat.reshape(batch, length))

# --- scband reference (transcript-rebuilt; emitter-appended) ---
"""Pipeline reference for scband-random-masking-80960133529853 (READ-ONLY COPY).

The authoritative reference and input builder live on the scoring server;
editing this copy changes nothing except your own understanding.
"""

import jax, jax.numpy as jnp
import numpy as np

MASKING_RATIO = 0.75

def setup_inputs(seed: int = 0) -> dict:
    key = jax.random.key(seed)
    x = jax.random.normal(key, (4, 8192, 768), dtype=jnp.float32)
    return {"x": x}

def reference(x):
    batch, length, dim = x.shape
    num_keep = int(length * (1 - MASKING_RATIO))
    # torch.rand noise -> deterministic jax uniform noise (fixed key for reproducibility)
    noise = jax.random.uniform(jax.random.key(42), (batch, length), dtype=jnp.float32)
    ids_shuffle = jnp.argsort(noise, axis=1)
    ids_restore = jnp.argsort(ids_shuffle, axis=1)
    ids_keep = ids_shuffle[:, :num_keep]
    # torch.gather(x, 1, ids_keep.unsqueeze(-1).repeat(1,1,dim)) -> take_along_axis with broadcast
    x_encoder = jnp.take_along_axis(x, ids_keep[:, :, None], axis=1)
    mask = jnp.ones((batch, length), dtype=jnp.float32)
    mask = mask.at[:, :num_keep].set(0.0)
    mask = jnp.take_along_axis(mask, ids_restore, axis=1)
    return (x_encoder, mask, ids_restore)

if __name__ == "__main__":
    import jax
    _d = setup_inputs()
    print(jax.jit(kernel)(*tuple(_d.values())))

</pallas_src>

<mosaic_0001>
#map = affine_map<(d0, d1) -> (0, 0)>
#map1 = affine_map<(d0, d1) -> (0, 0, 0)>
#map2 = affine_map<(d0, d1) -> (0)>
module attributes {stable_mosaic.version = 14 : i64} {
  func.func @body(%arg0: i32, %arg1: i32, %arg2: memref<32768x768xf32, #tpu.memory_space<hbm>>, %arg3: memref<32x4x64xi32, #tpu.memory_space<hbm>>, %arg4: memref<16x16x128xi32, #tpu.memory_space<hbm>>, %arg5: memref<16x16x128xi32, #tpu.memory_space<hbm>>, %arg6: memref<8192x768xf32, #tpu.memory_space<hbm>>, %arg7: memref<32768xi32, #tpu.memory_space<hbm>>, %arg8: memref<32768xf32, #tpu.memory_space<hbm>>, %arg9: memref<4x64xi32, #tpu.memory_space<vmem>>, %arg10: memref<64x768xf32, #tpu.memory_space<vmem>>, %arg11: memref<64x768xf32, #tpu.memory_space<vmem>>, %arg12: memref<16x128xi32, #tpu.memory_space<vmem>>, %arg13: memref<16x128xi32, #tpu.memory_space<vmem>>, %arg14: memref<1024xi32, #tpu.memory_space<vmem>>, %arg15: memref<1024xf32, #tpu.memory_space<vmem>>, %arg16: memref<32768xi32, #tpu.memory_space<vmem_shared>>, %arg17: memref<!tpu.dma_semaphore, #tpu.memory_space<semaphore_mem>>, %arg18: memref<!tpu.dma_semaphore, #tpu.memory_space<semaphore_mem>>, %arg19: memref<!tpu.dma_semaphore, #tpu.memory_space<semaphore_mem>>, %arg20: memref<!tpu.dma_semaphore, #tpu.memory_space<semaphore_mem>>, %arg21: memref<!tpu.dma_semaphore, #tpu.memory_space<semaphore_mem>>) attributes {dimension_semantics = [#tpu.dimension_semantics<core_parallel>, #tpu.dimension_semantics<subcore_parallel>], iteration_bounds = array<i64: 2, 16>, scalar_prefetch = 0 : i64, scratch_operands = 13 : i64, tpu.core_type = #tpu.core_type<sc_vector_subcore>, window_params = [{transform_indices = #map}, {transform_indices = #map1}, {transform_indices = #map1}, {transform_indices = #map1}, {transform_indices = #map}, {transform_indices = #map2}, {transform_indices = #map2}]} {
    %mul3A = arith.constant 2 : i32
    %mul3A_0 = arith.muli %arg1, %mul3A : i32
    %add3A = arith.addi %mul3A_0, %arg0 : i32
    %mul3A_1 = arith.constant 256 : i32
    %mul3A_2 = arith.muli %add3A, %mul3A_1 : i32
    %dma_start3A = arith.constant 0 : i32
    %dma_start3A_3 = arith.constant 0 : i32
    %dma_start3A_4 = tpu.memref_slice %arg3[%add3A, %dma_start3A, %dma_start3A_3] : memref<32x4x64xi32, #tpu.memory_space<hbm>> -> memref<1x4x64xi32, #tpu.memory_space<hbm>>
    %dma_start3A_5 = tpu.memref_squeeze %dma_start3A_4 : memref<1x4x64xi32, #tpu.memory_space<hbm>> -> memref<4x64xi32, #tpu.memory_space<hbm>>
    %dma_start3A_6 = arith.constant 0 : i32
    %dma_start3A_7 = arith.constant 0 : i32
    %dma_start3A_8 = tpu.memref_slice %arg3[%add3A, %dma_start3A_6, %dma_start3A_7] : memref<32x4x64xi32, #tpu.memory_space<hbm>> -> memref<1x4x64xi32, #tpu.memory_space<hbm>>
    %dma_start3A_9 = tpu.memref_squeeze %dma_start3A_8 : memref<1x4x64xi32, #tpu.memory_space<hbm>> -> memref<4x64xi32, #tpu.memory_space<hbm>>
    tpu.enqueue_dma source(%dma_start3A_9 : memref<4x64xi32, #tpu.memory_space<hbm>>) target(%arg9 : memref<4x64xi32, #tpu.memory_space<vmem>>) target_semaphore(%arg17 : memref<!tpu.dma_semaphore, #tpu.memory_space<semaphore_mem>>)
    %dma_start3A_10 = arith.constant 0 : i32
    %dma_start3A_11 = arith.constant 0 : i32
    %dma_start3A_12 = tpu.memref_slice %arg4[%arg1, %dma_start3A_10, %dma_start3A_11] : memref<16x16x128xi32, #tpu.memory_space<hbm>> -> memref<1x16x128xi32, #tpu.memory_space<hbm>>
    %dma_start3A_13 = tpu.memref_squeeze %dma_start3A_12 : memref<1x16x128xi32, #tpu.memory_space<hbm>> -> memref<16x128xi32, #tpu.memory_space<hbm>>
    %dma_start3A_14 = arith.constant 0 : i32
    %dma_start3A_15 = arith.constant 0 : i32
    %dma_start3A_16 = tpu.memref_slice %arg4[%arg1, %dma_start3A_14, %dma_start3A_15] : memref<16x16x128xi32, #tpu.memory_space<hbm>> -> memref<1x16x128xi32, #tpu.memory_space<hbm>>
    %dma_start3A_17 = tpu.memref_squeeze %dma_start3A_16 : memref<1x16x128xi32, #tpu.memory_space<hbm>> -> memref<16x128xi32, #tpu.memory_space<hbm>>
    tpu.enqueue_dma source(%dma_start3A_17 : memref<16x128xi32, #tpu.memory_space<hbm>>) target(%arg12 : memref<16x128xi32, #tpu.memory_space<vmem>>) target_semaphore(%arg17 : memref<!tpu.dma_semaphore, #tpu.memory_space<semaphore_mem>>)
    %dma_start3A_18 = arith.constant 0 : i32
    %dma_start3A_19 = arith.constant 0 : i32
    %dma_start3A_20 = tpu.memref_slice %arg5[%arg1, %dma_start3A_18, %dma_start3A_19] : memref<16x16x128xi32, #tpu.memory_space<hbm>> -> memref<1x16x128xi32, #tpu.memory_space<hbm>>
    %dma_start3A_21 = tpu.memref_squeeze %dma_start3A_20 : memref<1x16x128xi32, #tpu.memory_space<hbm>> -> memref<16x128xi32, #tpu.memory_space<hbm>>
    %dma_start3A_22 = arith.constant 0 : i32
    %dma_start3A_23 = arith.constant 0 : i32
    %dma_start3A_24 = tpu.memref_slice %arg5[%arg1, %dma_start3A_22, %dma_start3A_23] : memref<16x16x128xi32, #tpu.memory_space<hbm>> -> memref<1x16x128xi32, #tpu.memory_space<hbm>>
    %dma_start3A_25 = tpu.memref_squeeze %dma_start3A_24 : memref<1x16x128xi32, #tpu.memory_space<hbm>> -> memref<16x128xi32, #tpu.memory_space<hbm>>
    tpu.enqueue_dma source(%dma_start3A_25 : memref<16x128xi32, #tpu.memory_space<hbm>>) target(%arg13 : memref<16x128xi32, #tpu.memory_space<vmem>>) target_semaphore(%arg17 : memref<!tpu.dma_semaphore, #tpu.memory_space<semaphore_mem>>)
    %dma_wait3A = arith.constant 0 : i32
    %dma_wait3A_26 = arith.constant 0 : i32
    %dma_wait3A_27 = tpu.memref_slice %arg3[%add3A, %dma_wait3A, %dma_wait3A_26] : memref<32x4x64xi32, #tpu.memory_space<hbm>> -> memref<1x4x64xi32, #tpu.memory_space<hbm>>
    %dma_wait3A_28 = tpu.memref_squeeze %dma_wait3A_27 : memref<1x4x64xi32, #tpu.memory_space<hbm>> -> memref<4x64xi32, #tpu.memory_space<hbm>>
    %dma_wait3A_29 = arith.constant 0 : i32
    %dma_wait3A_30 = arith.constant 0 : i32
    %dma_wait3A_31 = tpu.memref_slice %arg3[%add3A, %dma_wait3A_29, %dma_wait3A_30] : memref<32x4x64xi32, #tpu.memory_space<hbm>> -> memref<1x4x64xi32, #tpu.memory_space<hbm>>
    %dma_wait3A_32 = tpu.memref_squeeze %dma_wait3A_31 : memref<1x4x64xi32, #tpu.memory_space<hbm>> -> memref<4x64xi32, #tpu.memory_space<hbm>>
    tpu.wait_dma2 semaphore(%arg17 : memref<!tpu.dma_semaphore, #tpu.memory_space<semaphore_mem>>) src(%dma_wait3A_32 : memref<4x64xi32, #tpu.memory_space<hbm>>) dst(%arg9 : memref<4x64xi32, #tpu.memory_space<vmem>>)
    %dma_wait3A_33 = arith.constant 0 : i32
    %dma_wait3A_34 = arith.constant 0 : i32
    %dma_wait3A_35 = tpu.memref_slice %arg4[%arg1, %dma_wait3A_33, %dma_wait3A_34] : memref<16x16x128xi32, #tpu.memory_space<hbm>> -> memref<1x16x128xi32, #tpu.memory_space<hbm>>
    %dma_wait3A_36 = tpu.memref_squeeze %dma_wait3A_35 : memref<1x16x128xi32, #tpu.memory_space<hbm>> -> memref<16x128xi32, #tpu.memory_space<hbm>>
    %dma_wait3A_37 = arith.constant 0 : i32
    %dma_wait3A_38 = arith.constant 0 : i32
    %dma_wait3A_39 = tpu.memref_slice %arg4[%arg1, %dma_wait3A_37, %dma_wait3A_38] : memref<16x16x128xi32, #tpu.memory_space<hbm>> -> memref<1x16x128xi32, #tpu.memory_space<hbm>>
    %dma_wait3A_40 = tpu.memref_squeeze %dma_wait3A_39 : memref<1x16x128xi32, #tpu.memory_space<hbm>> -> memref<16x128xi32, #tpu.memory_space<hbm>>
    tpu.wait_dma2 semaphore(%arg17 : memref<!tpu.dma_semaphore, #tpu.memory_space<semaphore_mem>>) src(%dma_wait3A_40 : memref<16x128xi32, #tpu.memory_space<hbm>>) dst(%arg12 : memref<16x128xi32, #tpu.memory_space<vmem>>)
    %dma_wait3A_41 = arith.constant 0 : i32
    %dma_wait3A_42 = arith.constant 0 : i32
    %dma_wait3A_43 = tpu.memref_slice %arg5[%arg1, %dma_wait3A_41, %dma_wait3A_42] : memref<16x16x128xi32, #tpu.memory_space<hbm>> -> memref<1x16x128xi32, #tpu.memory_space<hbm>>
    %dma_wait3A_44 = tpu.memref_squeeze %dma_wait3A_43 : memref<1x16x128xi32, #tpu.memory_space<hbm>> -> memref<16x128xi32, #tpu.memory_space<hbm>>
    %dma_wait3A_45 = arith.constant 0 : i32
    %dma_wait3A_46 = arith.constant 0 : i32
    %dma_wait3A_47 = tpu.memref_slice %arg5[%arg1, %dma_wait3A_45, %dma_wait3A_46] : memref<16x16x128xi32, #tpu.memory_space<hbm>> -> memref<1x16x128xi32, #tpu.memory_space<hbm>>
    %dma_wait3A_48 = tpu.memref_squeeze %dma_wait3A_47 : memref<1x16x128xi32, #tpu.memory_space<hbm>> -> memref<16x128xi32, #tpu.memory_space<hbm>>
    tpu.wait_dma2 semaphore(%arg17 : memref<!tpu.dma_semaphore, #tpu.memory_space<semaphore_mem>>) src(%dma_wait3A_48 : memref<16x128xi32, #tpu.memory_space<hbm>>) dst(%arg13 : memref<16x128xi32, #tpu.memory_space<vmem>>)
    %dma_start3A_49 = arith.constant 0 : i32
    %dma_start3A_50 = arith.constant 0 : i32
    %dma_start3A_51 = tpu.memref_slice %arg9[%dma_start3A_49, %dma_start3A_50] : memref<4x64xi32, #tpu.memory_space<vmem>> -> memref<1x64xi32, #tpu.memory_space<vmem>>
    %dma_start3A_52 = tpu.memref_squeeze %dma_start3A_51 : memref<1x64xi32, #tpu.memory_space<vmem>> -> memref<64xi32, #tpu.memory_space<vmem>>
    %dma_start3A_53 = arith.constant 0 : i32
    %dma_start3A_54 = arith.constant 0 : i32
    %dma_start3A_55 = tpu.memref_slice %arg2[%dma_start3A_53, %dma_start3A_54] : memref<32768x768xf32, #tpu.memory_space<hbm>> -> memref<32768x768xf32, #tpu.memory_space<hbm>>
    tpu.enqueue_indirect_dma source(%dma_start3A_55 : memref<32768x768xf32, #tpu.memory_space<hbm>>) target(%arg10 : memref<64x768xf32, #tpu.memory_space<vmem>>) offsets(%dma_start3A_52 : memref<64xi32, #tpu.memory_space<vmem>>) semaphore(%arg18 : memref<!tpu.dma_semaphore, #tpu.memory_space<semaphore_mem>>)
    %dma_start3A_56 = arith.constant 1 : i32
    %dma_start3A_57 = arith.constant 0 : i32
    %dma_start3A_58 = tpu.memref_slice %arg9[%dma_start3A_56, %dma_start3A_57] : memref<4x64xi32, #tpu.memory_space<vmem>> -> memref<1x64xi32, #tpu.memory_space<vmem>>
    %dma_start3A_59 = tpu.memref_squeeze %dma_start3A_58 : memref<1x64xi32, #tpu.memory_space<vmem>> -> memref<64xi32, #tpu.memory_space<vmem>>
    %dma_start3A_60 = arith.constant 0 : i32
    %dma_start3A_61 = arith.constant 0 : i32
    %dma_start3A_62 = tpu.memref_slice %arg2[%dma_start3A_60, %dma_start3A_61] : memref<32768x768xf32, #tpu.memory_space<hbm>> -> memref<32768x768xf32, #tpu.memory_space<hbm>>
    tpu.enqueue_indirect_dma source(%dma_start3A_62 : memref<32768x768xf32, #tpu.memory_space<hbm>>) target(%arg11 : memref<64x768xf32, #tpu.memory_space<vmem>>) offsets(%dma_start3A_59 : memref<64xi32, #tpu.memory_space<vmem>>) semaphore(%arg19 : memref<!tpu.dma_semaphore, #tpu.memory_space<semaphore_mem>>)
    %dma_start3A_63 = arith.constant 0 : i32
    %dma_start3A_64 = arith.constant 0 : i32
    %dma_start3A_65 = arith.constant 0 : i32
    %dma_start3A_66 = tpu.memref_slice %arg13[%dma_start3A_63, %dma_start3A_65] : memref<16x128xi32, #tpu.memory_space<vmem>> -> memref<1x128xi32, #tpu.memory_space<vmem>>
    %dma_start3A_67 = tpu.memref_squeeze %dma_start3A_66 : memref<1x128xi32, #tpu.memory_space<vmem>> -> memref<128xi32, #tpu.memory_space<vmem>>
    %dma_start3A_68 = arith.constant 0 : i32
    %dma_start3A_69 = tpu.memref_slice %arg12[%dma_start3A_64, %dma_start3A_68] : memref<16x128xi32, #tpu.memory_space<vmem>> -> memref<1x128xi32, #tpu.memory_space<vmem>>
    %dma_start3A_70 = tpu.memref_squeeze %dma_start3A_69 : memref<1x128xi32, #tpu.memory_space<vmem>> -> memref<128xi32, #tpu.memory_space<vmem>>
    %dma_start3A_71 = arith.constant 0 : i32
    %dma_start3A_72 = tpu.memref_slice %arg16[%dma_start3A_71] : memref<32768xi32, #tpu.memory_space<vmem_shared>> -> memref<32768xi32, #tpu.memory_space<vmem_shared>>
    tpu.enqueue_indirect_dma source(%dma_start3A_67 : memref<128xi32, #tpu.memory_space<vmem>>) target(%dma_start3A_72 : memref<32768xi32, #tpu.memory_space<vmem_shared>>) offsets(%dma_start3A_70 : memref<128xi32, #tpu.memory_space<vmem>>) semaphore(%arg20 : memref<!tpu.dma_semaphore, #tpu.memory_space<semaphore_mem>>)
    %dma_start3A_73 = arith.constant 1 : i32
    %dma_start3A_74 = arith.constant 1 : i32
    %dma_start3A_75 = arith.constant 0 : i32
    %dma_start3A_76 = tpu.memref_slice %arg13[%dma_start3A_73, %dma_start3A_75] : memref<16x128xi32, #tpu.memory_space<vmem>> -> memref<1x128xi32, #tpu.memory_space<vmem>>
    %dma_start3A_77 = tpu.memref_squeeze %dma_start3A_76 : memref<1x128xi32, #tpu.memory_space<vmem>> -> memref<128xi32, #tpu.memory_space<vmem>>
    %dma_start3A_78 = arith.constant 0 : i32
    %dma_start3A_79 = tpu.memref_slice %arg12[%dma_start3A_74, %dma_start3A_78] : memref<16x128xi32, #tpu.memory_space<vmem>> -> memref<1x128xi32, #tpu.memory_space<vmem>>
    %dma_start3A_80 = tpu.memref_squeeze %dma_start3A_79 : memref<1x128xi32, #tpu.memory_space<vmem>> -> memref<128xi32, #tpu.memory_space<vmem>>
    %dma_start3A_81 = arith.constant 0 : i32
    %dma_start3A_82 = tpu.memref_slice %arg16[%dma_start3A_81] : memref<32768xi32, #tpu.memory_space<vmem_shared>> -> memref<32768xi32, #tpu.memory_space<vmem_shared>>
    tpu.enqueue_indirect_dma source(%dma_start3A_77 : memref<128xi32, #tpu.memory_space<vmem>>) target(%dma_start3A_82 : memref<32768xi32, #tpu.memory_space<vmem_shared>>) offsets(%dma_start3A_80 : memref<128xi32, #tpu.memory_space<vmem>>) semaphore(%arg20 : memref<!tpu.dma_semaphore, #tpu.memory_space<semaphore_mem>>)
    %dma_start3A_83 = arith.constant 2 : i32
    %dma_start3A_84 = arith.constant 2 : i32
    %dma_start3A_85 = arith.constant 0 : i32
    %dma_start3A_86 = tpu.memref_slice %arg13[%dma_start3A_83, %dma_start3A_85] : memref<16x128xi32, #tpu.memory_space<vmem>> -> memref<1x128xi32, #tpu.memory_space<vmem>>
    %dma_start3A_87 = tpu.memref_squeeze %dma_start3A_86 : memref<1x128xi32, #tpu.memory_space<vmem>> -> memref<128xi32, #tpu.memory_space<vmem>>
    %dma_start3A_88 = arith.constant 0 : i32
    %dma_start3A_89 = tpu.memref_slice %arg12[%dma_start3A_84, %dma_start3A_88] : memref<16x128xi32, #tpu.memory_space<vmem>> -> memref<1x128xi32, #tpu.memory_space<vmem>>
    %dma_start3A_90 = tpu.memref_squeeze %dma_start3A_89 : memref<1x128xi32, #tpu.memory_space<vmem>> -> memref<128xi32, #tpu.memory_space<vmem>>
    %dma_start3A_91 = arith.constant 0 : i32
    %dma_start3A_92 = tpu.memref_slice %arg16[%dma_start3A_91] : memref<32768xi32, #tpu.memory_space<vmem_shared>> -> memref<32768xi32, #tpu.memory_space<vmem_shared>>
    tpu.enqueue_indirect_dma source(%dma_start3A_87 : memref<128xi32, #tpu.memory_space<vmem>>) target(%dma_start3A_92 : memref<32768xi32, #tpu.memory_space<vmem_shared>>) offsets(%dma_start3A_90 : memref<128xi32, #tpu.memory_space<vmem>>) semaphore(%arg20 : memref<!tpu.dma_semaphore, #tpu.memory_space<semaphore_mem>>)
    %dma_start3A_93 = arith.constant 3 : i32
    %dma_start3A_94 = arith.constant 3 : i32
    %dma_start3A_95 = arith.constant 0 : i32
    %dma_start3A_96 = tpu.memref_slice %arg13[%dma_start3A_93, %dma_start3A_95] : memref<16x128xi32, #tpu.memory_space<vmem>> -> memref<1x128xi32, #tpu.memory_space<vmem>>
    %dma_start3A_97 = tpu.memref_squeeze %dma_start3A_96 : memref<1x128xi32, #tpu.memory_space<vmem>> -> memref<128xi32, #tpu.memory_space<vmem>>
    %dma_start3A_98 = arith.constant 0 : i32
    %dma_start3A_99 = tpu.memref_slice %arg12[%dma_start3A_94, %dma_start3A_98] : memref<16x128xi32, #tpu.memory_space<vmem>> -> memref<1x128xi32, #tpu.memory_space<vmem>>
    %dma_start3A_100 = tpu.memref_squeeze %dma_start3A_99 : memref<1x128xi32, #tpu.memory_space<vmem>> -> memref<128xi32, #tpu.memory_space<vmem>>
    %dma_start3A_101 = arith.constant 0 : i32
    %dma_start3A_102 = tpu.memref_slice %arg16[%dma_start3A_101] : memref<32768xi32, #tpu.memory_space<vmem_shared>> -> memref<32768xi32, #tpu.memory_space<vmem_shared>>
    tpu.enqueue_indirect_dma source(%dma_start3A_97 : memref<128xi32, #tpu.memory_space<vmem>>) target(%dma_start3A_102 : memref<32768xi32, #tpu.memory_space<vmem_shared>>) offsets(%dma_start3A_100 : memref<128xi32, #tpu.memory_space<vmem>>) semaphore(%arg20 : memref<!tpu.dma_semaphore, #tpu.memory_space<semaphore_mem>>)
    %dma_start3A_103 = arith.constant 4 : i32
    %dma_start3A_104 = arith.constant 4 : i32
    %dma_start3A_105 = arith.constant 0 : i32
    %dma_start3A_106 = tpu.memref_slice %arg13[%dma_start3A_103, %dma_start3A_105] : memref<16x128xi32, #tpu.memory_space<vmem>> -> memref<1x128xi32, #tpu.memory_space<vmem>>
    %dma_start3A_107 = tpu.memref_squeeze %dma_start3A_106 : memref<1x128xi32, #tpu.memory_space<vmem>> -> memref<128xi32, #tpu.memory_space<vmem>>
    %dma_start3A_108 = arith.constant 0 : i32
    %dma_start3A_109 = tpu.memref_slice %arg12[%dma_start3A_104, %dma_start3A_108] : memref<16x128xi32, #tpu.memory_space<vmem>> -> memref<1x128xi32, #tpu.memory_space<vmem>>
    %dma_start3A_110 = tpu.memref_squeeze %dma_start3A_109 : memref<1x128xi32, #tpu.memory_space<vmem>> -> memref<128xi32, #tpu.memory_space<vmem>>
    %dma_start3A_111 = arith.constant 0 : i32
    %dma_start3A_112 = tpu.memref_slice %arg16[%dma_start3A_111] : memref<32768xi32, #tpu.memory_space<vmem_shared>> -> memref<32768xi32, #tpu.memory_space<vmem_shared>>
    tpu.enqueue_indirect_dma source(%dma_start3A_107 : memref<128xi32, #tpu.memory_space<vmem>>) target(%dma_start3A_112 : memref<32768xi32, #tpu.memory_space<vmem_shared>>) offsets(%dma_start3A_110 : memref<128xi32, #tpu.memory_space<vmem>>) semaphore(%arg20 : memref<!tpu.dma_semaphore, #tpu.memory_space<semaphore_mem>>)
    %dma_start3A_113 = arith.constant 5 : i32
    %dma_start3A_114 = arith.constant 5 : i32
    %dma_start3A_115 = arith.constant 0 : i32
    %dma_start3A_116 = tpu.memref_slice %arg13[%dma_start3A_113, %dma_start3A_115] : memref<16x128xi32, #tpu.memory_space<vmem>> -> memref<1x128xi32, #tpu.memory_space<vmem>>
    %dma_start3A_117 = tpu.memref_squeeze %dma_start3A_116 : memref<1x128xi32, #tpu.memory_space<vmem>> -> memref<128xi32, #tpu.memory_space<vmem>>
    %dma_start3A_118 = arith.constant 0 : i32
    %dma_start3A_119 = tpu.memref_slice %arg12[%dma_start3A_114, %dma_start3A_118] : memref<16x128xi32, #tpu.memory_space<vmem>> -> memref<1x128xi32, #tpu.memory_space<vmem>>
    %dma_start3A_120 = tpu.memref_squeeze %dma_start3A_119 : memref<1x128xi32, #tpu.memory_space<vmem>> -> memref<128xi32, #tpu.memory_space<vmem>>
    %dma_start3A_121 = arith.constant 0 : i32
    %dma_start3A_122 = tpu.memref_slice %arg16[%dma_start3A_121] : memref<32768xi32, #tpu.memory_space<vmem_shared>> -> memref<32768xi32, #tpu.memory_space<vmem_shared>>
    tpu.enqueue_indirect_dma source(%dma_start3A_117 : memref<128xi32, #tpu.memory_space<vmem>>) target(%dma_start3A_122 : memref<32768xi32, #tpu.memory_space<vmem_shared>>) offsets(%dma_start3A_120 : memref<128xi32, #tpu.memory_space<vmem>>) semaphore(%arg20 : memref<!tpu.dma_semaphore, #tpu.memory_space<semaphore_mem>>)
    %dma_start3A_123 = arith.constant 6 : i32
    %dma_start3A_124 = arith.constant 6 : i32
    %dma_start3A_125 = arith.constant 0 : i32
    %dma_start3A_126 = tpu.memref_slice %arg13[%dma_start3A_123, %dma_start3A_125] : memref<16x128xi32, #tpu.memory_space<vmem>> -> memref<1x128xi32, #tpu.memory_space<vmem>>
    %dma_start3A_127 = tpu.memref_squeeze %dma_start3A_126 : memref<1x128xi32, #tpu.memory_space<vmem>> -> memref<128xi32, #tpu.memory_space<vmem>>
    %dma_start3A_128 = arith.constant 0 : i32
    %dma_start3A_129 = tpu.memref_slice %arg12[%dma_start3A_124, %dma_start3A_128] : memref<16x128xi32, #tpu.memory_space<vmem>> -> memref<1x128xi32, #tpu.memory_space<vmem>>
    %dma_start3A_130 = tpu.memref_squeeze %dma_start3A_129 : memref<1x128xi32, #tpu.memory_space<vmem>> -> memref<128xi32, #tpu.memory_space<vmem>>
    %dma_start3A_131 = arith.constant 0 : i32
    %dma_start3A_132 = tpu.memref_slice %arg16[%dma_start3A_131] : memref<32768xi32, #tpu.memory_space<vmem_shared>> -> memref<32768xi32, #tpu.memory_space<vmem_shared>>
    tpu.enqueue_indirect_dma source(%dma_start3A_127 : memref<128xi32, #tpu.memory_space<vmem>>) target(%dma_start3A_132 : memref<32768xi32, #tpu.memory_space<vmem_shared>>) offsets(%dma_start3A_130 : memref<128xi32, #tpu.memory_space<vmem>>) semaphore(%arg20 : memref<!tpu.dma_semaphore, #tpu.memory_space<semaphore_mem>>)
    %dma_start3A_133 = arith.constant 7 : i32
    %dma_start3A_134 = arith.constant 7 : i32
    %dma_start3A_135 = arith.constant 0 : i32
    %dma_start3A_136 = tpu.memref_slice %arg13[%dma_start3A_133, %dma_start3A_135] : memref<16x128xi32, #tpu.memory_space<vmem>> -> memref<1x128xi32, #tpu.memory_space<vmem>>
    %dma_start3A_137 = tpu.memref_squeeze %dma_start3A_136 : memref<1x128xi32, #tpu.memory_space<vmem>> -> memref<128xi32, #tpu.memory_space<vmem>>
    %dma_start3A_138 = arith.constant 0 : i32
    %dma_start3A_139 = tpu.memref_slice %arg12[%dma_start3A_134, %dma_start3A_138] : memref<16x128xi32, #tpu.memory_space<vmem>> -> memref<1x128xi32, #tpu.memory_space<vmem>>
    %dma_start3A_140 = tpu.memref_squeeze %dma_start3A_139 : memref<1x128xi32, #tpu.memory_space<vmem>> -> memref<128xi32, #tpu.memory_space<vmem>>
    %dma_start3A_141 = arith.constant 0 : i32
    %dma_start3A_142 = tpu.memref_slice %arg16[%dma_start3A_141] : memref<32768xi32, #tpu.memory_space<vmem_shared>> -> memref<32768xi32, #tpu.memory_space<vmem_shared>>
    tpu.enqueue_indirect_dma source(%dma_start3A_137 : memref<128xi32, #tpu.memory_space<vmem>>) target(%dma_start3A_142 : memref<32768xi32, #tpu.memory_space<vmem_shared>>) offsets(%dma_start3A_140 : memref<128xi32, #tpu.memory_space<vmem>>) semaphore(%arg20 : memref<!tpu.dma_semaphore, #tpu.memory_space<semaphore_mem>>)
    %dma_start3A_143 = arith.constant 8 : i32
    %dma_start3A_144 = arith.constant 8 : i32
    %dma_start3A_145 = arith.constant 0 : i32
    %dma_start3A_146 = tpu.memref_slice %arg13[%dma_start3A_143, %dma_start3A_145] : memref<16x128xi32, #tpu.memory_space<vmem>> -> memref<1x128xi32, #tpu.memory_space<vmem>>
    %dma_start3A_147 = tpu.memref_squeeze %dma_start3A_146 : memref<1x128xi32, #tpu.memory_space<vmem>> -> memref<128xi32, #tpu.memory_space<vmem>>
    %dma_start3A_148 = arith.constant 0 : i32
    %dma_start3A_149 = tpu.memref_slice %arg12[%dma_start3A_144, %dma_start3A_148] : memref<16x128xi32, #tpu.memory_space<vmem>> -> memref<1x128xi32, #tpu.memory_space<vmem>>
    %dma_start3A_150 = tpu.memref_squeeze %dma_start3A_149 : memref<1x128xi32, #tpu.memory_space<vmem>> -> memref<128xi32, #tpu.memory_space<vmem>>
    %dma_start3A_151 = arith.constant 0 : i32
    %dma_start3A_152 = tpu.memref_slice %arg16[%dma_start3A_151] : memref<32768xi32, #tpu.memory_space<vmem_shared>> -> memref<32768xi32, #tpu.memory_space<vmem_shared>>
    tpu.enqueue_indirect_dma source(%dma_start3A_147 : memref<128xi32, #tpu.memory_space<vmem>>) target(%dma_start3A_152 : memref<32768xi32, #tpu.memory_space<vmem_shared>>) offsets(%dma_start3A_150 : memref<128xi32, #tpu.memory_space<vmem>>) semaphore(%arg20 : memref<!tpu.dma_semaphore, #tpu.memory_space<semaphore_mem>>)
    %dma_start3A_153 = arith.constant 9 : i32
    %dma_start3A_154 = arith.constant 9 : i32
    %dma_start3A_155 = arith.constant 0 : i32
    %dma_start3A_156 = tpu.memref_slice %arg13[%dma_start3A_153, %dma_start3A_155] : memref<16x128xi32, #tpu.memory_space<vmem>> -> memref<1x128xi32, #tpu.memory_space<vmem>>
    %dma_start3A_157 = tpu.memref_squeeze %dma_start3A_156 : memref<1x128xi32, #tpu.memory_space<vmem>> -> memref<128xi32, #tpu.memory_space<vmem>>
    %dma_start3A_158 = arith.constant 0 : i32
    %dma_start3A_159 = tpu.memref_slice %arg12[%dma_start3A_154, %dma_start3A_158] : memref<16x128xi32, #tpu.memory_space<vmem>> -> memref<1x128xi32, #tpu.memory_space<vmem>>
    %dma_start3A_160 = tpu.memref_squeeze %dma_start3A_159 : memref<1x128xi32, #tpu.memory_space<vmem>> -> memref<128xi32, #tpu.memory_space<vmem>>
    %dma_start3A_161 = arith.constant 0 : i32
    %dma_start3A_162 = tpu.memref_slice %arg16[%dma_start3A_161] : memref<32768xi32, #tpu.memory_space<vmem_shared>> -> memref<32768xi32, #tpu.memory_space<vmem_shared>>
    tpu.enqueue_indirect_dma source(%dma_start3A_157 : memref<128xi32, #tpu.memory_space<vmem>>) target(%dma_start3A_162 : memref<32768xi32, #tpu.memory_space<vmem_shared>>) offsets(%dma_start3A_160 : memref<128xi32, #tpu.memory_space<vmem>>) semaphore(%arg20 : memref<!tpu.dma_semaphore, #tpu.memory_space<semaphore_mem>>)
    %dma_start3A_163 = arith.constant 10 : i32
    %dma_start3A_164 = arith.constant 10 : i32
    %dma_start3A_165 = arith.constant 0 : i32
    %dma_start3A_166 = tpu.memref_slice %arg13[%dma_start3A_163, %dma_start3A_165] : memref<16x128xi32, #tpu.memory_space<vmem>> -> memref<1x128xi32, #tpu.memory_space<vmem>>
    %dma_start3A_167 = tpu.memref_squeeze %dma_start3A_166 : memref<1x128xi32, #tpu.memory_space<vmem>> -> memref<128xi32, #tpu.memory_space<vmem>>
    %dma_start3A_168 = arith.constant 0 : i32
    %dma_start3A_169 = tpu.memref_slice %arg12[%dma_start3A_164, %dma_start3A_168] : memref<16x128xi32, #tpu.memory_space<vmem>> -> memref<1x128xi32, #tpu.memory_space<vmem>>
    %dma_start3A_170 = tpu.memref_squeeze %dma_start3A_169 : memref<1x128xi32, #tpu.memory_space<vmem>> -> memref<128xi32, #tpu.memory_space<vmem>>
    %dma_start3A_171 = arith.constant 0 : i32
    %dma_start3A_172 = tpu.memref_slice %arg16[%dma_start3A_171] : memref<32768xi32, #tpu.memory_space<vmem_shared>> -> memref<32768xi32, #tpu.memory_space<vmem_shared>>
    tpu.enqueue_indirect_dma source(%dma_start3A_167 : memref<128xi32, #tpu.memory_space<vmem>>) target(%dma_start3A_172 : memref<32768xi32, #tpu.memory_space<vmem_shared>>) offsets(%dma_start3A_170 : memref<128xi32, #tpu.memory_space<vmem>>) semaphore(%arg20 : memref<!tpu.dma_semaphore, #tpu.memory_space<semaphore_mem>>)
    %dma_start3A_173 = arith.constant 11 : i32
    %dma_start3A_174 = arith.constant 11 : i32
    %dma_start3A_175 = arith.constant 0 : i32
    %dma_start3A_176 = tpu.memref_slice %arg13[%dma_start3A_173, %dma_start3A_175] : memref<16x128xi32, #tpu.memory_space<vmem>> -> memref<1x128xi32, #tpu.memory_space<vmem>>
    %dma_start3A_177 = tpu.memref_squeeze %dma_start3A_176 : memref<1x128xi32, #tpu.memory_space<vmem>> -> memref<128xi32, #tpu.memory_space<vmem>>
    %dma_start3A_178 = arith.constant 0 : i32
    %dma_start3A_179 = tpu.memref_slice %arg12[%dma_start3A_174, %dma_start3A_178] : memref<16x128xi32, #tpu.memory_space<vmem>> -> memref<1x128xi32, #tpu.memory_space<vmem>>
    %dma_start3A_180 = tpu.memref_squeeze %dma_start3A_179 : memref<1x128xi32, #tpu.memory_space<vmem>> -> memref<128xi32, #tpu.memory_space<vmem>>
    %dma_start3A_181 = arith.constant 0 : i32
    %dma_start3A_182 = tpu.memref_slice %arg16[%dma_start3A_181] : memref<32768xi32, #tpu.memory_space<vmem_shared>> -> memref<32768xi32, #tpu.memory_space<vmem_shared>>
    tpu.enqueue_indirect_dma source(%dma_start3A_177 : memref<128xi32, #tpu.memory_space<vmem>>) target(%dma_start3A_182 : memref<32768xi32, #tpu.memory_space<vmem_shared>>) offsets(%dma_start3A_180 : memref<128xi32, #tpu.memory_space<vmem>>) semaphore(%arg20 : memref<!tpu.dma_semaphore, #tpu.memory_space<semaphore_mem>>)
    %dma_start3A_183 = arith.constant 12 : i32
    %dma_start3A_184 = arith.constant 12 : i32
    %dma_start3A_185 = arith.constant 0 : i32
    %dma_start3A_186 = tpu.memref_slice %arg13[%dma_start3A_183, %dma_start3A_185] : memref<16x128xi32, #tpu.memory_space<vmem>> -> memref<1x128xi32, #tpu.memory_space<vmem>>
    %dma_start3A_187 = tpu.memref_squeeze %dma_start3A_186 : memref<1x128xi32, #tpu.memory_space<vmem>> -> memref<128xi32, #tpu.memory_space<vmem>>
    %dma_start3A_188 = arith.constant 0 : i32
    %dma_start3A_189 = tpu.memref_slice %arg12[%dma_start3A_184, %dma_start3A_188] : memref<16x128xi32, #tpu.memory_space<vmem>> -> memref<1x128xi32, #tpu.memory_space<vmem>>
    %dma_start3A_190 = tpu.memref_squeeze %dma_start3A_189 : memref<1x128xi32, #tpu.memory_space<vmem>> -> memref<128xi32, #tpu.memory_space<vmem>>
    %dma_start3A_191 = arith.constant 0 : i32
    %dma_start3A_192 = tpu.memref_slice %arg16[%dma_start3A_191] : memref<32768xi32, #tpu.memory_space<vmem_shared>> -> memref<32768xi32, #tpu.memory_space<vmem_shared>>
    tpu.enqueue_indirect_dma source(%dma_start3A_187 : memref<128xi32, #tpu.memory_space<vmem>>) target(%dma_start3A_192 : memref<32768xi32, #tpu.memory_space<vmem_shared>>) offsets(%dma_start3A_190 : memref<128xi32, #tpu.memory_space<vmem>>) semaphore(%arg20 : memref<!tpu.dma_semaphore, #tpu.memory_space<semaphore_mem>>)
    %dma_start3A_193 = arith.constant 13 : i32
    %dma_start3A_194 = arith.constant 13 : i32
    %dma_start3A_195 = arith.constant 0 : i32
    %dma_start3A_196 = tpu.memref_slice %arg13[%dma_start3A_193, %dma_start3A_195] : memref<16x128xi32, #tpu.memory_space<vmem>> -> memref<1x128xi32, #tpu.memory_space<vmem>>
    %dma_start3A_197 = tpu.memref_squeeze %dma_start3A_196 : memref<1x128xi32, #tpu.memory_space<vmem>> -> memref<128xi32, #tpu.memory_space<vmem>>
    %dma_start3A_198 = arith.constant 0 : i32
    %dma_start3A_199 = tpu.memref_slice %arg12[%dma_start3A_194, %dma_start3A_198] : memref<16x128xi32, #tpu.memory_space<vmem>> -> memref<1x128xi32, #tpu.memory_space<vmem>>
    %dma_start3A_200 = tpu.memref_squeeze %dma_start3A_199 : memref<1x128xi32, #tpu.memory_space<vmem>> -> memref<128xi32, #tpu.memory_space<vmem>>
    %dma_start3A_201 = arith.constant 0 : i32
    %dma_start3A_202 = tpu.memref_slice %arg16[%dma_start3A_201] : memref<32768xi32, #tpu.memory_space<vmem_shared>> -> memref<32768xi32, #tpu.memory_space<vmem_shared>>
    tpu.enqueue_indirect_dma source(%dma_start3A_197 : memref<128xi32, #tpu.memory_space<vmem>>) target(%dma_start3A_202 : memref<32768xi32, #tpu.memory_space<vmem_shared>>) offsets(%dma_start3A_200 : memref<128xi32, #tpu.memory_space<vmem>>) semaphore(%arg20 : memref<!tpu.dma_semaphore, #tpu.memory_space<semaphore_mem>>)
    %dma_start3A_203 = arith.constant 14 : i32
    %dma_start3A_204 = arith.constant 14 : i32
    %dma_start3A_205 = arith.constant 0 : i32
    %dma_start3A_206 = tpu.memref_slice %arg13[%dma_start3A_203, %dma_start3A_205] : memref<16x128xi32, #tpu.memory_space<vmem>> -> memref<1x128xi32, #tpu.memory_space<vmem>>
    %dma_start3A_207 = tpu.memref_squeeze %dma_start3A_206 : memref<1x128xi32, #tpu.memory_space<vmem>> -> memref<128xi32, #tpu.memory_space<vmem>>
    %dma_start3A_208 = arith.constant 0 : i32
    %dma_start3A_209 = tpu.memref_slice %arg12[%dma_start3A_204, %dma_start3A_208] : memref<16x128xi32, #tpu.memory_space<vmem>> -> memref<1x128xi32, #tpu.memory_space<vmem>>
    %dma_start3A_210 = tpu.memref_squeeze %dma_start3A_209 : memref<1x128xi32, #tpu.memory_space<vmem>> -> memref<128xi32, #tpu.memory_space<vmem>>
    %dma_start3A_211 = arith.constant 0 : i32
    %dma_start3A_212 = tpu.memref_slice %arg16[%dma_start3A_211] : memref<32768xi32, #tpu.memory_space<vmem_shared>> -> memref<32768xi32, #tpu.memory_space<vmem_shared>>
    tpu.enqueue_indirect_dma source(%dma_start3A_207 : memref<128xi32, #tpu.memory_space<vmem>>) target(%dma_start3A_212 : memref<32768xi32, #tpu.memory_space<vmem_shared>>) offsets(%dma_start3A_210 : memref<128xi32, #tpu.memory_space<vmem>>) semaphore(%arg20 : memref<!tpu.dma_semaphore, #tpu.memory_space<semaphore_mem>>)
    %dma_start3A_213 = arith.constant 15 : i32
    %dma_start3A_214 = arith.constant 15 : i32
    %dma_start3A_215 = arith.constant 0 : i32
    %dma_start3A_216 = tpu.memref_slice %arg13[%dma_start3A_213, %dma_start3A_215] : memref<16x128xi32, #tpu.memory_space<vmem>> -> memref<1x128xi32, #tpu.memory_space<vmem>>
    %dma_start3A_217 = tpu.memref_squeeze %dma_start3A_216 : memref<1x128xi32, #tpu.memory_space<vmem>> -> memref<128xi32, #tpu.memory_space<vmem>>
    %dma_start3A_218 = arith.constant 0 : i32
    %dma_start3A_219 = tpu.memref_slice %arg12[%dma_start3A_214, %dma_start3A_218] : memref<16x128xi32, #tpu.memory_space<vmem>> -> memref<1x128xi32, #tpu.memory_space<vmem>>
    %dma_start3A_220 = tpu.memref_squeeze %dma_start3A_219 : memref<1x128xi32, #tpu.memory_space<vmem>> -> memref<128xi32, #tpu.memory_space<vmem>>
    %dma_start3A_221 = arith.constant 0 : i32
    %dma_start3A_222 = tpu.memref_slice %arg16[%dma_start3A_221] : memref<32768xi32, #tpu.memory_space<vmem_shared>> -> memref<32768xi32, #tpu.memory_space<vmem_shared>>
    tpu.enqueue_indirect_dma source(%dma_start3A_217 : memref<128xi32, #tpu.memory_space<vmem>>) target(%dma_start3A_222 : memref<32768xi32, #tpu.memory_space<vmem_shared>>) offsets(%dma_start3A_220 : memref<128xi32, #tpu.memory_space<vmem>>) semaphore(%arg20 : memref<!tpu.dma_semaphore, #tpu.memory_space<semaphore_mem>>)
    %dma_wait3A_223 = arith.constant 0 : i32
    %dma_wait3A_224 = arith.constant 0 : i32
    %dma_wait3A_225 = arith.constant 0 : i32
    %dma_wait3A_226 = tpu.memref_slice %arg13[%dma_wait3A_223, %dma_wait3A_225] : memref<16x128xi32, #tpu.memory_space<vmem>> -> memref<1x128xi32, #tpu.memory_space<vmem>>
    %dma_wait3A_227 = tpu.memref_squeeze %dma_wait3A_226 : memref<1x128xi32, #tpu.memory_space<vmem>> -> memref<128xi32, #tpu.memory_space<vmem>>
    %dma_wait3A_228 = arith.constant 0 : i32
    %dma_wait3A_229 = tpu.memref_slice %arg12[%dma_wait3A_224, %dma_wait3A_228] : memref<16x128xi32, #tpu.memory_space<vmem>> -> memref<1x128xi32, #tpu.memory_space<vmem>>
    %dma_wait3A_230 = tpu.memref_squeeze %dma_wait3A_229 : memref<1x128xi32, #tpu.memory_space<vmem>> -> memref<128xi32, #tpu.memory_space<vmem>>
    %dma_wait3A_231 = arith.constant 0 : i32
    %dma_wait3A_232 = tpu.memref_slice %arg16[%dma_wait3A_231] : memref<32768xi32, #tpu.memory_space<vmem_shared>> -> memref<32768xi32, #tpu.memory_space<vmem_shared>>
    tpu.wait_indirect_dma semaphore(%arg20 : memref<!tpu.dma_semaphore, #tpu.memory_space<semaphore_mem>>) src(%dma_wait3A_227 : memref<128xi32, #tpu.memory_space<vmem>>) dst(%dma_wait3A_232 : memref<32768xi32, #tpu.memory_space<vmem_shared>>)
    %dma_wait3A_233 = arith.constant 1 : i32
    %dma_wait3A_234 = arith.constant 1 : i32
    %dma_wait3A_235 = arith.constant 0 : i32
    %dma_wait3A_236 = tpu.memref_slice %arg13[%dma_wait3A_233, %dma_wait3A_235] : memref<16x128xi32, #tpu.memory_space<vmem>> -> memref<1x128xi32, #tpu.memory_space<vmem>>
    %dma_wait3A_237 = tpu.memref_squeeze %dma_wait3A_236 : memref<1x128xi32, #tpu.memory_space<vmem>> -> memref<128xi32, #tpu.memory_space<vmem>>
    %dma_wait3A_238 = arith.constant 0 : i32
    %dma_wait3A_239 = tpu.memref_slice %arg12[%dma_wait3A_234, %dma_wait3A_238] : memref<16x128xi32, #tpu.memory_space<vmem>> -> memref<1x128xi32, #tpu.memory_space<vmem>>
    %dma_wait3A_240 = tpu.memref_squeeze %dma_wait3A_239 : memref<1x128xi32, #tpu.memory_space<vmem>> -> memref<128xi32, #tpu.memory_space<vmem>>
    %dma_wait3A_241 = arith.constant 0 : i32
    %dma_wait3A_242 = tpu.memref_slice %arg16[%dma_wait3A_241] : memref<32768xi32, #tpu.memory_space<vmem_shared>> -> memref<32768xi32, #tpu.memory_space<vmem_shared>>
    tpu.wait_indirect_dma semaphore(%arg20 : memref<!tpu.dma_semaphore, #tpu.memory_space<semaphore_mem>>) src(%dma_wait3A_237 : memref<128xi32, #tpu.memory_space<vmem>>) dst(%dma_wait3A_242 : memref<32768xi32, #tpu.memory_space<vmem_shared>>)
    %dma_wait3A_243 = arith.constant 2 : i32
    %dma_wait3A_244 = arith.constant 2 : i32
    %dma_wait3A_245 = arith.constant 0 : i32
    %dma_wait3A_246 = tpu.memref_slice %arg13[%dma_wait3A_243, %dma_wait3A_245] : memref<16x128xi32, #tpu.memory_space<vmem>> -> memref<1x128xi32, #tpu.memory_space<vmem>>
    %dma_wait3A_247 = tpu.memref_squeeze %dma_wait3A_246 : memref<1x128xi32, #tpu.memory_space<vmem>> -> memref<128xi32, #tpu.memory_space<vmem>>
    %dma_wait3A_248 = arith.constant 0 : i32
    %dma_wait3A_249 = tpu.memref_slice %arg12[%dma_wait3A_244, %dma_wait3A_248] : memref<16x128xi32, #tpu.memory_space<vmem>> -> memref<1x128xi32, #tpu.memory_space<vmem>>
    %dma_wait3A_250 = tpu.memref_squeeze %dma_wait3A_249 : memref<1x128xi32, #tpu.memory_space<vmem>> -> memref<128xi32, #tpu.memory_space<vmem>>
    %dma_wait3A_251 = arith.constant 0 : i32
    %dma_wait3A_252 = tpu.memref_slice %arg16[%dma_wait3A_251] : memref<32768xi32, #tpu.memory_space<vmem_shared>> -> memref<32768xi32, #tpu.memory_space<vmem_shared>>
    tpu.wait_indirect_dma semaphore(%arg20 : memref<!tpu.dma_semaphore, #tpu.memory_space<semaphore_mem>>) src(%dma_wait3A_247 : memref<128xi32, #tpu.memory_space<vmem>>) dst(%dma_wait3A_252 : memref<32768xi32, #tpu.memory_space<vmem_shared>>)
    %dma_wait3A_253 = arith.constant 3 : i32
    %dma_wait3A_254 = arith.constant 3 : i32
    %dma_wait3A_255 = arith.constant 0 : i32
    %dma_wait3A_256 = tpu.memref_slice %arg13[%dma_wait3A_253, %dma_wait3A_255] : memref<16x128xi32, #tpu.memory_space<vmem>> -> memref<1x128xi32, #tpu.memory_space<vmem>>
    %dma_wait3A_257 = tpu.memref_squeeze %dma_wait3A_256 : memref<1x128xi32, #tpu.memory_space<vmem>> -> memref<128xi32, #tpu.memory_space<vmem>>
    %dma_wait3A_258 = arith.constant 0 : i32
    %dma_wait3A_259 = tpu.memref_slice %arg12[%dma_wait3A_254, %dma_wait3A_258] : memref<16x128xi32, #tpu.memory_space<vmem>> -> memref<1x128xi32, #tpu.memory_space<vmem>>
    %dma_wait3A_260 = tpu.memref_squeeze %dma_wait3A_259 : memref<1x128xi32, #tpu.memory_space<vmem>> -> memref<128xi32, #tpu.memory_space<vmem>>
    %dma_wait3A_261 = arith.constant 0 : i32
    %dma_wait3A_262 = tpu.memref_slice %arg16[%dma_wait3A_261] : memref<32768xi32, #tpu.memory_space<vmem_shared>> -> memref<32768xi32, #tpu.memory_space<vmem_shared>>
    tpu.wait_indirect_dma semaphore(%arg20 : memref<!tpu.dma_semaphore, #tpu.memory_space<semaphore_mem>>) src(%dma_wait3A_257 : memref<128xi32, #tpu.memory_space<vmem>>) dst(%dma_wait3A_262 : memref<32768xi32, #tpu.memory_space<vmem_shared>>)
    %dma_wait3A_263 = arith.constant 4 : i32
    %dma_wait3A_264 = arith.constant 4 : i32
    %dma_wait3A_265 = arith.constant 0 : i32
    %dma_wait3A_266 = tpu.memref_slice %arg13[%dma_wait3A_263, %dma_wait3A_265] : memref<16x128xi32, #tpu.memory_space<vmem>> -> memref<1x128xi32, #tpu.memory_space<vmem>>
    %dma_wait3A_267 = tpu.memref_squeeze %dma_wait3A_266 : memref<1x128xi32, #tpu.memory_space<vmem>> -> memref<128xi32, #tpu.memory_space<vmem>>
    %dma_wait3A_268 = arith.constant 0 : i32
    %dma_wait3A_269 = tpu.memref_slice %arg12[%dma_wait3A_264, %dma_wait3A_268] : memref<16x128xi32, #tpu.memory_space<vmem>> -> memref<1x128xi32, #tpu.memory_space<vmem>>
    %dma_wait3A_270 = tpu.memref_squeeze %dma_wait3A_269 : memref<1x128xi32, #tpu.memory_space<vmem>> -> memref<128xi32, #tpu.memory_space<vmem>>
    %dma_wait3A_271 = arith.constant 0 : i32
    %dma_wait3A_272 = tpu.memref_slice %arg16[%dma_wait3A_271] : memref<32768xi32, #tpu.memory_space<vmem_shared>> -> memref<32768xi32, #tpu.memory_space<vmem_shared>>
    tpu.wait_indirect_dma semaphore(%arg20 : memref<!tpu.dma_semaphore, #tpu.memory_space<semaphore_mem>>) src(%dma_wait3A_267 : memref<128xi32, #tpu.memory_space<vmem>>) dst(%dma_wait3A_272 : memref<32768xi32, #tpu.memory_space<vmem_shared>>)
    %dma_wait3A_273 = arith.constant 5 : i32
    %dma_wait3A_274 = arith.constant 5 : i32
    %dma_wait3A_275 = arith.constant 0 : i32
    %dma_wait3A_276 = tpu.memref_slice %arg13[%dma_wait3A_273, %dma_wait3A_275] : memref<16x128xi32, #tpu.memory_space<vmem>> -> memref<1x128xi32, #tpu.memory_space<vmem>>
    %dma_wait3A_277 = tpu.memref_squeeze %dma_wait3A_276 : memref<1x128xi32, #tpu.memory_space<vmem>> -> memref<128xi32, #tpu.memory_space<vmem>>
    %dma_wait3A_278 = arith.constant 0 : i32
    %dma_wait3A_279 = tpu.memref_slice %arg12[%dma_wait3A_274, %dma_wait3A_278] : memref<16x128xi32, #tpu.memory_space<vmem>> -> memref<1x128xi32, #tpu.memory_space<vmem>>
    %dma_wait3A_280 = tpu.memref_squeeze %dma_wait3A_279 : memref<1x128xi32, #tpu.memory_space<vmem>> -> memref<128xi32, #tpu.memory_space<vmem>>
    %dma_wait3A_281 = arith.constant 0 : i32
    %dma_wait3A_282 = tpu.memref_slice %arg16[%dma_wait3A_281] : memref<32768xi32, #tpu.memory_space<vmem_shared>> -> memref<32768xi32, #tpu.memory_space<vmem_shared>>
    tpu.wait_indirect_dma semaphore(%arg20 : memref<!tpu.dma_semaphore, #tpu.memory_space<semaphore_mem>>) src(%dma_wait3A_277 : memref<128xi32, #tpu.memory_space<vmem>>) dst(%dma_wait3A_282 : memref<32768xi32, #tpu.memory_space<vmem_shared>>)
    %dma_wait3A_283 = arith.constant 6 : i32
    %dma_wait3A_284 = arith.constant 6 : i32
    %dma_wait3A_285 = arith.constant 0 : i32
    %dma_wait3A_286 = tpu.memref_slice %arg13[%dma_wait3A_283, %dma_wait3A_285] : memref<16x128xi32, #tpu.memory_space<vmem>> -> memref<1x128xi32, #tpu.memory_space<vmem>>
    %dma_wait3A_287 = tpu.memref_squeeze %dma_wait3A_286 : memref<1x128xi32, #tpu.memory_space<vmem>> -> memref<128xi32, #tpu.memory_space<vmem>>
    %dma_wait3A_288 = arith.constant 0 : i32
    %dma_wait3A_289 = tpu.memref_slice %arg12[%dma_wait3A_284, %dma_wait3A_288] : memref<16x128xi32, #tpu.memory_space<vmem>> -> memref<1x128xi32, #tpu.memory_space<vmem>>
    %dma_wait3A_290 = tpu.memref_squeeze %dma_wait3A_289 : memref<1x128xi32, #tpu.memory_space<vmem>> -> memref<128xi32, #tpu.memory_space<vmem>>
    %dma_wait3A_291 = arith.constant 0 : i32
    %dma_wait3A_292 = tpu.memref_slice %arg16[%dma_wait3A_291] : memref<32768xi32, #tpu.memory_space<vmem_shared>> -> memref<32768xi32, #tpu.memory_space<vmem_shared>>
    tpu.wait_indirect_dma semaphore(%arg20 : memref<!tpu.dma_semaphore, #tpu.memory_space<semaphore_mem>>) src(%dma_wait3A_287 : memref<128xi32, #tpu.memory_space<vmem>>) dst(%dma_wait3A_292 : memref<32768xi32, #tpu.memory_space<vmem_shared>>)
    %dma_wait3A_293 = arith.constant 7 : i32
    %dma_wait3A_294 = arith.constant 7 : i32
    %dma_wait3A_295 = arith.constant 0 : i32
    %dma_wait3A_296 = tpu.memref_slice %arg13[%dma_wait3A_293, %dma_wait3A_295] : memref<16x128xi32, #tpu.memory_space<vmem>> -> memref<1x128xi32, #tpu.memory_space<vmem>>
    %dma_wait3A_297 = tpu.memref_squeeze %dma_wait3A_296 : memref<1x128xi32, #tpu.memory_space<vmem>> -> memref<128xi32, #tpu.memory_space<vmem>>
    %dma_wait3A_298 = arith.constant 0 : i32
    %dma_wait3A_299 = tpu.memref_slice %arg12[%dma_wait3A_294, %dma_wait3A_298] : memref<16x128xi32, #tpu.memory_space<vmem>> -> memref<1x128xi32, #tpu.memory_space<vmem>>
    %dma_wait3A_300 = tpu.memref_squeeze %dma_wait3A_299 : memref<1x128xi32, #tpu.memory_space<vmem>> -> memref<128xi32, #tpu.memory_space<vmem>>
    %dma_wait3A_301 = arith.constant 0 : i32
    %dma_wait3A_302 = tpu.memref_slice %arg16[%dma_wait3A_301] : memref<32768xi32, #tpu.memory_space<vmem_shared>> -> memref<32768xi32, #tpu.memory_space<vmem_shared>>
    tpu.wait_indirect_dma semaphore(%arg20 : memref<!tpu.dma_semaphore, #tpu.memory_space<semaphore_mem>>) src(%dma_wait3A_297 : memref<128xi32, #tpu.memory_space<vmem>>) dst(%dma_wait3A_302 : memref<32768xi32, #tpu.memory_space<vmem_shared>>)
    %dma_wait3A_303 = arith.constant 8 : i32
    %dma_wait3A_304 = arith.constant 8 : i32
    %dma_wait3A_305 = arith.constant 0 : i32
    %dma_wait3A_306 = tpu.memref_slice %arg13[%dma_wait3A_303, %dma_wait3A_305] : memref<16x128xi32, #tpu.memory_space<vmem>> -> memref<1x128xi32, #tpu.memory_space<vmem>>
    %dma_wait3A_307 = tpu.memref_squeeze %dma_wait3A_306 : memref<1x128xi32, #tpu.memory_space<vmem>> -> memref<128xi32, #tpu.memory_space<vmem>>
    %dma_wait3A_308 = arith.constant 0 : i32
    %dma_wait3A_309 = tpu.memref_slice %arg12[%dma_wait3A_304, %dma_wait3A_308] : memref<16x128xi32, #tpu.memory_space<vmem>> -> memref<1x128xi32, #tpu.memory_space<vmem>>
    %dma_wait3A_310 = tpu.memref_squeeze %dma_wait3A_309 : memref<1x128xi32, #tpu.memory_space<vmem>> -> memref<128xi32, #tpu.memory_space<vmem>>
    %dma_wait3A_311 = arith.constant 0 : i32
    %dma_wait3A_312 = tpu.memref_slice %arg16[%dma_wait3A_311] : memref<32768xi32, #tpu.memory_space<vmem_shared>> -> memref<32768xi32, #tpu.memory_space<vmem_shared>>
    tpu.wait_indirect_dma semaphore(%arg20 : memref<!tpu.dma_semaphore, #tpu.memory_space<semaphore_mem>>) src(%dma_wait3A_307 : memref<128xi32, #tpu.memory_space<vmem>>) dst(%dma_wait3A_312 : memref<32768xi32, #tpu.memory_space<vmem_shared>>)
    %dma_wait3A_313 = arith.constant 9 : i32
    %dma_wait3A_314 = arith.constant 9 : i32
    %dma_wait3A_315 = arith.constant 0 : i32
    %dma_wait3A_316 = tpu.memref_slice %arg13[%dma_wait3A_313, %dma_wait3A_315] : memref<16x128xi32, #tpu.memory_space<vmem>> -> memref<1x128xi32, #tpu.memory_space<vmem>>
    %dma_wait3A_317 = tpu.memref_squeeze %dma_wait3A_316 : memref<1x128xi32, #tpu.memory_space<vmem>> -> memref<128xi32, #tpu.memory_space<vmem>>
    %dma_wait3A_318 = arith.constant 0 : i32
    %dma_wait3A_319 = tpu.memref_slice %arg12[%dma_wait3A_314, %dma_wait3A_318] : memref<16x128xi32, #tpu.memory_space<vmem>> -> memref<1x128xi32, #tpu.memory_space<vmem>>
    %dma_wait3A_320 = tpu.memref_squeeze %dma_wait3A_319 : memref<1x128xi32, #tpu.memory_space<vmem>> -> memref<128xi32, #tpu.memory_space<vmem>>
    %dma_wait3A_321 = arith.constant 0 : i32
    %dma_wait3A_322 = tpu.memref_slice %arg16[%dma_wait3A_321] : memref<32768xi32, #tpu.memory_space<vmem_shared>> -> memref<32768xi32, #tpu.memory_space<vmem_shared>>
    tpu.wait_indirect_dma semaphore(%arg20 : memref<!tpu.dma_semaphore, #tpu.memory_space<semaphore_mem>>) src(%dma_wait3A_317 : memref<128xi32, #tpu.memory_space<vmem>>) dst(%dma_wait3A_322 : memref<32768xi32, #tpu.memory_space<vmem_shared>>)
    %dma_wait3A_323 = arith.constant 10 : i32
    %dma_wait3A_324 = arith.constant 10 : i32
    %dma_wait3A_325 = arith.constant 0 : i32
    %dma_wait3A_326 = tpu.memref_slice %arg13[%dma_wait3A_323, %dma_wait3A_325] : memref<16x128xi32, #tpu.memory_space<vmem>> -> memref<1x128xi32, #tpu.memory_space<vmem>>
    %dma_wait3A_327 = tpu.memref_squeeze %dma_wait3A_326 : memref<1x128xi32, #tpu.memory_space<vmem>> -> memref<128xi32, #tpu.memory_space<vmem>>
    %dma_wait3A_328 = arith.constant 0 : i32
    %dma_wait3A_329 = tpu.memref_slice %arg12[%dma_wait3A_324, %dma_wait3A_328] : memref<16x128xi32, #tpu.memory_space<vmem>> -> memref<1x128xi32, #tpu.memory_space<vmem>>
    %dma_wait3A_330 = tpu.memref_squeeze %dma_wait3A_329 : memref<1x128xi32, #tpu.memory_space<vmem>> -> memref<128xi32, #tpu.memory_space<vmem>>
    %dma_wait3A_331 = arith.constant 0 : i32
    %dma_wait3A_332 = tpu.memref_slice %arg16[%dma_wait3A_331] : memref<32768xi32, #tpu.memory_space<vmem_shared>> -> memref<32768xi32, #tpu.memory_space<vmem_shared>>
    tpu.wait_indirect_dma semaphore(%arg20 : memref<!tpu.dma_semaphore, #tpu.memory_space<semaphore_mem>>) src(%dma_wait3A_327 : memref<128xi32, #tpu.memory_space<vmem>>) dst(%dma_wait3A_332 : memref<32768xi32, #tpu.memory_space<vmem_shared>>)
    %dma_wait3A_333 = arith.constant 11 : i32
    %dma_wait3A_334 = arith.constant 11 : i32
    %dma_wait3A_335 = arith.constant 0 : i32
    %dma_wait3A_336 = tpu.memref_slice %arg13[%dma_wait3A_333, %dma_wait3A_335] : memref<16x128xi32, #tpu.memory_space<vmem>> -> memref<1x128xi32, #tpu.memory_space<vmem>>
    %dma_wait3A_337 = tpu.memref_squeeze %dma_wait3A_336 : memref<1x128xi32, #tpu.memory_space<vmem>> -> memref<128xi32, #tpu.memory_space<vmem>>
    %dma_wait3A_338 = arith.constant 0 : i32
    %dma_wait3A_339 = tpu.memref_slice %arg12[%dma_wait3A_334, %dma_wait3A_338] : memref<16x128xi32, #tpu.memory_space<vmem>> -> memref<1x128xi32, #tpu.memory_space<vmem>>
    %dma_wait3A_340 = tpu.memref_squeeze %dma_wait3A_339 : memref<1x128xi32, #tpu.memory_space<vmem>> -> memref<128xi32, #tpu.memory_space<vmem>>
    %dma_wait3A_341 = arith.constant 0 : i32
    %dma_wait3A_342 = tpu.memref_slice %arg16[%dma_wait3A_341] : memref<32768xi32, #tpu.memory_space<vmem_shared>> -> memref<32768xi32, #tpu.memory_space<vmem_shared>>
    tpu.wait_indirect_dma semaphore(%arg20 : memref<!tpu.dma_semaphore, #tpu.memory_space<semaphore_mem>>) src(%dma_wait3A_337 : memref<128xi32, #tpu.memory_space<vmem>>) dst(%dma_wait3A_342 : memref<32768xi32, #tpu.memory_space<vmem_shared>>)
    %dma_wait3A_343 = arith.constant 12 : i32
    %dma_wait3A_344 = arith.constant 12 : i32
    %dma_wait3A_345 = arith.constant 0 : i32
    %dma_wait3A_346 = tpu.memref_slice %arg13[%dma_wait3A_343, %dma_wait3A_345] : memref<16x128xi32, #tpu.memory_space<vmem>> -> memref<1x128xi32, #tpu.memory_space<vmem>>
    %dma_wait3A_347 = tpu.memref_squeeze %dma_wait3A_346 : memref<1x128xi32, #tpu.memory_space<vmem>> -> memref<128xi32, #tpu.memory_space<vmem>>
    %dma_wait3A_348 = arith.constant 0 : i32
    %dma_wait3A_349 = tpu.memref_slice %arg12[%dma_wait3A_344, %dma_wait3A_348] : memref<16x128xi32, #tpu.memory_space<vmem>> -> memref<1x128xi32, #tpu.memory_space<vmem>>
    %dma_wait3A_350 = tpu.memref_squeeze %dma_wait3A_349 : memref<1x128xi32, #tpu.memory_space<vmem>> -> memref<128xi32, #tpu.memory_space<vmem>>
    %dma_wait3A_351 = arith.constant 0 : i32
    %dma_wait3A_352 = tpu.memref_slice %arg16[%dma_wait3A_351] : memref<32768xi32, #tpu.memory_space<vmem_shared>> -> memref<32768xi32, #tpu.memory_space<vmem_shared>>
    tpu.wait_indirect_dma semaphore(%arg20 : memref<!tpu.dma_semaphore, #tpu.memory_space<semaphore_mem>>) src(%dma_wait3A_347 : memref<128xi32, #tpu.memory_space<vmem>>) dst(%dma_wait3A_352 : memref<32768xi32, #tpu.memory_space<vmem_shared>>)
    %dma_wait3A_353 = arith.constant 13 : i32
    %dma_wait3A_354 = arith.constant 13 : i32
    %dma_wait3A_355 = arith.constant 0 : i32
    %dma_wait3A_356 = tpu.memref_slice %arg13[%dma_wait3A_353, %dma_wait3A_355] : memref<16x128xi32, #tpu.memory_space<vmem>> -> memref<1x128xi32, #tpu.memory_space<vmem>>
    %dma_wait3A_357 = tpu.memref_squeeze %dma_wait3A_356 : memref<1x128xi32, #tpu.memory_space<vmem>> -> memref<128xi32, #tpu.memory_space<vmem>>
    %dma_wait3A_358 = arith.constant 0 : i32
    %dma_wait3A_359 = tpu.memref_slice %arg12[%dma_wait3A_354, %dma_wait3A_358] : memref<16x128xi32, #tpu.memory_space<vmem>> -> memref<1x128xi32, #tpu.memory_space<vmem>>
    %dma_wait3A_360 = tpu.memref_squeeze %dma_wait3A_359 : memref<1x128xi32, #tpu.memory_space<vmem>> -> memref<128xi32, #tpu.memory_space<vmem>>
    %dma_wait3A_361 = arith.constant 0 : i32
    %dma_wait3A_362 = tpu.memref_slice %arg16[%dma_wait3A_361] : memref<32768xi32, #tpu.memory_space<vmem_shared>> -> memref<32768xi32, #tpu.memory_space<vmem_shared>>
    tpu.wait_indirect_dma semaphore(%arg20 : memref<!tpu.dma_semaphore, #tpu.memory_space<semaphore_mem>>) src(%dma_wait3A_357 : memref<128xi32, #tpu.memory_space<vmem>>) dst(%dma_wait3A_362 : memref<32768xi32, #tpu.memory_space<vmem_shared>>)
    %dma_wait3A_363 = arith.constant 14 : i32
    %dma_wait3A_364 = arith.constant 14 : i32
    %dma_wait3A_365 = arith.constant 0 : i32
    %dma_wait3A_366 = tpu.memref_slice %arg13[%dma_wait3A_363, %dma_wait3A_365] : memref<16x128xi32, #tpu.memory_space<vmem>> -> memref<1x128xi32, #tpu.memory_space<vmem>>
    %dma_wait3A_367 = tpu.memref_squeeze %dma_wait3A_366 : memref<1x128xi32, #tpu.memory_space<vmem>> -> memref<128xi32, #tpu.memory_space<vmem>>
    %dma_wait3A_368 = arith.constant 0 : i32
    %dma_wait3A_369 = tpu.memref_slice %arg12[%dma_wait3A_364, %dma_wait3A_368] : memref<16x128xi32, #tpu.memory_space<vmem>> -> memref<1x128xi32, #tpu.memory_space<vmem>>
    %dma_wait3A_370 = tpu.memref_squeeze %dma_wait3A_369 : memref<1x128xi32, #tpu.memory_space<vmem>> -> memref<128xi32, #tpu.memory_space<vmem>>
    %dma_wait3A_371 = arith.constant 0 : i32
    %dma_wait3A_372 = tpu.memref_slice %arg16[%dma_wait3A_371] : memref<32768xi32, #tpu.memory_space<vmem_shared>> -> memref<32768xi32, #tpu.memory_space<vmem_shared>>
    tpu.wait_indirect_dma semaphore(%arg20 : memref<!tpu.dma_semaphore, #tpu.memory_space<semaphore_mem>>) src(%dma_wait3A_367 : memref<128xi32, #tpu.memory_space<vmem>>) dst(%dma_wait3A_372 : memref<32768xi32, #tpu.memory_space<vmem_shared>>)
    %dma_wait3A_373 = arith.constant 15 : i32
    %dma_wait3A_374 = arith.constant 15 : i32
    %dma_wait3A_375 = arith.constant 0 : i32
    %dma_wait3A_376 = tpu.memref_slice %arg13[%dma_wait3A_373, %dma_wait3A_375] : memref<16x128xi32, #tpu.memory_space<vmem>> -> memref<1x128xi32, #tpu.memory_space<vmem>>
    %dma_wait3A_377 = tpu.memref_squeeze %dma_wait3A_376 : memref<1x128xi32, #tpu.memory_space<vmem>> -> memref<128xi32, #tpu.memory_space<vmem>>
    %dma_wait3A_378 = arith.constant 0 : i32
    %dma_wait3A_379 = tpu.memref_slice %arg12[%dma_wait3A_374, %dma_wait3A_378] : memref<16x128xi32, #tpu.memory_space<vmem>> -> memref<1x128xi32, #tpu.memory_space<vmem>>
    %dma_wait3A_380 = tpu.memref_squeeze %dma_wait3A_379 : memref<1x128xi32, #tpu.memory_space<vmem>> -> memref<128xi32, #tpu.memory_space<vmem>>
    %dma_wait3A_381 = arith.constant 0 : i32
    %dma_wait3A_382 = tpu.memref_slice %arg16[%dma_wait3A_381] : memref<32768xi32, #tpu.memory_space<vmem_shared>> -> memref<32768xi32, #tpu.memory_space<vmem_shared>>
    tpu.wait_indirect_dma semaphore(%arg20 : memref<!tpu.dma_semaphore, #tpu.memory_space<semaphore_mem>>) src(%dma_wait3A_377 : memref<128xi32, #tpu.memory_space<vmem>>) dst(%dma_wait3A_382 : memref<32768xi32, #tpu.memory_space<vmem_shared>>)
    %barrier3A = arith.constant 0 : index
    tpu.barrier barrier_id(%barrier3A)
    %mul3A_383 = arith.constant 16384 : i32
    %mul3A_384 = arith.muli %arg0, %mul3A_383 : i32
    %mul3A_385 = arith.constant 1024 : i32
    %mul3A_386 = arith.muli %arg1, %mul3A_385 : i32
    %add3A_387 = arith.addi %mul3A_384, %mul3A_386 : i32
    "tpu.region"() ({
      %run_scoped3A = tpu.sem_alloc : memref<!tpu.dma_semaphore, #tpu.memory_space<semaphore_mem>>
      %dma_start3A_1432 = tpu.memref_slice %arg16[%add3A_387] : memref<32768xi32, #tpu.memory_space<vmem_shared>> -> memref<1024xi32, #tpu.memory_space<vmem_shared>>
      %dma_start3A_1433 = tpu.memref_slice %arg16[%add3A_387] : memref<32768xi32, #tpu.memory_space<vmem_shared>> -> memref<1024xi32, #tpu.memory_space<vmem_shared>>
      tpu.enqueue_dma source(%dma_start3A_1433 : memref<1024xi32, #tpu.memory_space<vmem_shared>>) target(%arg14 : memref<1024xi32, #tpu.memory_space<vmem>>) target_semaphore(%run_scoped3A : memref<!tpu.dma_semaphore, #tpu.memory_space<semaphore_mem>>)
      %dma_wait3A_1434 = tpu.memref_slice %arg16[%add3A_387] : memref<32768xi32, #tpu.memory_space<vmem_shared>> -> memref<1024xi32, #tpu.memory_space<vmem_shared>>
      %dma_wait3A_1435 = tpu.memref_slice %arg16[%add3A_387] : memref<32768xi32, #tpu.memory_space<vmem_shared>> -> memref<1024xi32, #tpu.memory_space<vmem_shared>>
      tpu.wait_dma2 semaphore(%run_scoped3A : memref<!tpu.dma_semaphore, #tpu.memory_space<semaphore_mem>>) src(%dma_wait3A_1435 : memref<1024xi32, #tpu.memory_space<vmem_shared>>) dst(%arg14 : memref<1024xi32, #tpu.memory_space<vmem>>)
      tpu.yield
    }) : () -> ()
    %get3A = arith.constant 0 : index
    %get3A_388 = tpu.vector_load %arg14[%get3A] {strides = array<i32>} : memref<1024xi32, #tpu.memory_space<vmem>>, vector<16xi32>,
    %get3A_389 = vector.shape_cast %get3A_388 : vector<16xi32> to vector<16xi32>
    %lt3A = arith.constant 2048 : i32
    %lt3A_390 = vector.broadcast %lt3A : i32 to vector<16xi32>
    %lt3A_391 = arith.cmpi slt, %get3A_389, %lt3A_390 : vector<16xi32>
    %jit3A = arith.constant 0.000000e+00 : f32
    %jit3A_392 = arith.constant 1.000000e+00 : f32
    %broadcast_in_dim3A = vector.broadcast %jit3A : f32 to vector<16xf32>
    %broadcast_in_dim3A_393 = vector.broadcast %jit3A_392 : f32 to vector<16xf32>
    %select_n3A = arith.select %lt3A_391, %broadcast_in_dim3A, %broadcast_in_dim3A_393 : vector<16xi1>, vector<16xf32>
    %swap3A = arith.constant 0 : index
    %swap3A_394 = tpu.vector_load %arg15[%swap3A] {strides = array<i32>} : memref<1024xf32, #tpu.memory_space<vmem>>, vector<16xf32>,
    %swap3A_395 = vector.shape_cast %swap3A_394 : vector<16xf32> to vector<16xf32>
    %swap3A_396 = vector.shape_cast %select_n3A : vector<16xf32> to vector<16xf32>
    tpu.vector_store %arg15[%swap3A], %swap3A_396 {strides = array<i32>} : memref<1024xf32, #tpu.memory_space<vmem>>, vector<16xf32>,
    %get3A_397 = arith.constant 16 : index
    %get3A_398 = tpu.vector_load %arg14[%get3A_397] {strides = array<i32>} : memref<1024xi32, #tpu.memory_space<vmem>>, vector<16xi32>,
    %get3A_399 = vector.shape_cast %get3A_398 : vector<16xi32> to vector<16xi32>
    %lt3A_400 = arith.constant 2048 : i32
    %lt3A_401 = vector.broadcast %lt3A_400 : i32 to vector<16xi32>
    %lt3A_402 = arith.cmpi slt, %get3A_399, %lt3A_401 : vector<16xi32>
    %jit3A_403 = arith.constant 0.000000e+00 : f32
    %jit3A_404 = arith.constant 1.000000e+00 : f32
    %broadcast_in_dim3A_405 = vector.broadcast %jit3A_403 : f32 to vector<16xf32>
    %broadcast_in_dim3A_406 = vector.broadcast %jit3A_404 : f32 to vector<16xf32>
    %select_n3A_407 = arith.select %lt3A_402, %broadcast_in_dim3A_405, %broadcast_in_dim3A_406 : vector<16xi1>, vector<16xf32>
    %swap3A_408 = arith.constant 16 : index
    %swap3A_409 = tpu.vector_load %arg15[%swap3A_408] {strides = array<i32>} : memref<1024xf32, #tpu.memory_space<vmem>>, vector<16xf32>,
    %swap3A_410 = vector.shape_cast %swap3A_409 : vector<16xf32> to vector<16xf32>
    %swap3A_411 = vector.shape_cast %select_n3A_407 : vector<16xf32> to vector<16xf32>
    tpu.vector_store %arg15[%swap3A_408], %swap3A_411 {strides = array<i32>} : memref<1024xf32, #tpu.memory_space<vmem>>, vector<16xf32>,
    %get3A_412 = arith.constant 32 : index
    %get3A_413 = tpu.vector_load %arg14[%get3A_412] {strides = array<i32>} : memref<1024xi32, #tpu.memory_space<vmem>>, vector<16xi32>,
    %get3A_414 = vector.shape_cast %get3A_413 : vector<16xi32> to vector<16xi32>
    %lt3A_415 = arith.constant 2048 : i32
    %lt3A_416 = vector.broadcast %lt3A_415 : i32 to vector<16xi32>
    %lt3A_417 = arith.cmpi slt, %get3A_414, %lt3A_416 : vector<16xi32>
    %jit3A_418 = arith.constant 0.000000e+00 : f32
    %jit3A_419 = arith.constant 1.000000e+00 : f32
    %broadcast_in_dim3A_420 = vector.broadcast %jit3A_418 : f32 to vector<16xf32>
    %broadcast_in_dim3A_421 = vector.broadcast %jit3A_419 : f32 to vector<16xf32>
    %select_n3A_422 = arith.select %lt3A_417, %broadcast_in_dim3A_420, %broadcast_in_dim3A_421 : vector<16xi1>, vector<16xf32>
    %swap3A_423 = arith.constant 32 : index
    %swap3A_424 = tpu.vector_load %arg15[%swap3A_423] {strides = array<i32>} : memref<1024xf32, #tpu.memory_space<vmem>>, vector<16xf32>,
    %swap3A_425 = vector.shape_cast %swap3A_424 : vector<16xf32> to vector<16xf32>
    %swap3A_426 = vector.shape_cast %select_n3A_422 : vector<16xf32> to vector<16xf32>
    tpu.vector_store %arg15[%swap3A_423], %swap3A_426 {strides = array<i32>} : memref<1024xf32, #tpu.memory_space<vmem>>, vector<16xf32>,
    %get3A_427 = arith.constant 48 : index
    %get3A_428 = tpu.vector_load %arg14[%get3A_427] {strides = array<i32>} : memref<1024xi32, #tpu.memory_space<vmem>>, vector<16xi32>,
    %get3A_429 = vector.shape_cast %get3A_428 : vector<16xi32> to vector<16xi32>
    %lt3A_430 = arith.constant 2048 : i32
    %lt3A_431 = vector.broadcast %lt3A_430 : i32 to vector<16xi32>
    %lt3A_432 = arith.cmpi slt, %get3A_429, %lt3A_431 : vector<16xi32>
    %jit3A_433 = arith.constant 0.000000e+00 : f32
    %jit3A_434 = arith.constant 1.000000e+00 : f32
    %broadcast_in_dim3A_435 = vector.broadcast %jit3A_433 : f32 to vector<16xf32>
    %broadcast_in_dim3A_436 = vector.broadcast %jit3A_434 : f32 to vector<16xf32>
    %select_n3A_437 = arith.select %lt3A_432, %broadcast_in_dim3A_435, %broadcast_in_dim3A_436 : vector<16xi1>, vector<16xf32>
    %swap3A_438 = arith.constant 48 : index
    %swap3A_439 = tpu.vector_load %arg15[%swap3A_438] {strides = array<i32>} : memref<1024xf32, #tpu.memory_space<vmem>>, vector<16xf32>,
    %swap3A_440 = vector.shape_cast %swap3A_439 : vector<16xf32> to vector<16xf32>
    %swap3A_441 = vector.shape_cast %select_n3A_437 : vector<16xf32> to vector<16xf32>
    tpu.vector_store %arg15[%swap3A_438], %swap3A_441 {strides = array<i32>} : memref<1024xf32, #tpu.memory_space<vmem>>, vector<16xf32>,
    %get3A_442 = arith.constant 64 : index
    %get3A_443 = tpu.vector_load %arg14[%get3A_442] {strides = array<i32>} : memref<1024xi32, #tpu.memory_space<vmem>>, vector<16xi32>,
    %get3A_444 = vector.shape_cast %get3A_443 : vector<16xi32> to vector<16xi32>
    %lt3A_445 = arith.constant 2048 : i32
    %lt3A_446 = vector.broadcast %lt3A_445 : i32 to vector<16xi32>
    %lt3A_447 = arith.cmpi slt, %get3A_444, %lt3A_446 : vector<16xi32>
    %jit3A_448 = arith.constant 0.000000e+00 : f32
    %jit3A_449 = arith.constant 1.000000e+00 : f32
    %broadcast_in_dim3A_450 = vector.broadcast %jit3A_448 : f32 to vector<16xf32>
    %broadcast_in_dim3A_451 = vector.broadcast %jit3A_449 : f32 to vector<16xf32>
    %select_n3A_452 = arith.select %lt3A_447, %broadcast_in_dim3A_450, %broadcast_in_dim3A_451 : vector<16xi1>, vector<16xf32>
    %swap3A_453 = arith.constant 64 : index
    %swap3A_454 = tpu.vector_load %arg15[%swap3A_453] {strides = array<i32>} : memref<1024xf32, #tpu.memory_space<vmem>>, vector<16xf32>,
    %swap3A_455 = vector.shape_cast %swap3A_454 : vector<16xf32> to vector<16xf32>
    %swap3A_456 = vector.shape_cast %select_n3A_452 : vector<16xf32> to vector<16xf32>
    tpu.vector_store %arg15[%swap3A_453], %swap3A_456 {strides = array<i32>} : memref<1024xf32, #tpu.memory_space<vmem>>, vector<16xf32>,
    %get3A_457 = arith.constant 80 : index
    %get3A_458 = tpu.vector_load %arg14[%get3A_457] {strides = array<i32>} : memref<1024xi32, #tpu.memory_space<vmem>>, vector<16xi32>,
    %get3A_459 = vector.shape_cast %get3A_458 : vector<16xi32> to vector<16xi32>
    %lt3A_460 = arith.constant 2048 : i32
    %lt3A_461 = vector.broadcast %lt3A_460 : i32 to vector<16xi32>
    %lt3A_462 = arith.cmpi slt, %get3A_459, %lt3A_461 : vector<16xi32>
    %jit3A_463 = arith.constant 0.000000e+00 : f32
    %jit3A_464 = arith.constant 1.000000e+00 : f32
    %broadcast_in_dim3A_465 = vector.broadcast %jit3A_463 : f32 to vector<16xf32>
    %broadcast_in_dim3A_466 = vector.broadcast %jit3A_464 : f32 to vector<16xf32>
    %select_n3A_467 = arith.select %lt3A_462, %broadcast_in_dim3A_465, %broadcast_in_dim3A_466 : vector<16xi1>, vector<16xf32>
    %swap3A_468 = arith.constant 80 : index
    %swap3A_469 = tpu.vector_load %arg15[%swap3A_468] {strides = array<i32>} : memref<1024xf32, #tpu.memory_space<vmem>>, vector<16xf32>,
    %swap3A_470 = vector.shape_cast %swap3A_469 : vector<16xf32> to vector<16xf32>
    %swap3A_471 = vector.shape_cast %select_n3A_467 : vector<16xf32> to vector<16xf32>
    tpu.vector_store %arg15[%swap3A_468], %swap3A_471 {strides = array<i32>} : memref<1024xf32, #tpu.memory_space<vmem>>, vector<16xf32>,
    %get3A_472 = arith.constant 96 : index
    %get3A_473 = tpu.vector_load %arg14[%get3A_472] {strides = array<i32>} : memref<1024xi32, #tpu.memory_space<vmem>>, vector<16xi32>,
    %get3A_474 = vector.shape_cast %get3A_473 : vector<16xi32> to vector<16xi32>
    %lt3A_475 = arith.constant 2048 : i32
    %lt3A_476 = vector.broadcast %lt3A_475 : i32 to vector<16xi32>
    %lt3A_477 = arith.cmpi slt, %get3A_474, %lt3A_476 : vector<16xi32>
    %jit3A_478 = arith.constant 0.000000e+00 : f32
    %jit3A_479 = arith.constant 1.000000e+00 : f32
    %broadcast_in_dim3A_480 = vector.broadcast %jit3A_478 : f32 to vector<16xf32>
    %broadcast_in_dim3A_481 = vector.broadcast %jit3A_479 : f32 to vector<16xf32>
    %select_n3A_482 = arith.select %lt3A_477, %broadcast_in_dim3A_480, %broadcast_in_dim3A_481 : vector<16xi1>, vector<16xf32>
    %swap3A_483 = arith.constant 96 : index
    %swap3A_484 = tpu.vector_load %arg15[%swap3A_483] {strides = array<i32>} : memref<1024xf32, #tpu.memory_space<vmem>>, vector<16xf32>,
    %swap3A_485 = vector.shape_cast %swap3A_484 : vector<16xf32> to vector<16xf32>
    %swap3A_486 = vector.shape_cast %select_n3A_482 : vector<16xf32> to vector<16xf32>
    tpu.vector_store %arg15[%swap3A_483], %swap3A_486 {strides = array<i32>} : memref<1024xf32, #tpu.memory_space<vmem>>, vector<16xf32>,
    %get3A_487 = arith.constant 112 : index
    %get3A_488 = tpu.vector_load %arg14[%get3A_487] {strides = array<i32>} : memref<1024xi32, #tpu.memory_space<vmem>>, vector<16xi32>,
    %get3A_489 = vector.shape_cast %get3A_488 : vector<16xi32> to vector<16xi32>
    %lt3A_490 = arith.constant 2048 : i32
    %lt3A_491 = vector.broadcast %lt3A_490 : i32 to vector<16xi32>
    %lt3A_492 = arith.cmpi slt, %get3A_489, %lt3A_491 : vector<16xi32>
    %jit3A_493 = arith.constant 0.000000e+00 : f32
    %jit3A_494 = arith.constant 1.000000e+00 : f32
    %broadcast_in_dim3A_495 = vector.broadcast %jit3A_493 : f32 to vector<16xf32>
    %broadcast_in_dim3A_496 = vector.broadcast %jit3A_494 : f32 to vector<16xf32>
    %select_n3A_497 = arith.select %lt3A_492, %broadcast_in_dim3A_495, %broadcast_in_dim3A_496 : vector<16xi1>, vector<16xf32>
    %swap3A_498 = arith.constant 112 : index
    %swap3A_499 = tpu.vector_load %arg15[%swap3A_498] {strides = array<i32>} : memref<1024xf32, #tpu.memory_space<vmem>>, vector<16xf32>,
    %swap3A_500 = vector.shape_cast %swap3A_499 : vector<16xf32> to vector<16xf32>
    %swap3A_501 = vector.shape_cast %select_n3A_497 : vector<16xf32> to vector<16xf32>
    tpu.vector_store %arg15[%swap3A_498], %swap3A_501 {strides = array<i32>} : memref<1024xf32, #tpu.memory_space<vmem>>, vector<16xf32>,
    %get3A_502 = arith.constant 128 : index
    %get3A_503 = tpu.vector_load %arg14[%get3A_502] {strides = array<i32>} : memref<1024xi32, #tpu.memory_space<vmem>>, vector<16xi32>,
    %get3A_504 = vector.shape_cast %get3A_503 : vector<16xi32> to vector<16xi32>
    %lt3A_505 = arith.constant 2048 : i32
    %lt3A_506 = vector.broadcast %lt3A_505 : i32 to vector<16xi32>
    %lt3A_507 = arith.cmpi slt, %get3A_504, %lt3A_506 : vector<16xi32>
    %jit3A_508 = arith.constant 0.000000e+00 : f32
    %jit3A_509 = arith.constant 1.000000e+00 : f32
    %broadcast_in_dim3A_510 = vector.broadcast %jit3A_508 : f32 to vector<16xf32>
    %broadcast_in_dim3A_511 = vector.broadcast %jit3A_509 : f32 to vector<16xf32>
    %select_n3A_512 = arith.select %lt3A_507, %broadcast_in_dim3A_510, %broadcast_in_dim3A_511 : vector<16xi1>, vector<16xf32>
    %swap3A_513 = arith.constant 128 : index
    %swap3A_514 = tpu.vector_load %arg15[%swap3A_513] {strides = array<i32>} : memref<1024xf32, #tpu.memory_space<vmem>>, vector<16xf32>,
    %swap3A_515 = vector.shape_cast %swap3A_514 : vector<16xf32> to vector<16xf32>
    %swap3A_516 = vector.shape_cast %select_n3A_512 : vector<16xf32> to vector<16xf32>
    tpu.vector_store %arg15[%swap3A_513], %swap3A_516 {strides = array<i32>} : memref<1024xf32, #tpu.memory_space<vmem>>, vector<16xf32>,
    %get3A_517 = arith.constant 144 : index
    %get3A_518 = tpu.vector_load %arg14[%get3A_517] {strides = array<i32>} : memref<1024xi32, #tpu.memory_space<vmem>>, vector<16xi32>,
    %get3A_519 = vector.shape_cast %get3A_518 : vector<16xi32> to vector<16xi32>
    %lt3A_520 = arith.constant 2048 : i32
    %lt3A_521 = vector.broadcast %lt3A_520 : i32 to vector<16xi32>
    %lt3A_522 = arith.cmpi slt, %get3A_519, %lt3A_521 : vector<16xi32>
    %jit3A_523 = arith.constant 0.000000e+00 : f32
    %jit3A_524 = arith.constant 1.000000e+00 : f32
    %broadcast_in_dim3A_525 = vector.broadcast %jit3A_523 : f32 to vector<16xf32>
    %broadcast_in_dim3A_526 = vector.broadcast %jit3A_524 : f32 to vector<16xf32>
    %select_n3A_527 = arith.select %lt3A_522, %broadcast_in_dim3A_525, %broadcast_in_dim3A_526 : vector<16xi1>, vector<16xf32>
    %swap3A_528 = arith.constant 144 : index
    %swap3A_529 = tpu.vector_load %arg15[%swap3A_528] {strides = array<i32>} : memref<1024xf32, #tpu.memory_space<vmem>>, vector<16xf32>,
    %swap3A_530 = vector.shape_cast %swap3A_529 : vector<16xf32> to vector<16xf32>
    %swap3A_531 = vector.shape_cast %select_n3A_527 : vector<16xf32> to vector<16xf32>
    tpu.vector_store %arg15[%swap3A_528], %swap3A_531 {strides = array<i32>} : memref<1024xf32, #tpu.memory_space<vmem>>, vector<16xf32>,
    %get3A_532 = arith.constant 160 : index
    %get3A_533 = tpu.vector_load %arg14[%get3A_532] {strides = array<i32>} : memref<1024xi32, #tpu.memory_space<vmem>>, vector<16xi32>,
    %get3A_534 = vector.shape_cast %get3A_533 : vector<16xi32> to vector<16xi32>
    %lt3A_535 = arith.constant 2048 : i32
    %lt3A_536 = vector.broadcast %lt3A_535 : i32 to vector<16xi32>
    %lt3A_537 = arith.cmpi slt, %get3A_534, %lt3A_536 : vector<16xi32>
    %jit3A_538 = arith.constant 0.000000e+00 : f32
    %jit3A_539 = arith.constant 1.000000e+00 : f32
    %broadcast_in_dim3A_540 = vector.broadcast %jit3A_538 : f32 to vector<16xf32>
    %broadcast_in_dim3A_541 = vector.broadcast %jit3A_539 : f32 to vector<16xf32>
    %select_n3A_542 = arith.select %lt3A_537, %broadcast_in_dim3A_540, %broadcast_in_dim3A_541 : vector<16xi1>, vector<16xf32>
    %swap3A_543 = arith.constant 160 : index
    %swap3A_544 = tpu.vector_load %arg15[%swap3A_543] {strides = array<i32>} : memref<1024xf32, #tpu.memory_space<vmem>>, vector<16xf32>,
    %swap3A_545 = vector.shape_cast %swap3A_544 : vector<16xf32> to vector<16xf32>
    %swap3A_546 = vector.shape_cast %select_n3A_542 : vector<16xf32> to vector<16xf32>
    tpu.vector_store %arg15[%swap3A_543], %swap3A_546 {strides = array<i32>} : memref<1024xf32, #tpu.memory_space<vmem>>, vector<16xf32>,
    %get3A_547 = arith.constant 176 : index
    %get3A_548 = tpu.vector_load %arg14[%get3A_547] {strides = array<i32>} : memref<1024xi32, #tpu.memory_space<vmem>>, vector<16xi32>,
    %get3A_549 = vector.shape_cast %get3A_548 : vector<16xi32> to vector<16xi32>
    %lt3A_550 = arith.constant 2048 : i32
    %lt3A_551 = vector.broadcast %lt3A_550 : i32 to vector<16xi32>
    %lt3A_552 = arith.cmpi slt, %get3A_549, %lt3A_551 : vector<16xi32>
    %jit3A_553 = arith.constant 0.000000e+00 : f32
    %jit3A_554 = arith.constant 1.000000e+00 : f32
    %broadcast_in_dim3A_555 = vector.broadcast %jit3A_553 : f32 to vector<16xf32>
    %broadcast_in_dim3A_556 = vector.broadcast %jit3A_554 : f32 to vector<16xf32>
    %select_n3A_557 = arith.select %lt3A_552, %broadcast_in_dim3A_555, %broadcast_in_dim3A_556 : vector<16xi1>, vector<16xf32>
    %swap3A_558 = arith.constant 176 : index
    %swap3A_559 = tpu.vector_load %arg15[%swap3A_558] {strides = array<i32>} : memref<1024xf32, #tpu.memory_space<vmem>>, vector<16xf32>,
    %swap3A_560 = vector.shape_cast %swap3A_559 : vector<16xf32> to vector<16xf32>
    %swap3A_561 = vector.shape_cast %select_n3A_557 : vector<16xf32> to vector<16xf32>
    tpu.vector_store %arg15[%swap3A_558], %swap3A_561 {strides = array<i32>} : memref<1024xf32, #tpu.memory_space<vmem>>, vector<16xf32>,
    %get3A_562 = arith.constant 192 : index
    %get3A_563 = tpu.vector_load %arg14[%get3A_562] {strides = array<i32>} : memref<1024xi32, #tpu.memory_space<vmem>>, vector<16xi32>,
    %get3A_564 = vector.shape_cast %get3A_563 : vector<16xi32> to vector<16xi32>
    %lt3A_565 = arith.constant 2048 : i32
    %lt3A_566 = vector.broadcast %lt3A_565 : i32 to vector<16xi32>
    %lt3A_567 = arith.cmpi slt, %get3A_564, %lt3A_566 : vector<16xi32>
    %jit3A_568 = arith.constant 0.000000e+00 : f32
    %jit3A_569 = arith.constant 1.000000e+00 : f32
    %broadcast_in_dim3A_570 = vector.broadcast %jit3A_568 : f32 to vector<16xf32>
    %broadcast_in_dim3A_571 = vector.broadcast %jit3A_569 : f32 to vector<16xf32>
    %select_n3A_572 = arith.select %lt3A_567, %broadcast_in_dim3A_570, %broadcast_in_dim3A_571 : vector<16xi1>, vector<16xf32>
    %swap3A_573 = arith.constant 192 : index
    %swap3A_574 = tpu.vector_load %arg15[%swap3A_573] {strides = array<i32>} : memref<1024xf32, #tpu.memory_space<vmem>>, vector<16xf32>,
    %swap3A_575 = vector.shape_cast %swap3A_574 : vector<16xf32> to vector<16xf32>
    %swap3A_576 = vector.shape_cast %select_n3A_572 : vector<16xf32> to vector<16xf32>
    tpu.vector_store %arg15[%swap3A_573], %swap3A_576 {strides = array<i32>} : memref<1024xf32, #tpu.memory_space<vmem>>, vector<16xf32>,
    %get3A_577 = arith.constant 208 : index
    %get3A_578 = tpu.vector_load %arg14[%get3A_577] {strides = array<i32>} : memref<1024xi32, #tpu.memory_space<vmem>>, vector<16xi32>,
    %get3A_579 = vector.shape_cast %get3A_578 : vector<16xi32> to vector<16xi32>
    %lt3A_580 = arith.constant 2048 : i32
    %lt3A_581 = vector.broadcast %lt3A_580 : i32 to vector<16xi32>
    %lt3A_582 = arith.cmpi slt, %get3A_579, %lt3A_581 : vector<16xi32>
    %jit3A_583 = arith.constant 0.000000e+00 : f32
    %jit3A_584 = arith.constant 1.000000e+00 : f32
    %broadcast_in_dim3A_585 = vector.broadcast %jit3A_583 : f32 to vector<16xf32>
    %broadcast_in_dim3A_586 = vector.broadcast %jit3A_584 : f32 to vector<16xf32>
    %select_n3A_587 = arith.select %lt3A_582, %broadcast_in_dim3A_585, %broadcast_in_dim3A_586 : vector<16xi1>, vector<16xf32>
    %swap3A_588 = arith.constant 208 : index
    %swap3A_589 = tpu.vector_load %arg15[%swap3A_588] {strides = array<i32>} : memref<1024xf32, #tpu.memory_space<vmem>>, vector<16xf32>,
    %swap3A_590 = vector.shape_cast %swap3A_589 : vector<16xf32> to vector<16xf32>
    %swap3A_591 = vector.shape_cast %select_n3A_587 : vector<16xf32> to vector<16xf32>
    tpu.vector_store %arg15[%swap3A_588], %swap3A_591 {strides = array<i32>} : memref<1024xf32, #tpu.memory_space<vmem>>, vector<16xf32>,
    %get3A_592 = arith.constant 224 : index
    %get3A_593 = tpu.vector_load %arg14[%get3A_592] {strides = array<i32>} : memref<1024xi32, #tpu.memory_space<vmem>>, vector<16xi32>,
    %get3A_594 = vector.shape_cast %get3A_593 : vector<16xi32> to vector<16xi32>
    %lt3A_595 = arith.constant 2048 : i32
    %lt3A_596 = vector.broadcast %lt3A_595 : i32 to vector<16xi32>
    %lt3A_597 = arith.cmpi slt, %get3A_594, %lt3A_596 : vector<16xi32>
    %jit3A_598 = arith.constant 0.000000e+00 : f32
    %jit3A_599 = arith.constant 1.000000e+00 : f32
    %broadcast_in_dim3A_600 = vector.broadcast %jit3A_598 : f32 to vector<16xf32>
    %broadcast_in_dim3A_601 = vector.broadcast %jit3A_599 : f32 to vector<16xf32>
    %select_n3A_602 = arith.select %lt3A_597, %broadcast_in_dim3A_600, %broadcast_in_dim3A_601 : vector<16xi1>, vector<16xf32>
    %swap3A_603 = arith.constant 224 : index
    %swap3A_604 = tpu.vector_load %arg15[%swap3A_603] {strides = array<i32>} : memref<1024xf32, #tpu.memory_space<vmem>>, vector<16xf32>,
    %swap3A_605 = vector.shape_cast %swap3A_604 : vector<16xf32> to vector<16xf32>
    %swap3A_606 = vector.shape_cast %select_n3A_602 : vector<16xf32> to vector<16xf32>
    tpu.vector_store %arg15[%swap3A_603], %swap3A_606 {strides = array<i32>} : memref<1024xf32, #tpu.memory_space<vmem>>, vector<16xf32>,
    %get3A_607 = arith.constant 240 : index
    %get3A_608 = tpu.vector_load %arg14[%get3A_607] {strides = array<i32>} : memref<1024xi32, #tpu.memory_space<vmem>>, vector<16xi32>,
    %get3A_609 = vector.shape_cast %get3A_608 : vector<16xi32> to vector<16xi32>
    %lt3A_610 = arith.constant 2048 : i32
    %lt3A_611 = vector.broadcast %lt3A_610 : i32 to vector<16xi32>
    %lt3A_612 = arith.cmpi slt, %get3A_609, %lt3A_611 : vector<16xi32>
    %jit3A_613 = arith.constant 0.000000e+00 : f32
    %jit3A_614 = arith.constant 1.000000e+00 : f32
    %broadcast_in_dim3A_615 = vector.broadcast %jit3A_613 : f32 to vector<16xf32>
    %broadcast_in_dim3A_616 = vector.broadcast %jit3A_614 : f32 to vector<16xf32>
    %select_n3A_617 = arith.select %lt3A_612, %broadcast_in_dim3A_615, %broadcast_in_dim3A_616 : vector<16xi1>, vector<16xf32>
    %swap3A_618 = arith.constant 240 : index
    %swap3A_619 = tpu.vector_load %arg15[%swap3A_618] {strides = array<i32>} : memref<1024xf32, #tpu.memory_space<vmem>>, vector<16xf32>,
    %swap3A_620 = vector.shape_cast %swap3A_619 : vector<16xf32> to vector<16xf32>
    %swap3A_621 = vector.shape_cast %select_n3A_617 : vector<16xf32> to vector<16xf32>
    tpu.vector_store %arg15[%swap3A_618], %swap3A_621 {strides = array<i32>} : memref<1024xf32, #tpu.memory_space<vmem>>, vector<16xf32>,
    %get3A_622 = arith.constant 256 : index
    %get3A_623 = tpu.vector_load %arg14[%get3A_622] {strides = array<i32>} : memref<1024xi32, #tpu.memory_space<vmem>>, vector<16xi32>,
    %get3A_624 = vector.shape_cast %get3A_623 : vector<16xi32> to vector<16xi32>
    %lt3A_625 = arith.constant 2048 : i32
    %lt3A_626 = vector.broadcast %lt3A_625 : i32 to vector<16xi32>
    %lt3A_627 = arith.cmpi slt, %get3A_624, %lt3A_626 : vector<16xi32>
    %jit3A_628 = arith.constant 0.000000e+00 : f32
    %jit3A_629 = arith.constant 1.000000e+00 : f32
    %broadcast_in_dim3A_630 = vector.broadcast %jit3A_628 : f32 to vector<16xf32>
    %broadcast_in_dim3A_631 = vector.broadcast %jit3A_629 : f32 to vector<16xf32>
    %select_n3A_632 = arith.select %lt3A_627, %broadcast_in_dim3A_630, %broadcast_in_dim3A_631 : vector<16xi1>, vector<16xf32>
    %swap3A_633 = arith.constant 256 : index
    %swap3A_634 = tpu.vector_load %arg15[%swap3A_633] {strides = array<i32>} : memref<1024xf32, #tpu.memory_space<vmem>>, vector<16xf32>,
    %swap3A_635 = vector.shape_cast %swap3A_634 : vector<16xf32> to vector<16xf32>
    %swap3A_636 = vector.shape_cast %select_n3A_632 : vector<16xf32> to vector<16xf32>
    tpu.vector_store %arg15[%swap3A_633], %swap3A_636 {strides = array<i32>} : memref<1024xf32, #tpu.memory_space<vmem>>, vector<16xf32>,
    %get3A_637 = arith.constant 272 : index
    %get3A_638 = tpu.vector_load %arg14[%get3A_637] {strides = array<i32>} : memref<1024xi32, #tpu.memory_space<vmem>>, vector<16xi32>,
    %get3A_639 = vector.shape_cast %get3A_638 : vector<16xi32> to vector<16xi32>
    %lt3A_640 = arith.constant 2048 : i32
    %lt3A_641 = vector.broadcast %lt3A_640 : i32 to vector<16xi32>
    %lt3A_642 = arith.cmpi slt, %get3A_639, %lt3A_641 : vector<16xi32>
    %jit3A_643 = arith.constant 0.000000e+00 : f32
    %jit3A_644 = arith.constant 1.000000e+00 : f32
    %broadcast_in_dim3A_645 = vector.broadcast %jit3A_643 : f32 to vector<16xf32>
    %broadcast_in_dim3A_646 = vector.broadcast %jit3A_644 : f32 to vector<16xf32>
    %select_n3A_647 = arith.select %lt3A_642, %broadcast_in_dim3A_645, %broadcast_in_dim3A_646 : vector<16xi1>, vector<16xf32>
    %swap3A_648 = arith.constant 272 : index
    %swap3A_649 = tpu.vector_load %arg15[%swap3A_648] {strides = array<i32>} : memref<1024xf32, #tpu.memory_space<vmem>>, vector<16xf32>,
    %swap3A_650 = vector.shape_cast %swap3A_649 : vector<16xf32> to vector<16xf32>
    %swap3A_651 = vector.shape_cast %select_n3A_647 : vector<16xf32> to vector<16xf32>
    tpu.vector_store %arg15[%swap3A_648], %swap3A_651 {strides = array<i32>} : memref<1024xf32, #tpu.memory_space<vmem>>, vector<16xf32>,
    %get3A_652 = arith.constant 288 : index
    %get3A_653 = tpu.vector_load %arg14[%get3A_652] {strides = array<i32>} : memref<1024xi32, #tpu.memory_space<vmem>>, vector<16xi32>,
    %get3A_654 = vector.shape_cast %get3A_653 : vector<16xi32> to vector<16xi32>
    %lt3A_655 = arith.constant 2048 : i32
    %lt3A_656 = vector.broadcast %lt3A_655 : i32 to vector<16xi32>
    %lt3A_657 = arith.cmpi slt, %get3A_654, %lt3A_656 : vector<16xi32>
    %jit3A_658 = arith.constant 0.000000e+00 : f32
    %jit3A_659 = arith.constant 1.000000e+00 : f32
    %broadcast_in_dim3A_660 = vector.broadcast %jit3A_658 : f32 to vector<16xf32>
    %broadcast_in_dim3A_661 = vector.broadcast %jit3A_659 : f32 to vector<16xf32>
    %select_n3A_662 = arith.select %lt3A_657, %broadcast_in_dim3A_660, %broadcast_in_dim3A_661 : vector<16xi1>, vector<16xf32>
    %swap3A_663 = arith.constant 288 : index
    %swap3A_664 = tpu.vector_load %arg15[%swap3A_663] {strides = array<i32>} : memref<1024xf32, #tpu.memory_space<vmem>>, vector<16xf32>,
    %swap3A_665 = vector.shape_cast %swap3A_664 : vector<16xf32> to vector<16xf32>
    %swap3A_666 = vector.shape_cast %select_n3A_662 : vector<16xf32> to vector<16xf32>
    tpu.vector_store %arg15[%swap3A_663], %swap3A_666 {strides = array<i32>} : memref<1024xf32, #tpu.memory_space<vmem>>, vector<16xf32>,
    %get3A_667 = arith.constant 304 : index
    %get3A_668 = tpu.vector_load %arg14[%get3A_667] {strides = array<i32>} : memref<1024xi32, #tpu.memory_space<vmem>>, vector<16xi32>,
    %get3A_669 = vector.shape_cast %get3A_668 : vector<16xi32> to vector<16xi32>
    %lt3A_670 = arith.constant 2048 : i32
    %lt3A_671 = vector.broadcast %lt3A_670 : i32 to vector<16xi32>
    %lt3A_672 = arith.cmpi slt, %get3A_669, %lt3A_671 : vector<16xi32>
    %jit3A_673 = arith.constant 0.000000e+00 : f32
    %jit3A_674 = arith.constant 1.000000e+00 : f32
    %broadcast_in_dim3A_675 = vector.broadcast %jit3A_673 : f32 to vector<16xf32>
    %broadcast_in_dim3A_676 = vector.broadcast %jit3A_674 : f32 to vector<16xf32>
    %select_n3A_677 = arith.select %lt3A_672, %broadcast_in_dim3A_675, %broadcast_in_dim3A_676 : vector<16xi1>, vector<16xf32>
    %swap3A_678 = arith.constant 304 : index
    %swap3A_679 = tpu.vector_load %arg15[%swap3A_678] {strides = array<i32>} : memref<1024xf32, #tpu.memory_space<vmem>>, vector<16xf32>,
    %swap3A_680 = vector.shape_cast %swap3A_679 : vector<16xf32> to vector<16xf32>
    %swap3A_681 = vector.shape_cast %select_n3A_677 : vector<16xf32> to vector<16xf32>
    tpu.vector_store %arg15[%swap3A_678], %swap3A_681 {strides = array<i32>} : memref<1024xf32, #tpu.memory_space<vmem>>, vector<16xf32>,
    %get3A_682 = arith.constant 320 : index
    %get3A_683 = tpu.vector_load %arg14[%get3A_682] {strides = array<i32>} : memref<1024xi32, #tpu.memory_space<vmem>>, vector<16xi32>,
    %get3A_684 = vector.shape_cast %get3A_683 : vector<16xi32> to vector<16xi32>
    %lt3A_685 = arith.constant 2048 : i32
    %lt3A_686 = vector.broadcast %lt3A_685 : i32 to vector<16xi32>
    %lt3A_687 = arith.cmpi slt, %get3A_684, %lt3A_686 : vector<16xi32>
    %jit3A_688 = arith.constant 0.000000e+00 : f32
    %jit3A_689 = arith.constant 1.000000e+00 : f32
    %broadcast_in_dim3A_690 = vector.broadcast %jit3A_688 : f32 to vector<16xf32>
    %broadcast_in_dim3A_691 = vector.broadcast %jit3A_689 : f32 to vector<16xf32>
    %select_n3A_692 = arith.select %lt3A_687, %broadcast_in_dim3A_690, %broadcast_in_dim3A_691 : vector<16xi1>, vector<16xf32>
    %swap3A_693 = arith.constant 320 : index
    %swap3A_694 = tpu.vector_load %arg15[%swap3A_693] {strides = array<i32>} : memref<1024xf32, #tpu.memory_space<vmem>>, vector<16xf32>,
    %swap3A_695 = vector.shape_cast %swap3A_694 : vector<16xf32> to vector<16xf32>
    %swap3A_696 = vector.shape_cast %select_n3A_692 : vector<16xf32> to vector<16xf32>
    tpu.vector_store %arg15[%swap3A_693], %swap3A_696 {strides = array<i32>} : memref<1024xf32, #tpu.memory_space<vmem>>, vector<16xf32>,
    %get3A_697 = arith.constant 336 : index
    %get3A_698 = tpu.vector_load %arg14[%get3A_697] {strides = array<i32>} : memref<1024xi32, #tpu.memory_space<vmem>>, vector<16xi32>,
    %get3A_699 = vector.shape_cast %get3A_698 : vector<16xi32> to vector<16xi32>
    %lt3A_700 = arith.constant 2048 : i32
    %lt3A_701 = vector.broadcast %lt3A_700 : i32 to vector<16xi32>
    %lt3A_702 = arith.cmpi slt, %get3A_699, %lt3A_701 : vector<16xi32>
    %jit3A_703 = arith.constant 0.000000e+00 : f32
    %jit3A_704 = arith.constant 1.000000e+00 : f32
    %broadcast_in_dim3A_705 = vector.broadcast %jit3A_703 : f32 to vector<16xf32>
    %broadcast_in_dim3A_706 = vector.broadcast %jit3A_704 : f32 to vector<16xf32>
    %select_n3A_707 = arith.select %lt3A_702, %broadcast_in_dim3A_705, %broadcast_in_dim3A_706 : vector<16xi1>, vector<16xf32>
    %swap3A_708 = arith.constant 336 : index
    %swap3A_709 = tpu.vector_load %arg15[%swap3A_708] {strides = array<i32>} : memref<1024xf32, #tpu.memory_space<vmem>>, vector<16xf32>,
    %swap3A_710 = vector.shape_cast %swap3A_709 : vector<16xf32> to vector<16xf32>
    %swap3A_711 = vector.shape_cast %select_n3A_707 : vector<16xf32> to vector<16xf32>
    tpu.vector_store %arg15[%swap3A_708], %swap3A_711 {strides = array<i32>} : memref<1024xf32, #tpu.memory_space<vmem>>, vector<16xf32>,
    %get3A_712 = arith.constant 352 : index
    %get3A_713 = tpu.vector_load %arg14[%get3A_712] {strides = array<i32>} : memref<1024xi32, #tpu.memory_space<vmem>>, vector<16xi32>,
    %get3A_714 = vector.shape_cast %get3A_713 : vector<16xi32> to vector<16xi32>
    %lt3A_715 = arith.constant 2048 : i32
    %lt3A_716 = vector.broadcast %lt3A_715 : i32 to vector<16xi32>
    %lt3A_717 = arith.cmpi slt, %get3A_714, %lt3A_716 : vector<16xi32>
    %jit3A_718 = arith.constant 0.000000e+00 : f32
    %jit3A_719 = arith.constant 1.000000e+00 : f32
    %broadcast_in_dim3A_720 = vector.broadcast %jit3A_718 : f32 to vector<16xf32>
    %broadcast_in_dim3A_721 = vector.broadcast %jit3A_719 : f32 to vector<16xf32>
    %select_n3A_722 = arith.select %lt3A_717, %broadcast_in_dim3A_720, %broadcast_in_dim3A_721 : vector<16xi1>, vector<16xf32>
    %swap3A_723 = arith.constant 352 : index
    %swap3A_724 = tpu.vector_load %arg15[%swap3A_723] {strides = array<i32>} : memref<1024xf32, #tpu.memory_space<vmem>>, vector<16xf32>,
    %swap3A_725 = vector.shape_cast %swap3A_724 : vector<16xf32> to vector<16xf32>
    %swap3A_726 = vector.shape_cast %select_n3A_722 : vector<16xf32> to vector<16xf32>
    tpu.vector_store %arg15[%swap3A_723], %swap3A_726 {strides = array<i32>} : memref<1024xf32, #tpu.memory_space<vmem>>, vector<16xf32>,
    %get3A_727 = arith.constant 368 : index
    %get3A_728 = tpu.vector_load %arg14[%get3A_727] {strides = array<i32>} : memref<1024xi32, #tpu.memory_space<vmem>>, vector<16xi32>,
    %get3A_729 = vector.shape_cast %get3A_728 : vector<16xi32> to vector<16xi32>
    %lt3A_730 = arith.constant 2048 : i32
    %lt3A_731 = vector.broadcast %lt3A_730 : i32 to vector<16xi32>
    %lt3A_732 = arith.cmpi slt, %get3A_729, %lt3A_731 : vector<16xi32>
    %jit3A_733 = arith.constant 0.000000e+00 : f32
    %jit3A_734 = arith.constant 1.000000e+00 : f32
    %broadcast_in_dim3A_735 = vector.broadcast %jit3A_733 : f32 to vector<16xf32>
    %broadcast_in_dim3A_736 = vector.broadcast %jit3A_734 : f32 to vector<16xf32>
    %select_n3A_737 = arith.select %lt3A_732, %broadcast_in_dim3A_735, %broadcast_in_dim3A_736 : vector<16xi1>, vector<16xf32>
    %swap3A_738 = arith.constant 368 : index
    %swap3A_739 = tpu.vector_load %arg15[%swap3A_738] {strides = array<i32>} : memref<1024xf32, #tpu.memory_space<vmem>>, vector<16xf32>,
    %swap3A_740 = vector.shape_cast %swap3A_739 : vector<16xf32> to vector<16xf32>
    %swap3A_741 = vector.shape_cast %select_n3A_737 : vector<16xf32> to vector<16xf32>
    tpu.vector_store %arg15[%swap3A_738], %swap3A_741 {strides = array<i32>} : memref<1024xf32, #tpu.memory_space<vmem>>, vector<16xf32>,
    %get3A_742 = arith.constant 384 : index
    %get3A_743 = tpu.vector_load %arg14[%get3A_742] {strides = array<i32>} : memref<1024xi32, #tpu.memory_space<vmem>>, vector<16xi32>,
    %get3A_744 = vector.shape_cast %get3A_743 : vector<16xi32> to vector<16xi32>
    %lt3A_745 = arith.constant 2048 : i32
    %lt3A_746 = vector.broadcast %lt3A_745 : i32 to vector<16xi32>
    %lt3A_747 = arith.cmpi slt, %get3A_744, %lt3A_746 : vector<16xi32>
    %jit3A_748 = arith.constant 0.000000e+00 : f32
    %jit3A_749 = arith.constant 1.000000e+00 : f32
    %broadcast_in_dim3A_750 = vector.broadcast %jit3A_748 : f32 to vector<16xf32>
    %broadcast_in_dim3A_751 = vector.broadcast %jit3A_749 : f32 to vector<16xf32>
    %select_n3A_752 = arith.select %lt3A_747, %broadcast_in_dim3A_750, %broadcast_in_dim3A_751 : vector<16xi1>, vector<16xf32>
    %swap3A_753 = arith.constant 384 : index
    %swap3A_754 = tpu.vector_load %arg15[%swap3A_753] {strides = array<i32>} : memref<1024xf32, #tpu.memory_space<vmem>>, vector<16xf32>,
    %swap3A_755 = vector.shape_cast %swap3A_754 : vector<16xf32> to vector<16xf32>
    %swap3A_756 = vector.shape_cast %select_n3A_752 : vector<16xf32> to vector<16xf32>
    tpu.vector_store %arg15[%swap3A_753], %swap3A_756 {strides = array<i32>} : memref<1024xf32, #tpu.memory_space<vmem>>, vector<16xf32>,
    %get3A_757 = arith.constant 400 : index
    %get3A_758 = tpu.vector_load %arg14[%get3A_757] {strides = array<i32>} : memref<1024xi32, #tpu.memory_space<vmem>>, vector<16xi32>,
    %get3A_759 = vector.shape_cast %get3A_758 : vector<16xi32> to vector<16xi32>
    %lt3A_760 = arith.constant 2048 : i32
    %lt3A_761 = vector.broadcast %lt3A_760 : i32 to vector<16xi32>
    %lt3A_762 = arith.cmpi slt, %get3A_759, %lt3A_761 : vector<16xi32>
    %jit3A_763 = arith.constant 0.000000e+00 : f32
    %jit3A_764 = arith.constant 1.000000e+00 : f32
    %broadcast_in_dim3A_765 = vector.broadcast %jit3A_763 : f32 to vector<16xf32>
    %broadcast_in_dim3A_766 = vector.broadcast %jit3A_764 : f32 to vector<16xf32>
    %select_n3A_767 = arith.select %lt3A_762, %broadcast_in_dim3A_765, %broadcast_in_dim3A_766 : vector<16xi1>, vector<16xf32>
    %swap3A_768 = arith.constant 400 : index
    %swap3A_769 = tpu.vector_load %arg15[%swap3A_768] {strides = array<i32>} : memref<1024xf32, #tpu.memory_space<vmem>>, vector<16xf32>,
    %swap3A_770 = vector.shape_cast %swap3A_769 : vector<16xf32> to vector<16xf32>
    %swap3A_771 = vector.shape_cast %select_n3A_767 : vector<16xf32> to vector<16xf32>
    tpu.vector_store %arg15[%swap3A_768], %swap3A_771 {strides = array<i32>} : memref<1024xf32, #tpu.memory_space<vmem>>, vector<16xf32>,
    %get3A_772 = arith.constant 416 : index
    %get3A_773 = tpu.vector_load %arg14[%get3A_772] {strides = array<i32>} : memref<1024xi32, #tpu.memory_space<vmem>>, vector<16xi32>,
    %get3A_774 = vector.shape_cast %get3A_773 : vector<16xi32> to vector<16xi32>
    %lt3A_775 = arith.constant 2048 : i32
    %lt3A_776 = vector.broadcast %lt3A_775 : i32 to vector<16xi32>
    %lt3A_777 = arith.cmpi slt, %get3A_774, %lt3A_776 : vector<16xi32>
    %jit3A_778 = arith.constant 0.000000e+00 : f32
    %jit3A_779 = arith.constant 1.000000e+00 : f32
    %broadcast_in_dim3A_780 = vector.broadcast %jit3A_778 : f32 to vector<16xf32>
    %broadcast_in_dim3A_781 = vector.broadcast %jit3A_779 : f32 to vector<16xf32>
    %select_n3A_782 = arith.select %lt3A_777, %broadcast_in_dim3A_780, %broadcast_in_dim3A_781 : vector<16xi1>, vector<16xf32>
    %swap3A_783 = arith.constant 416 : index
    %swap3A_784 = tpu.vector_load %arg15[%swap3A_783] {strides = array<i32>} : memref<1024xf32, #tpu.memory_space<vmem>>, vector<16xf32>,
    %swap3A_785 = vector.shape_cast %swap3A_784 : vector<16xf32> to vector<16xf32>
    %swap3A_786 = vector.shape_cast %select_n3A_782 : vector<16xf32> to vector<16xf32>
    tpu.vector_store %arg15[%swap3A_783], %swap3A_786 {strides = array<i32>} : memref<1024xf32, #tpu.memory_space<vmem>>, vector<16xf32>,
    %get3A_787 = arith.constant 432 : index
    %get3A_788 = tpu.vector_load %arg14[%get3A_787] {strides = array<i32>} : memref<1024xi32, #tpu.memory_space<vmem>>, vector<16xi32>,
    %get3A_789 = vector.shape_cast %get3A_788 : vector<16xi32> to vector<16xi32>
    %lt3A_790 = arith.constant 2048 : i32
    %lt3A_791 = vector.broadcast %lt3A_790 : i32 to vector<16xi32>
    %lt3A_792 = arith.cmpi slt, %get3A_789, %lt3A_791 : vector<16xi32>
    %jit3A_793 = arith.constant 0.000000e+00 : f32
    %jit3A_794 = arith.constant 1.000000e+00 : f32
    %broadcast_in_dim3A_795 = vector.broadcast %jit3A_793 : f32 to vector<16xf32>
    %broadcast_in_dim3A_796 = vector.broadcast %jit3A_794 : f32 to vector<16xf32>
    %select_n3A_797 = arith.select %lt3A_792, %broadcast_in_dim3A_795, %broadcast_in_dim3A_796 : vector<16xi1>, vector<16xf32>
    %swap3A_798 = arith.constant 432 : index
    %swap3A_799 = tpu.vector_load %arg15[%swap3A_798] {strides = array<i32>} : memref<1024xf32, #tpu.memory_space<vmem>>, vector<16xf32>,
    %swap3A_800 = vector.shape_cast %swap3A_799 : vector<16xf32> to vector<16xf32>
    %swap3A_801 = vector.shape_cast %select_n3A_797 : vector<16xf32> to vector<16xf32>
    tpu.vector_store %arg15[%swap3A_798], %swap3A_801 {strides = array<i32>} : memref<1024xf32, #tpu.memory_space<vmem>>, vector<16xf32>,
    %get3A_802 = arith.constant 448 : index
    %get3A_803 = tpu.vector_load %arg14[%get3A_802] {strides = array<i32>} : memref<1024xi32, #tpu.memory_space<vmem>>, vector<16xi32>,
    %get3A_804 = vector.shape_cast %get3A_803 : vector<16xi32> to vector<16xi32>
    %lt3A_805 = arith.constant 2048 : i32
    %lt3A_806 = vector.broadcast %lt3A_805 : i32 to vector<16xi32>
    %lt3A_807 = arith.cmpi slt, %get3A_804, %lt3A_806 : vector<16xi32>
    %jit3A_808 = arith.constant 0.000000e+00 : f32
    %jit3A_809 = arith.constant 1.000000e+00 : f32
    %broadcast_in_dim3A_810 = vector.broadcast %jit3A_808 : f32 to vector<16xf32>
    %broadcast_in_dim3A_811 = vector.broadcast %jit3A_809 : f32 to vector<16xf32>
    %select_n3A_812 = arith.select %lt3A_807, %broadcast_in_dim3A_810, %broadcast_in_dim3A_811 : vector<16xi1>, vector<16xf32>
    %swap3A_813 = arith.constant 448 : index
    %swap3A_814 = tpu.vector_load %arg15[%swap3A_813] {strides = array<i32>} : memref<1024xf32, #tpu.memory_space<vmem>>, vector<16xf32>,
    %swap3A_815 = vector.shape_cast %swap3A_814 : vector<16xf32> to vector<16xf32>
    %swap3A_816 = vector.shape_cast %select_n3A_812 : vector<16xf32> to vector<16xf32>
    tpu.vector_store %arg15[%swap3A_813], %swap3A_816 {strides = array<i32>} : memref<1024xf32, #tpu.memory_space<vmem>>, vector<16xf32>,
    %get3A_817 = arith.constant 464 : index
    %get3A_818 = tpu.vector_load %arg14[%get3A_817] {strides = array<i32>} : memref<1024xi32, #tpu.memory_space<vmem>>, vector<16xi32>,
    %get3A_819 = vector.shape_cast %get3A_818 : vector<16xi32> to vector<16xi32>
    %lt3A_820 = arith.constant 2048 : i32
    %lt3A_821 = vector.broadcast %lt3A_820 : i32 to vector<16xi32>
    %lt3A_822 = arith.cmpi slt, %get3A_819, %lt3A_821 : vector<16xi32>
    %jit3A_823 = arith.constant 0.000000e+00 : f32
    %jit3A_824 = arith.constant 1.000000e+00 : f32
    %broadcast_in_dim3A_825 = vector.broadcast %jit3A_823 : f32 to vector<16xf32>
    %broadcast_in_dim3A_826 = vector.broadcast %jit3A_824 : f32 to vector<16xf32>
    %select_n3A_827 = arith.select %lt3A_822, %broadcast_in_dim3A_825, %broadcast_in_dim3A_826 : vector<16xi1>, vector<16xf32>
    %swap3A_828 = arith.constant 464 : index
    %swap3A_829 = tpu.vector_load %arg15[%swap3A_828] {strides = array<i32>} : memref<1024xf32, #tpu.memory_space<vmem>>, vector<16xf32>,
    %swap3A_830 = vector.shape_cast %swap3A_829 : vector<16xf32> to vector<16xf32>
    %swap3A_831 = vector.shape_cast %select_n3A_827 : vector<16xf32> to vector<16xf32>
    tpu.vector_store %arg15[%swap3A_828], %swap3A_831 {strides = array<i32>} : memref<1024xf32, #tpu.memory_space<vmem>>, vector<16xf32>,
    %get3A_832 = arith.constant 480 : index
    %get3A_833 = tpu.vector_load %arg14[%get3A_832] {strides = array<i32>} : memref<1024xi32, #tpu.memory_space<vmem>>, vector<16xi32>,
    %get3A_834 = vector.shape_cast %get3A_833 : vector<16xi32> to vector<16xi32>
    %lt3A_835 = arith.constant 2048 : i32
    %lt3A_836 = vector.broadcast %lt3A_835 : i32 to vector<16xi32>
    %lt3A_837 = arith.cmpi slt, %get3A_834, %lt3A_836 : vector<16xi32>
    %jit3A_838 = arith.constant 0.000000e+00 : f32
    %jit3A_839 = arith.constant 1.000000e+00 : f32
    %broadcast_in_dim3A_840 = vector.broadcast %jit3A_838 : f32 to vector<16xf32>
    %broadcast_in_dim3A_841 = vector.broadcast %jit3A_839 : f32 to vector<16xf32>
    %select_n3A_842 = arith.select %lt3A_837, %broadcast_in_dim3A_840, %broadcast_in_dim3A_841 : vector<16xi1>, vector<16xf32>
    %swap3A_843 = arith.constant 480 : index
    %swap3A_844 = tpu.vector_load %arg15[%swap3A_843] {strides = array<i32>} : memref<1024xf32, #tpu.memory_space<vmem>>, vector<16xf32>,
    %swap3A_845 = vector.shape_cast %swap3A_844 : vector<16xf32> to vector<16xf32>
    %swap3A_846 = vector.shape_cast %select_n3A_842 : vector<16xf32> to vector<16xf32>
    tpu.vector_store %arg15[%swap3A_843], %swap3A_846 {strides = array<i32>} : memref<1024xf32, #tpu.memory_space<vmem>>, vector<16xf32>,
    %get3A_847 = arith.constant 496 : index
    %get3A_848 = tpu.vector_load %arg14[%get3A_847] {strides = array<i32>} : memref<1024xi32, #tpu.memory_space<vmem>>, vector<16xi32>,
    %get3A_849 = vector.shape_cast %get3A_848 : vector<16xi32> to vector<16xi32>
    %lt3A_850 = arith.constant 2048 : i32
    %lt3A_851 = vector.broadcast %lt3A_850 : i32 to vector<16xi32>
    %lt3A_852 = arith.cmpi slt, %get3A_849, %lt3A_851 : vector<16xi32>
    %jit3A_853 = arith.constant 0.000000e+00 : f32
    %jit3A_854 = arith.constant 1.000000e+00 : f32
    %broadcast_in_dim3A_855 = vector.broadcast %jit3A_853 : f32 to vector<16xf32>
    %broadcast_in_dim3A_856 = vector.broadcast %jit3A_854 : f32 to vector<16xf32>
    %select_n3A_857 = arith.select %lt3A_852, %broadcast_in_dim3A_855, %broadcast_in_dim3A_856 : vector<16xi1>, vector<16xf32>
    %swap3A_858 = arith.constant 496 : index
    %swap3A_859 = tpu.vector_load %arg15[%swap3A_858] {strides = array<i32>} : memref<1024xf32, #tpu.memory_space<vmem>>, vector<16xf32>,
    %swap3A_860 = vector.shape_cast %swap3A_859 : vector<16xf32> to vector<16xf32>
    %swap3A_861 = vector.shape_cast %select_n3A_857 : vector<16xf32> to vector<16xf32>
    tpu.vector_store %arg15[%swap3A_858], %swap3A_861 {strides = array<i32>} : memref<1024xf32, #tpu.memory_space<vmem>>, vector<16xf32>,
    %get3A_862 = arith.constant 512 : index
    %get3A_863 = tpu.vector_load %arg14[%get3A_862] {strides = array<i32>} : memref<1024xi32, #tpu.memory_space<vmem>>, vector<16xi32>,
    %get3A_864 = vector.shape_cast %get3A_863 : vector<16xi32> to vector<16xi32>
    %lt3A_865 = arith.constant 2048 : i32
    %lt3A_866 = vector.broadcast %lt3A_865 : i32 to vector<16xi32>
    %lt3A_867 = arith.cmpi slt, %get3A_864, %lt3A_866 : vector<16xi32>
    %jit3A_868 = arith.constant 0.000000e+00 : f32
    %jit3A_869 = arith.constant 1.000000e+00 : f32
    %broadcast_in_dim3A_870 = vector.broadcast %jit3A_868 : f32 to vector<16xf32>
    %broadcast_in_dim3A_871 = vector.broadcast %jit3A_869 : f32 to vector<16xf32>
    %select_n3A_872 = arith.select %lt3A_867, %broadcast_in_dim3A_870, %broadcast_in_dim3A_871 : vector<16xi1>, vector<16xf32>
    %swap3A_873 = arith.constant 512 : index
    %swap3A_874 = tpu.vector_load %arg15[%swap3A_873] {strides = array<i32>} : memref<1024xf32, #tpu.memory_space<vmem>>, vector<16xf32>,
    %swap3A_875 = vector.shape_cast %swap3A_874 : vector<16xf32> to vector<16xf32>
    %swap3A_876 = vector.shape_cast %select_n3A_872 : vector<16xf32> to vector<16xf32>
    tpu.vector_store %arg15[%swap3A_873], %swap3A_876 {strides = array<i32>} : memref<1024xf32, #tpu.memory_space<vmem>>, vector<16xf32>,
    %get3A_877 = arith.constant 528 : index
    %get3A_878 = tpu.vector_load %arg14[%get3A_877] {strides = array<i32>} : memref<1024xi32, #tpu.memory_space<vmem>>, vector<16xi32>,
    %get3A_879 = vector.shape_cast %get3A_878 : vector<16xi32> to vector<16xi32>
    %lt3A_880 = arith.constant 2048 : i32
    %lt3A_881 = vector.broadcast %lt3A_880 : i32 to vector<16xi32>
    %lt3A_882 = arith.cmpi slt, %get3A_879, %lt3A_881 : vector<16xi32>
    %jit3A_883 = arith.constant 0.000000e+00 : f32
    %jit3A_884 = arith.constant 1.000000e+00 : f32
    %broadcast_in_dim3A_885 = vector.broadcast %jit3A_883 : f32 to vector<16xf32>
    %broadcast_in_dim3A_886 = vector.broadcast %jit3A_884 : f32 to vector<16xf32>
    %select_n3A_887 = arith.select %lt3A_882, %broadcast_in_dim3A_885, %broadcast_in_dim3A_886 : vector<16xi1>, vector<16xf32>
    %swap3A_888 = arith.constant 528 : index
    %swap3A_889 = tpu.vector_load %arg15[%swap3A_888] {strides = array<i32>} : memref<1024xf32, #tpu.memory_space<vmem>>, vector<16xf32>,
    %swap3A_890 = vector.shape_cast %swap3A_889 : vector<16xf32> to vector<16xf32>
    %swap3A_891 = vector.shape_cast %select_n3A_887 : vector<16xf32> to vector<16xf32>
    tpu.vector_store %arg15[%swap3A_888], %swap3A_891 {strides = array<i32>} : memref<1024xf32, #tpu.memory_space<vmem>>, vector<16xf32>,
    %get3A_892 = arith.constant 544 : index
    %get3A_893 = tpu.vector_load %arg14[%get3A_892] {strides = array<i32>} : memref<1024xi32, #tpu.memory_space<vmem>>, vector<16xi32>,
    %get3A_894 = vector.shape_cast %get3A_893 : vector<16xi32> to vector<16xi32>
    %lt3A_895 = arith.constant 2048 : i32
    %lt3A_896 = vector.broadcast %lt3A_895 : i32 to vector<16xi32>
    %lt3A_897 = arith.cmpi slt, %get3A_894, %lt3A_896 : vector<16xi32>
    %jit3A_898 = arith.constant 0.000000e+00 : f32
    %jit3A_899 = arith.constant 1.000000e+00 : f32
    %broadcast_in_dim3A_900 = vector.broadcast %jit3A_898 : f32 to vector<16xf32>
    %broadcast_in_dim3A_901 = vector.broadcast %jit3A_899 : f32 to vector<16xf32>
    %select_n3A_902 = arith.select %lt3A_897, %broadcast_in_dim3A_900, %broadcast_in_dim3A_901 : vector<16xi1>, vector<16xf32>
    %swap3A_903 = arith.constant 544 : index
    %swap3A_904 = tpu.vector_load %arg15[%swap3A_903] {strides = array<i32>} : memref<1024xf32, #tpu.memory_space<vmem>>, vector<16xf32>,
    %swap3A_905 = vector.shape_cast %swap3A_904 : vector<16xf32> to vector<16xf32>
    %swap3A_906 = vector.shape_cast %select_n3A_902 : vector<16xf32> to vector<16xf32>
    tpu.vector_store %arg15[%swap3A_903], %swap3A_906 {strides = array<i32>} : memref<1024xf32, #tpu.memory_space<vmem>>, vector<16xf32>,
    %get3A_907 = arith.constant 560 : index
    %get3A_908 = tpu.vector_load %arg14[%get3A_907] {strides = array<i32>} : memref<1024xi32, #tpu.memory_space<vmem>>, vector<16xi32>,
    %get3A_909 = vector.shape_cast %get3A_908 : vector<16xi32> to vector<16xi32>
    %lt3A_910 = arith.constant 2048 : i32
    %lt3A_911 = vector.broadcast %lt3A_910 : i32 to vector<16xi32>
    %lt3A_912 = arith.cmpi slt, %get3A_909, %lt3A_911 : vector<16xi32>
    %jit3A_913 = arith.constant 0.000000e+00 : f32
    %jit3A_914 = arith.constant 1.000000e+00 : f32
    %broadcast_in_dim3A_915 = vector.broadcast %jit3A_913 : f32 to vector<16xf32>
    %broadcast_in_dim3A_916 = vector.broadcast %jit3A_914 : f32 to vector<16xf32>
    %select_n3A_917 = arith.select %lt3A_912, %broadcast_in_dim3A_915, %broadcast_in_dim3A_916 : vector<16xi1>, vector<16xf32>
    %swap3A_918 = arith.constant 560 : index
    %swap3A_919 = tpu.vector_load %arg15[%swap3A_918] {strides = array<i32>} : memref<1024xf32, #tpu.memory_space<vmem>>, vector<16xf32>,
    %swap3A_920 = vector.shape_cast %swap3A_919 : vector<16xf32> to vector<16xf32>
    %swap3A_921 = vector.shape_cast %select_n3A_917 : vector<16xf32> to vector<16xf32>
    tpu.vector_store %arg15[%swap3A_918], %swap3A_921 {strides = array<i32>} : memref<1024xf32, #tpu.memory_space<vmem>>, vector<16xf32>,
    %get3A_922 = arith.constant 576 : index
    %get3A_923 = tpu.vector_load %arg14[%get3A_922] {strides = array<i32>} : memref<1024xi32, #tpu.memory_space<vmem>>, vector<16xi32>,
    %get3A_924 = vector.shape_cast %get3A_923 : vector<16xi32> to vector<16xi32>
    %lt3A_925 = arith.constant 2048 : i32
    %lt3A_926 = vector.broadcast %lt3A_925 : i32 to vector<16xi32>
    %lt3A_927 = arith.cmpi slt, %get3A_924, %lt3A_926 : vector<16xi32>
    %jit3A_928 = arith.constant 0.000000e+00 : f32
    %jit3A_929 = arith.constant 1.000000e+00 : f32
    %broadcast_in_dim3A_930 = vector.broadcast %jit3A_928 : f32 to vector<16xf32>
    %broadcast_in_dim3A_931 = vector.broadcast %jit3A_929 : f32 to vector<16xf32>
    %select_n3A_932 = arith.select %lt3A_927, %broadcast_in_dim3A_930, %broadcast_in_dim3A_931 : vector<16xi1>, vector<16xf32>
    %swap3A_933 = arith.constant 576 : index
    %swap3A_934 = tpu.vector_load %arg15[%swap3A_933] {strides = array<i32>} : memref<1024xf32, #tpu.memory_space<vmem>>, vector<16xf32>,
    %swap3A_935 = vector.shape_cast %swap3A_934 : vector<16xf32> to vector<16xf32>
    %swap3A_936 = vector.shape_cast %select_n3A_932 : vector<16xf32> to vector<16xf32>
    tpu.vector_store %arg15[%swap3A_933], %swap3A_936 {strides = array<i32>} : memref<1024xf32, #tpu.memory_space<vmem>>, vector<16xf32>,
    %get3A_937 = arith.constant 592 : index
    %get3A_938 = tpu.vector_load %arg14[%get3A_937] {strides = array<i32>} : memref<1024xi32, #tpu.memory_space<vmem>>, vector<16xi32>,
    %get3A_939 = vector.shape_cast %get3A_938 : vector<16xi32> to vector<16xi32>
    %lt3A_940 = arith.constant 2048 : i32
    %lt3A_941 = vector.broadcast %lt3A_940 : i32 to vector<16xi32>
    %lt3A_942 = arith.cmpi slt, %get3A_939, %lt3A_941 : vector<16xi32>
    %jit3A_943 = arith.constant 0.000000e+00 : f32
    %jit3A_944 = arith.constant 1.000000e+00 : f32
    %broadcast_in_dim3A_945 = vector.broadcast %jit3A_943 : f32 to vector<16xf32>
    %broadcast_in_dim3A_946 = vector.broadcast %jit3A_944 : f32 to vector<16xf32>
    %select_n3A_947 = arith.select %lt3A_942, %broadcast_in_dim3A_945, %broadcast_in_dim3A_946 : vector<16xi1>, vector<16xf32>
    %swap3A_948 = arith.constant 592 : index
    %swap3A_949 = tpu.vector_load %arg15[%swap3A_948] {strides = array<i32>} : memref<1024xf32, #tpu.memory_space<vmem>>, vector<16xf32>,
    %swap3A_950 = vector.shape_cast %swap3A_949 : vector<16xf32> to vector<16xf32>
    %swap3A_951 = vector.shape_cast %select_n3A_947 : vector<16xf32> to vector<16xf32>
    tpu.vector_store %arg15[%swap3A_948], %swap3A_951 {strides = array<i32>} : memref<1024xf32, #tpu.memory_space<vmem>>, vector<16xf32>,
    %get3A_952 = arith.constant 608 : index
    %get3A_953 = tpu.vector_load %arg14[%get3A_952] {strides = array<i32>} : memref<1024xi32, #tpu.memory_space<vmem>>, vector<16xi32>,
    %get3A_954 = vector.shape_cast %get3A_953 : vector<16xi32> to vector<16xi32>
    %lt3A_955 = arith.constant 2048 : i32
    %lt3A_956 = vector.broadcast %lt3A_955 : i32 to vector<16xi32>
    %lt3A_957 = arith.cmpi slt, %get3A_954, %lt3A_956 : vector<16xi32>
    %jit3A_958 = arith.constant 0.000000e+00 : f32
    %jit3A_959 = arith.constant 1.000000e+00 : f32
    %broadcast_in_dim3A_960 = vector.broadcast %jit3A_958 : f32 to vector<16xf32>
    %broadcast_in_dim3A_961 = vector.broadcast %jit3A_959 : f32 to vector<16xf32>
    %select_n3A_962 = arith.select %lt3A_957, %broadcast_in_dim3A_960, %broadcast_in_dim3A_961 : vector<16xi1>, vector<16xf32>
    %swap3A_963 = arith.constant 608 : index
    %swap3A_964 = tpu.vector_load %arg15[%swap3A_963] {strides = array<i32>} : memref<1024xf32, #tpu.memory_space<vmem>>, vector<16xf32>,
    %swap3A_965 = vector.shape_cast %swap3A_964 : vector<16xf32> to vector<16xf32>
    %swap3A_966 = vector.shape_cast %select_n3A_962 : vector<16xf32> to vector<16xf32>
    tpu.vector_store %arg15[%swap3A_963], %swap3A_966 {strides = array<i32>} : memref<1024xf32, #tpu.memory_space<vmem>>, vector<16xf32>,
    %get3A_967 = arith.constant 624 : index
    %get3A_968 = tpu.vector_load %arg14[%get3A_967] {strides = array<i32>} : memref<1024xi32, #tpu.memory_space<vmem>>, vector<16xi32>,
    %get3A_969 = vector.shape_cast %get3A_968 : vector<16xi32> to vector<16xi32>
    %lt3A_970 = arith.constant 2048 : i32
    %lt3A_971 = vector.broadcast %lt3A_970 : i32 to vector<16xi32>
    %lt3A_972 = arith.cmpi slt, %get3A_969, %lt3A_971 : vector<16xi32>
    %jit3A_973 = arith.constant 0.000000e+00 : f32
    %jit3A_974 = arith.constant 1.000000e+00 : f32
    %broadcast_in_dim3A_975 = vector.broadcast %jit3A_973 : f32 to vector<16xf32>
    %broadcast_in_dim3A_976 = vector.broadcast %jit3A_974 : f32 to vector<16xf32>
    %select_n3A_977 = arith.select %lt3A_972, %broadcast_in_dim3A_975, %broadcast_in_dim3A_976 : vector<16xi1>, vector<16xf32>
    %swap3A_978 = arith.constant 624 : index
    %swap3A_979 = tpu.vector_load %arg15[%swap3A_978] {strides = array<i32>} : memref<1024xf32, #tpu.memory_space<vmem>>, vector<16xf32>,
    %swap3A_980 = vector.shape_cast %swap3A_979 : vector<16xf32> to vector<16xf32>
    %swap3A_981 = vector.shape_cast %select_n3A_977 : vector<16xf32> to vector<16xf32>
    tpu.vector_store %arg15[%swap3A_978], %swap3A_981 {strides = array<i32>} : memref<1024xf32, #tpu.memory_space<vmem>>, vector<16xf32>,
    %get3A_982 = arith.constant 640 : index
    %get3A_983 = tpu.vector_load %arg14[%get3A_982] {strides = array<i32>} : memref<1024xi32, #tpu.memory_space<vmem>>, vector<16xi32>,
    %get3A_984 = vector.shape_cast %get3A_983 : vector<16xi32> to vector<16xi32>
    %lt3A_985 = arith.constant 2048 : i32
    %lt3A_986 = vector.broadcast %lt3A_985 : i32 to vector<16xi32>
    %lt3A_987 = arith.cmpi slt, %get3A_984, %lt3A_986 : vector<16xi32>
    %jit3A_988 = arith.constant 0.000000e+00 : f32
    %jit3A_989 = arith.constant 1.000000e+00 : f32
    %broadcast_in_dim3A_990 = vector.broadcast %jit3A_988 : f32 to vector<16xf32>
    %broadcast_in_dim3A_991 = vector.broadcast %jit3A_989 : f32 to vector<16xf32>
    %select_n3A_992 = arith.select %lt3A_987, %broadcast_in_dim3A_990, %broadcast_in_dim3A_991 : vector<16xi1>, vector<16xf32>
    %swap3A_993 = arith.constant 640 : index
    %swap3A_994 = tpu.vector_load %arg15[%swap3A_993] {strides = array<i32>} : memref<1024xf32, #tpu.memory_space<vmem>>, vector<16xf32>,
    %swap3A_995 = vector.shape_cast %swap3A_994 : vector<16xf32> to vector<16xf32>
    %swap3A_996 = vector.shape_cast %select_n3A_992 : vector<16xf32> to vector<16xf32>
    tpu.vector_store %arg15[%swap3A_993], %swap3A_996 {strides = array<i32>} : memref<1024xf32, #tpu.memory_space<vmem>>, vector<16xf32>,
    %get3A_997 = arith.constant 656 : index
    %get3A_998 = tpu.vector_load %arg14[%get3A_997] {strides = array<i32>} : memref<1024xi32, #tpu.memory_space<vmem>>, vector<16xi32>,
    %get3A_999 = vector.shape_cast %get3A_998 : vector<16xi32> to vector<16xi32>
    %lt3A_1000 = arith.constant 2048 : i32
    %lt3A_1001 = vector.broadcast %lt3A_1000 : i32 to vector<16xi32>
    %lt3A_1002 = arith.cmpi slt, %get3A_999, %lt3A_1001 : vector<16xi32>
    %jit3A_1003 = arith.constant 0.000000e+00 : f32
    %jit3A_1004 = arith.constant 1.000000e+00 : f32
    %broadcast_in_dim3A_1005 = vector.broadcast %jit3A_1003 : f32 to vector<16xf32>
    %broadcast_in_dim3A_1006 = vector.broadcast %jit3A_1004 : f32 to vector<16xf32>
    %select_n3A_1007 = arith.select %lt3A_1002, %broadcast_in_dim3A_1005, %broadcast_in_dim3A_1006 : vector<16xi1>, vector<16xf32>
    %swap3A_1008 = arith.constant 656 : index
    %swap3A_1009 = tpu.vector_load %arg15[%swap3A_1008] {strides = array<i32>} : memref<1024xf32, #tpu.memory_space<vmem>>, vector<16xf32>,
    %swap3A_1010 = vector.shape_cast %swap3A_1009 : vector<16xf32> to vector<16xf32>
    %swap3A_1011 = vector.shape_cast %select_n3A_1007 : vector<16xf32> to vector<16xf32>
    tpu.vector_store %arg15[%swap3A_1008], %swap3A_1011 {strides = array<i32>} : memref<1024xf32, #tpu.memory_space<vmem>>, vector<16xf32>,
    %get3A_1012 = arith.constant 672 : index
    %get3A_1013 = tpu.vector_load %arg14[%get3A_1012] {strides = array<i32>} : memref<1024xi32, #tpu.memory_space<vmem>>, vector<16xi32>,
    %get3A_1014 = vector.shape_cast %get3A_1013 : vector<16xi32> to vector<16xi32>
    %lt3A_1015 = arith.constant 2048 : i32
    %lt3A_1016 = vector.broadcast %lt3A_1015 : i32 to vector<16xi32>
    %lt3A_1017 = arith.cmpi slt, %get3A_1014, %lt3A_1016 : vector<16xi32>
    %jit3A_1018 = arith.constant 0.000000e+00 : f32
    %jit3A_1019 = arith.constant 1.000000e+00 : f32
    %broadcast_in_dim3A_1020 = vector.broadcast %jit3A_1018 : f32 to vector<16xf32>
    %broadcast_in_dim3A_1021 = vector.broadcast %jit3A_1019 : f32 to vector<16xf32>
    %select_n3A_1022 = arith.select %lt3A_1017, %broadcast_in_dim3A_1020, %broadcast_in_dim3A_1021 : vector<16xi1>, vector<16xf32>
    %swap3A_1023 = arith.constant 672 : index
    %swap3A_1024 = tpu.vector_load %arg15[%swap3A_1023] {strides = array<i32>} : memref<1024xf32, #tpu.memory_space<vmem>>, vector<16xf32>,
    %swap3A_1025 = vector.shape_cast %swap3A_1024 : vector<16xf32> to vector<16xf32>
    %swap3A_1026 = vector.shape_cast %select_n3A_1022 : vector<16xf32> to vector<16xf32>
    tpu.vector_store %arg15[%swap3A_1023], %swap3A_1026 {strides = array<i32>} : memref<1024xf32, #tpu.memory_space<vmem>>, vector<16xf32>,
    %get3A_1027 = arith.constant 688 : index
    %get3A_1028 = tpu.vector_load %arg14[%get3A_1027] {strides = array<i32>} : memref<1024xi32, #tpu.memory_space<vmem>>, vector<16xi32>,
    %get3A_1029 = vector.shape_cast %get3A_1028 : vector<16xi32> to vector<16xi32>
    %lt3A_1030 = arith.constant 2048 : i32
    %lt3A_1031 = vector.broadcast %lt3A_1030 : i32 to vector<16xi32>
    %lt3A_1032 = arith.cmpi slt, %get3A_1029, %lt3A_1031 : vector<16xi32>
    %jit3A_1033 = arith.constant 0.000000e+00 : f32
    %jit3A_1034 = arith.constant 1.000000e+00 : f32
    %broadcast_in_dim3A_1035 = vector.broadcast %jit3A_1033 : f32 to vector<16xf32>
    %broadcast_in_dim3A_1036 = vector.broadcast %jit3A_1034 : f32 to vector<16xf32>
    %select_n3A_1037 = arith.select %lt3A_1032, %broadcast_in_dim3A_1035, %broadcast_in_dim3A_1036 : vector<16xi1>, vector<16xf32>
    %swap3A_1038 = arith.constant 688 : index
    %swap3A_1039 = tpu.vector_load %arg15[%swap3A_1038] {strides = array<i32>} : memref<1024xf32, #tpu.memory_space<vmem>>, vector<16xf32>,
    %swap3A_1040 = vector.shape_cast %swap3A_1039 : vector<16xf32> to vector<16xf32>
    %swap3A_1041 = vector.shape_cast %select_n3A_1037 : vector<16xf32> to vector<16xf32>
    tpu.vector_store %arg15[%swap3A_1038], %swap3A_1041 {strides = array<i32>} : memref<1024xf32, #tpu.memory_space<vmem>>, vector<16xf32>,
    %get3A_1042 = arith.constant 704 : index
    %get3A_1043 = tpu.vector_load %arg14[%get3A_1042] {strides = array<i32>} : memref<1024xi32, #tpu.memory_space<vmem>>, vector<16xi32>,
    %get3A_1044 = vector.shape_cast %get3A_1043 : vector<16xi32> to vector<16xi32>
    %lt3A_1045 = arith.constant 2048 : i32
    %lt3A_1046 = vector.broadcast %lt3A_1045 : i32 to vector<16xi32>
    %lt3A_1047 = arith.cmpi slt, %get3A_1044, %lt3A_1046 : vector<16xi32>
    %jit3A_1048 = arith.constant 0.000000e+00 : f32
    %jit3A_1049 = arith.constant 1.000000e+00 : f32
    %broadcast_in_dim3A_1050 = vector.broadcast %jit3A_1048 : f32 to vector<16xf32>
    %broadcast_in_dim3A_1051 = vector.broadcast %jit3A_1049 : f32 to vector<16xf32>
    %select_n3A_1052 = arith.select %lt3A_1047, %broadcast_in_dim3A_1050, %broadcast_in_dim3A_1051 : vector<16xi1>, vector<16xf32>
    %swap3A_1053 = arith.constant 704 : index
    %swap3A_1054 = tpu.vector_load %arg15[%swap3A_1053] {strides = array<i32>} : memref<1024xf32, #tpu.memory_space<vmem>>, vector<16xf32>,
    %swap3A_1055 = vector.shape_cast %swap3A_1054 : vector<16xf32> to vector<16xf32>
    %swap3A_1056 = vector.shape_cast %select_n3A_1052 : vector<16xf32> to vector<16xf32>
    tpu.vector_store %arg15[%swap3A_1053], %swap3A_1056 {strides = array<i32>} : memref<1024xf32, #tpu.memory_space<vmem>>, vector<16xf32>,
    %get3A_1057 = arith.constant 720 : index
    %get3A_1058 = tpu.vector_load %arg14[%get3A_1057] {strides = array<i32>} : memref<1024xi32, #tpu.memory_space<vmem>>, vector<16xi32>,
    %get3A_1059 = vector.shape_cast %get3A_1058 : vector<16xi32> to vector<16xi32>
    %lt3A_1060 = arith.constant 2048 : i32
    %lt3A_1061 = vector.broadcast %lt3A_1060 : i32 to vector<16xi32>
    %lt3A_1062 = arith.cmpi slt, %get3A_1059, %lt3A_1061 : vector<16xi32>
    %jit3A_1063 = arith.constant 0.000000e+00 : f32
    %jit3A_1064 = arith.constant 1.000000e+00 : f32
    %broadcast_in_dim3A_1065 = vector.broadcast %jit3A_1063 : f32 to vector<16xf32>
    %broadcast_in_dim3A_1066 = vector.broadcast %jit3A_1064 : f32 to vector<16xf32>
    %select_n3A_1067 = arith.select %lt3A_1062, %broadcast_in_dim3A_1065, %broadcast_in_dim3A_1066 : vector<16xi1>, vector<16xf32>
    %swap3A_1068 = arith.constant 720 : index
    %swap3A_1069 = tpu.vector_load %arg15[%swap3A_1068] {strides = array<i32>} : memref<1024xf32, #tpu.memory_space<vmem>>, vector<16xf32>,
    %swap3A_1070 = vector.shape_cast %swap3A_1069 : vector<16xf32> to vector<16xf32>
    %swap3A_1071 = vector.shape_cast %select_n3A_1067 : vector<16xf32> to vector<16xf32>
    tpu.vector_store %arg15[%swap3A_1068], %swap3A_1071 {strides = array<i32>} : memref<1024xf32, #tpu.memory_space<vmem>>, vector<16xf32>,
    %get3A_1072 = arith.constant 736 : index
    %get3A_1073 = tpu.vector_load %arg14[%get3A_1072] {strides = array<i32>} : memref<1024xi32, #tpu.memory_space<vmem>>, vector<16xi32>,
    %get3A_1074 = vector.shape_cast %get3A_1073 : vector<16xi32> to vector<16xi32>
    %lt3A_1075 = arith.constant 2048 : i32
    %lt3A_1076 = vector.broadcast %lt3A_1075 : i32 to vector<16xi32>
    %lt3A_1077 = arith.cmpi slt, %get3A_1074, %lt3A_1076 : vector<16xi32>
    %jit3A_1078 = arith.constant 0.000000e+00 : f32
    %jit3A_1079 = arith.constant 1.000000e+00 : f32
    %broadcast_in_dim3A_1080 = vector.broadcast %jit3A_1078 : f32 to vector<16xf32>
    %broadcast_in_dim3A_1081 = vector.broadcast %jit3A_1079 : f32 to vector<16xf32>
    %select_n3A_1082 = arith.select %lt3A_1077, %broadcast_in_dim3A_1080, %broadcast_in_dim3A_1081 : vector<16xi1>, vector<16xf32>
    %swap3A_1083 = arith.constant 736 : index
    %swap3A_1084 = tpu.vector_load %arg15[%swap3A_1083] {strides = array<i32>} : memref<1024xf32, #tpu.memory_space<vmem>>, vector<16xf32>,
    %swap3A_1085 = vector.shape_cast %swap3A_1084 : vector<16xf32> to vector<16xf32>
    %swap3A_1086 = vector.shape_cast %select_n3A_1082 : vector<16xf32> to vector<16xf32>
    tpu.vector_store %arg15[%swap3A_1083], %swap3A_1086 {strides = array<i32>} : memref<1024xf32, #tpu.memory_space<vmem>>, vector<16xf32>,
    %get3A_1087 = arith.constant 752 : index
    %get3A_1088 = tpu.vector_load %arg14[%get3A_1087] {strides = array<i32>} : memref<1024xi32, #tpu.memory_space<vmem>>, vector<16xi32>,
    %get3A_1089 = vector.shape_cast %get3A_1088 : vector<16xi32> to vector<16xi32>
    %lt3A_1090 = arith.constant 2048 : i32
    %lt3A_1091 = vector.broadcast %lt3A_1090 : i32 to vector<16xi32>
    %lt3A_1092 = arith.cmpi slt, %get3A_1089, %lt3A_1091 : vector<16xi32>
    %jit3A_1093 = arith.constant 0.000000e+00 : f32
    %jit3A_1094 = arith.constant 1.000000e+00 : f32
    %broadcast_in_dim3A_1095 = vector.broadcast %jit3A_1093 : f32 to vector<16xf32>
    %broadcast_in_dim3A_1096 = vector.broadcast %jit3A_1094 : f32 to vector<16xf32>
    %select_n3A_1097 = arith.select %lt3A_1092, %broadcast_in_dim3A_1095, %broadcast_in_dim3A_1096 : vector<16xi1>, vector<16xf32>
    %swap3A_1098 = arith.constant 752 : index
    %swap3A_1099 = tpu.vector_load %arg15[%swap3A_1098] {strides = array<i32>} : memref<1024xf32, #tpu.memory_space<vmem>>, vector<16xf32>,
    %swap3A_1100 = vector.shape_cast %swap3A_1099 : vector<16xf32> to vector<16xf32>
    %swap3A_1101 = vector.shape_cast %select_n3A_1097 : vector<16xf32> to vector<16xf32>
    tpu.vector_store %arg15[%swap3A_1098], %swap3A_1101 {strides = array<i32>} : memref<1024xf32, #tpu.memory_space<vmem>>, vector<16xf32>,
    %get3A_1102 = arith.constant 768 : index
    %get3A_1103 = tpu.vector_load %arg14[%get3A_1102] {strides = array<i32>} : memref<1024xi32, #tpu.memory_space<vmem>>, vector<16xi32>,
    %get3A_1104 = vector.shape_cast %get3A_1103 : vector<16xi32> to vector<16xi32>
    %lt3A_1105 = arith.constant 2048 : i32
    %lt3A_1106 = vector.broadcast %lt3A_1105 : i32 to vector<16xi32>
    %lt3A_1107 = arith.cmpi slt, %get3A_1104, %lt3A_1106 : vector<16xi32>
    %jit3A_1108 = arith.constant 0.000000e+00 : f32
    %jit3A_1109 = arith.constant 1.000000e+00 : f32
    %broadcast_in_dim3A_1110 = vector.broadcast %jit3A_1108 : f32 to vector<16xf32>
    %broadcast_in_dim3A_1111 = vector.broadcast %jit3A_1109 : f32 to vector<16xf32>
    %select_n3A_1112 = arith.select %lt3A_1107, %broadcast_in_dim3A_1110, %broadcast_in_dim3A_1111 : vector<16xi1>, vector<16xf32>
    %swap3A_1113 = arith.constant 768 : index
    %swap3A_1114 = tpu.vector_load %arg15[%swap3A_1113] {strides = array<i32>} : memref<1024xf32, #tpu.memory_space<vmem>>, vector<16xf32>,
    %swap3A_1115 = vector.shape_cast %swap3A_1114 : vector<16xf32> to vector<16xf32>
    %swap3A_1116 = vector.shape_cast %select_n3A_1112 : vector<16xf32> to vector<16xf32>
    tpu.vector_store %arg15[%swap3A_1113], %swap3A_1116 {strides = array<i32>} : memref<1024xf32, #tpu.memory_space<vmem>>, vector<16xf32>,
    %get3A_1117 = arith.constant 784 : index
    %get3A_1118 = tpu.vector_load %arg14[%get3A_1117] {strides = array<i32>} : memref<1024xi32, #tpu.memory_space<vmem>>, vector<16xi32>,
    %get3A_1119 = vector.shape_cast %get3A_1118 : vector<16xi32> to vector<16xi32>
    %lt3A_1120 = arith.constant 2048 : i32
    %lt3A_1121 = vector.broadcast %lt3A_1120 : i32 to vector<16xi32>
    %lt3A_1122 = arith.cmpi slt, %get3A_1119, %lt3A_1121 : vector<16xi32>
    %jit3A_1123 = arith.constant 0.000000e+00 : f32
    %jit3A_1124 = arith.constant 1.000000e+00 : f32
    %broadcast_in_dim3A_1125 = vector.broadcast %jit3A_1123 : f32 to vector<16xf32>
    %broadcast_in_dim3A_1126 = vector.broadcast %jit3A_1124 : f32 to vector<16xf32>
    %select_n3A_1127 = arith.select %lt3A_1122, %broadcast_in_dim3A_1125, %broadcast_in_dim3A_1126 : vector<16xi1>, vector<16xf32>
    %swap3A_1128 = arith.constant 784 : index
    %swap3A_1129 = tpu.vector_load %arg15[%swap3A_1128] {strides = array<i32>} : memref<1024xf32, #tpu.memory_space<vmem>>, vector<16xf32>,
    %swap3A_1130 = vector.shape_cast %swap3A_1129 : vector<16xf32> to vector<16xf32>
    %swap3A_1131 = vector.shape_cast %select_n3A_1127 : vector<16xf32> to vector<16xf32>
    tpu.vector_store %arg15[%swap3A_1128], %swap3A_1131 {strides = array<i32>} : memref<1024xf32, #tpu.memory_space<vmem>>, vector<16xf32>,
    %get3A_1132 = arith.constant 800 : index
    %get3A_1133 = tpu.vector_load %arg14[%get3A_1132] {strides = array<i32>} : memref<1024xi32, #tpu.memory_space<vmem>>, vector<16xi32>,
    %get3A_1134 = vector.shape_cast %get3A_1133 : vector<16xi32> to vector<16xi32>
    %lt3A_1135 = arith.constant 2048 : i32
    %lt3A_1136 = vector.broadcast %lt3A_1135 : i32 to vector<16xi32>
    %lt3A_1137 = arith.cmpi slt, %get3A_1134, %lt3A_1136 : vector<16xi32>
    %jit3A_1138 = arith.constant 0.000000e+00 : f32
    %jit3A_1139 = arith.constant 1.000000e+00 : f32
    %broadcast_in_dim3A_1140 = vector.broadcast %jit3A_1138 : f32 to vector<16xf32>
    %broadcast_in_dim3A_1141 = vector.broadcast %jit3A_1139 : f32 to vector<16xf32>
    %select_n3A_1142 = arith.select %lt3A_1137, %broadcast_in_dim3A_1140, %broadcast_in_dim3A_1141 : vector<16xi1>, vector<16xf32>
    %swap3A_1143 = arith.constant 800 : index
    %swap3A_1144 = tpu.vector_load %arg15[%swap3A_1143] {strides = array<i32>} : memref<1024xf32, #tpu.memory_space<vmem>>, vector<16xf32>,
    %swap3A_1145 = vector.shape_cast %swap3A_1144 : vector<16xf32> to vector<16xf32>
    %swap3A_1146 = vector.shape_cast %select_n3A_1142 : vector<16xf32> to vector<16xf32>
    tpu.vector_store %arg15[%swap3A_1143], %swap3A_1146 {strides = array<i32>} : memref<1024xf32, #tpu.memory_space<vmem>>, vector<16xf32>,
    %get3A_1147 = arith.constant 816 : index
    %get3A_1148 = tpu.vector_load %arg14[%get3A_1147] {strides = array<i32>} : memref<1024xi32, #tpu.memory_space<vmem>>, vector<16xi32>,
    %get3A_1149 = vector.shape_cast %get3A_1148 : vector<16xi32> to vector<16xi32>
    %lt3A_1150 = arith.constant 2048 : i32
    %lt3A_1151 = vector.broadcast %lt3A_1150 : i32 to vector<16xi32>
    %lt3A_1152 = arith.cmpi slt, %get3A_1149, %lt3A_1151 : vector<16xi32>
    %jit3A_1153 = arith.constant 0.000000e+00 : f32
    %jit3A_1154 = arith.constant 1.000000e+00 : f32
    %broadcast_in_dim3A_1155 = vector.broadcast %jit3A_1153 : f32 to vector<16xf32>
    %broadcast_in_dim3A_1156 = vector.broadcast %jit3A_1154 : f32 to vector<16xf32>
    %select_n3A_1157 = arith.select %lt3A_1152, %broadcast_in_dim3A_1155, %broadcast_in_dim3A_1156 : vector<16xi1>, vector<16xf32>
    %swap3A_1158 = arith.constant 816 : index
    %swap3A_1159 = tpu.vector_load %arg15[%swap3A_1158] {strides = array<i32>} : memref<1024xf32, #tpu.memory_space<vmem>>, vector<16xf32>,
    %swap3A_1160 = vector.shape_cast %swap3A_1159 : vector<16xf32> to vector<16xf32>
    %swap3A_1161 = vector.shape_cast %select_n3A_1157 : vector<16xf32> to vector<16xf32>
    tpu.vector_store %arg15[%swap3A_1158], %swap3A_1161 {strides = array<i32>} : memref<1024xf32, #tpu.memory_space<vmem>>, vector<16xf32>,
    %get3A_1162 = arith.constant 832 : index
    %get3A_1163 = tpu.vector_load %arg14[%get3A_1162] {strides = array<i32>} : memref<1024xi32, #tpu.memory_space<vmem>>, vector<16xi32>,
    %get3A_1164 = vector.shape_cast %get3A_1163 : vector<16xi32> to vector<16xi32>
    %lt3A_1165 = arith.constant 2048 : i32
    %lt3A_1166 = vector.broadcast %lt3A_1165 : i32 to vector<16xi32>
    %lt3A_1167 = arith.cmpi slt, %get3A_1164, %lt3A_1166 : vector<16xi32>
    %jit3A_1168 = arith.constant 0.000000e+00 : f32
    %jit3A_1169 = arith.constant 1.000000e+00 : f32
    %broadcast_in_dim3A_1170 = vector.broadcast %jit3A_1168 : f32 to vector<16xf32>
    %broadcast_in_dim3A_1171 = vector.broadcast %jit3A_1169 : f32 to vector<16xf32>
    %select_n3A_1172 = arith.select %lt3A_1167, %broadcast_in_dim3A_1170, %broadcast_in_dim3A_1171 : vector<16xi1>, vector<16xf32>
    %swap3A_1173 = arith.constant 832 : index
    %swap3A_1174 = tpu.vector_load %arg15[%swap3A_1173] {strides = array<i32>} : memref<1024xf32, #tpu.memory_space<vmem>>, vector<16xf32>,
    %swap3A_1175 = vector.shape_cast %swap3A_1174 : vector<16xf32> to vector<16xf32>
    %swap3A_1176 = vector.shape_cast %select_n3A_1172 : vector<16xf32> to vector<16xf32>
    tpu.vector_store %arg15[%swap3A_1173], %swap3A_1176 {strides = array<i32>} : memref<1024xf32, #tpu.memory_space<vmem>>, vector<16xf32>,
    %get3A_1177 = arith.constant 848 : index
    %get3A_1178 = tpu.vector_load %arg14[%get3A_1177] {strides = array<i32>} : memref<1024xi32, #tpu.memory_space<vmem>>, vector<16xi32>,
    %get3A_1179 = vector.shape_cast %get3A_1178 : vector<16xi32> to vector<16xi32>
    %lt3A_1180 = arith.constant 2048 : i32
    %lt3A_1181 = vector.broadcast %lt3A_1180 : i32 to vector<16xi32>
    %lt3A_1182 = arith.cmpi slt, %get3A_1179, %lt3A_1181 : vector<16xi32>
    %jit3A_1183 = arith.constant 0.000000e+00 : f32
    %jit3A_1184 = arith.constant 1.000000e+00 : f32
    %broadcast_in_dim3A_1185 = vector.broadcast %jit3A_1183 : f32 to vector<16xf32>
    %broadcast_in_dim3A_1186 = vector.broadcast %jit3A_1184 : f32 to vector<16xf32>
    %select_n3A_1187 = arith.select %lt3A_1182, %broadcast_in_dim3A_1185, %broadcast_in_dim3A_1186 : vector<16xi1>, vector<16xf32>
    %swap3A_1188 = arith.constant 848 : index
    %swap3A_1189 = tpu.vector_load %arg15[%swap3A_1188] {strides = array<i32>} : memref<1024xf32, #tpu.memory_space<vmem>>, vector<16xf32>,
    %swap3A_1190 = vector.shape_cast %swap3A_1189 : vector<16xf32> to vector<16xf32>
    %swap3A_1191 = vector.shape_cast %select_n3A_1187 : vector<16xf32> to vector<16xf32>
    tpu.vector_store %arg15[%swap3A_1188], %swap3A_1191 {strides = array<i32>} : memref<1024xf32, #tpu.memory_space<vmem>>, vector<16xf32>,
    %get3A_1192 = arith.constant 864 : index
    %get3A_1193 = tpu.vector_load %arg14[%get3A_1192] {strides = array<i32>} : memref<1024xi32, #tpu.memory_space<vmem>>, vector<16xi32>,
    %get3A_1194 = vector.shape_cast %get3A_1193 : vector<16xi32> to vector<16xi32>
    %lt3A_1195 = arith.constant 2048 : i32
    %lt3A_1196 = vector.broadcast %lt3A_1195 : i32 to vector<16xi32>
    %lt3A_1197 = arith.cmpi slt, %get3A_1194, %lt3A_1196 : vector<16xi32>
    %jit3A_1198 = arith.constant 0.000000e+00 : f32
    %jit3A_1199 = arith.constant 1.000000e+00 : f32
    %broadcast_in_dim3A_1200 = vector.broadcast %jit3A_1198 : f32 to vector<16xf32>
    %broadcast_in_dim3A_1201 = vector.broadcast %jit3A_1199 : f32 to vector<16xf32>
    %select_n3A_1202 = arith.select %lt3A_1197, %broadcast_in_dim3A_1200, %broadcast_in_dim3A_1201 : vector<16xi1>, vector<16xf32>
    %swap3A_1203 = arith.constant 864 : index
    %swap3A_1204 = tpu.vector_load %arg15[%swap3A_1203] {strides = array<i32>} : memref<1024xf32, #tpu.memory_space<vmem>>, vector<16xf32>,
    %swap3A_1205 = vector.shape_cast %swap3A_1204 : vector<16xf32> to vector<16xf32>
    %swap3A_1206 = vector.shape_cast %select_n3A_1202 : vector<16xf32> to vector<16xf32>
    tpu.vector_store %arg15[%swap3A_1203], %swap3A_1206 {strides = array<i32>} : memref<1024xf32, #tpu.memory_space<vmem>>, vector<16xf32>,
    %get3A_1207 = arith.constant 880 : index
    %get3A_1208 = tpu.vector_load %arg14[%get3A_1207] {strides = array<i32>} : memref<1024xi32, #tpu.memory_space<vmem>>, vector<16xi32>,
    %get3A_1209 = vector.shape_cast %get3A_1208 : vector<16xi32> to vector<16xi32>
    %lt3A_1210 = arith.constant 2048 : i32
    %lt3A_1211 = vector.broadcast %lt3A_1210 : i32 to vector<16xi32>
    %lt3A_1212 = arith.cmpi slt, %get3A_1209, %lt3A_1211 : vector<16xi32>
    %jit3A_1213 = arith.constant 0.000000e+00 : f32
    %jit3A_1214 = arith.constant 1.000000e+00 : f32
    %broadcast_in_dim3A_1215 = vector.broadcast %jit3A_1213 : f32 to vector<16xf32>
    %broadcast_in_dim3A_1216 = vector.broadcast %jit3A_1214 : f32 to vector<16xf32>
    %select_n3A_1217 = arith.select %lt3A_1212, %broadcast_in_dim3A_1215, %broadcast_in_dim3A_1216 : vector<16xi1>, vector<16xf32>
    %swap3A_1218 = arith.constant 880 : index
    %swap3A_1219 = tpu.vector_load %arg15[%swap3A_1218] {strides = array<i32>} : memref<1024xf32, #tpu.memory_space<vmem>>, vector<16xf32>,
    %swap3A_1220 = vector.shape_cast %swap3A_1219 : vector<16xf32> to vector<16xf32>
    %swap3A_1221 = vector.shape_cast %select_n3A_1217 : vector<16xf32> to vector<16xf32>
    tpu.vector_store %arg15[%swap3A_1218], %swap3A_1221 {strides = array<i32>} : memref<1024xf32, #tpu.memory_space<vmem>>, vector<16xf32>,
    %get3A_1222 = arith.constant 896 : index
    %get3A_1223 = tpu.vector_load %arg14[%get3A_1222] {strides = array<i32>} : memref<1024xi32, #tpu.memory_space<vmem>>, vector<16xi32>,
    %get3A_1224 = vector.shape_cast %get3A_1223 : vector<16xi32> to vector<16xi32>
    %lt3A_1225 = arith.constant 2048 : i32
    %lt3A_1226 = vector.broadcast %lt3A_1225 : i32 to vector<16xi32>
    %lt3A_1227 = arith.cmpi slt, %get3A_1224, %lt3A_1226 : vector<16xi32>
    %jit3A_1228 = arith.constant 0.000000e+00 : f32
    %jit3A_1229 = arith.constant 1.000000e+00 : f32
    %broadcast_in_dim3A_1230 = vector.broadcast %jit3A_1228 : f32 to vector<16xf32>
    %broadcast_in_dim3A_1231 = vector.broadcast %jit3A_1229 : f32 to vector<16xf32>
    %select_n3A_1232 = arith.select %lt3A_1227, %broadcast_in_dim3A_1230, %broadcast_in_dim3A_1231 : vector<16xi1>, vector<16xf32>
    %swap3A_1233 = arith.constant 896 : index
    %swap3A_1234 = tpu.vector_load %arg15[%swap3A_1233] {strides = array<i32>} : memref<1024xf32, #tpu.memory_space<vmem>>, vector<16xf32>,
    %swap3A_1235 = vector.shape_cast %swap3A_1234 : vector<16xf32> to vector<16xf32>
    %swap3A_1236 = vector.shape_cast %select_n3A_1232 : vector<16xf32> to vector<16xf32>
    tpu.vector_store %arg15[%swap3A_1233], %swap3A_1236 {strides = array<i32>} : memref<1024xf32, #tpu.memory_space<vmem>>, vector<16xf32>,
    %get3A_1237 = arith.constant 912 : index
    %get3A_1238 = tpu.vector_load %arg14[%get3A_1237] {strides = array<i32>} : memref<1024xi32, #tpu.memory_space<vmem>>, vector<16xi32>,
    %get3A_1239 = vector.shape_cast %get3A_1238 : vector<16xi32> to vector<16xi32>
    %lt3A_1240 = arith.constant 2048 : i32
    %lt3A_1241 = vector.broadcast %lt3A_1240 : i32 to vector<16xi32>
    %lt3A_1242 = arith.cmpi slt, %get3A_1239, %lt3A_1241 : vector<16xi32>
    %jit3A_1243 = arith.constant 0.000000e+00 : f32
    %jit3A_1244 = arith.constant 1.000000e+00 : f32
    %broadcast_in_dim3A_1245 = vector.broadcast %jit3A_1243 : f32 to vector<16xf32>
    %broadcast_in_dim3A_1246 = vector.broadcast %jit3A_1244 : f32 to vector<16xf32>
    %select_n3A_1247 = arith.select %lt3A_1242, %broadcast_in_dim3A_1245, %broadcast_in_dim3A_1246 : vector<16xi1>, vector<16xf32>
    %swap3A_1248 = arith.constant 912 : index
    %swap3A_1249 = tpu.vector_load %arg15[%swap3A_1248] {strides = array<i32>} : memref<1024xf32, #tpu.memory_space<vmem>>, vector<16xf32>,
    %swap3A_1250 = vector.shape_cast %swap3A_1249 : vector<16xf32> to vector<16xf32>
    %swap3A_1251 = vector.shape_cast %select_n3A_1247 : vector<16xf32> to vector<16xf32>
    tpu.vector_store %arg15[%swap3A_1248], %swap3A_1251 {strides = array<i32>} : memref<1024xf32, #tpu.memory_space<vmem>>, vector<16xf32>,
    %get3A_1252 = arith.constant 928 : index
    %get3A_1253 = tpu.vector_load %arg14[%get3A_1252] {strides = array<i32>} : memref<1024xi32, #tpu.memory_space<vmem>>, vector<16xi32>,
    %get3A_1254 = vector.shape_cast %get3A_1253 : vector<16xi32> to vector<16xi32>
    %lt3A_1255 = arith.constant 2048 : i32
    %lt3A_1256 = vector.broadcast %lt3A_1255 : i32 to vector<16xi32>
    %lt3A_1257 = arith.cmpi slt, %get3A_1254, %lt3A_1256 : vector<16xi32>
    %jit3A_1258 = arith.constant 0.000000e+00 : f32
    %jit3A_1259 = arith.constant 1.000000e+00 : f32
    %broadcast_in_dim3A_1260 = vector.broadcast %jit3A_1258 : f32 to vector<16xf32>
    %broadcast_in_dim3A_1261 = vector.broadcast %jit3A_1259 : f32 to vector<16xf32>
    %select_n3A_1262 = arith.select %lt3A_1257, %broadcast_in_dim3A_1260, %broadcast_in_dim3A_1261 : vector<16xi1>, vector<16xf32>
    %swap3A_1263 = arith.constant 928 : index
    %swap3A_1264 = tpu.vector_load %arg15[%swap3A_1263] {strides = array<i32>} : memref<1024xf32, #tpu.memory_space<vmem>>, vector<16xf32>,
    %swap3A_1265 = vector.shape_cast %swap3A_1264 : vector<16xf32> to vector<16xf32>
    %swap3A_1266 = vector.shape_cast %select_n3A_1262 : vector<16xf32> to vector<16xf32>
    tpu.vector_store %arg15[%swap3A_1263], %swap3A_1266 {strides = array<i32>} : memref<1024xf32, #tpu.memory_space<vmem>>, vector<16xf32>,
    %get3A_1267 = arith.constant 944 : index
    %get3A_1268 = tpu.vector_load %arg14[%get3A_1267] {strides = array<i32>} : memref<1024xi32, #tpu.memory_space<vmem>>, vector<16xi32>,
    %get3A_1269 = vector.shape_cast %get3A_1268 : vector<16xi32> to vector<16xi32>
    %lt3A_1270 = arith.constant 2048 : i32
    %lt3A_1271 = vector.broadcast %lt3A_1270 : i32 to vector<16xi32>
    %lt3A_1272 = arith.cmpi slt, %get3A_1269, %lt3A_1271 : vector<16xi32>
    %jit3A_1273 = arith.constant 0.000000e+00 : f32
    %jit3A_1274 = arith.constant 1.000000e+00 : f32
    %broadcast_in_dim3A_1275 = vector.broadcast %jit3A_1273 : f32 to vector<16xf32>
    %broadcast_in_dim3A_1276 = vector.broadcast %jit3A_1274 : f32 to vector<16xf32>
    %select_n3A_1277 = arith.select %lt3A_1272, %broadcast_in_dim3A_1275, %broadcast_in_dim3A_1276 : vector<16xi1>, vector<16xf32>
    %swap3A_1278 = arith.constant 944 : index
    %swap3A_1279 = tpu.vector_load %arg15[%swap3A_1278] {strides = array<i32>} : memref<1024xf32, #tpu.memory_space<vmem>>, vector<16xf32>,
    %swap3A_1280 = vector.shape_cast %swap3A_1279 : vector<16xf32> to vector<16xf32>
    %swap3A_1281 = vector.shape_cast %select_n3A_1277 : vector<16xf32> to vector<16xf32>
    tpu.vector_store %arg15[%swap3A_1278], %swap3A_1281 {strides = array<i32>} : memref<1024xf32, #tpu.memory_space<vmem>>, vector<16xf32>,
    %get3A_1282 = arith.constant 960 : index
    %get3A_1283 = tpu.vector_load %arg14[%get3A_1282] {strides = array<i32>} : memref<1024xi32, #tpu.memory_space<vmem>>, vector<16xi32>,
    %get3A_1284 = vector.shape_cast %get3A_1283 : vector<16xi32> to vector<16xi32>
    %lt3A_1285 = arith.constant 2048 : i32
    %lt3A_1286 = vector.broadcast %lt3A_1285 : i32 to vector<16xi32>
    %lt3A_1287 = arith.cmpi slt, %get3A_1284, %lt3A_1286 : vector<16xi32>
    %jit3A_1288 = arith.constant 0.000000e+00 : f32
    %jit3A_1289 = arith.constant 1.000000e+00 : f32
    %broadcast_in_dim3A_1290 = vector.broadcast %jit3A_1288 : f32 to vector<16xf32>
    %broadcast_in_dim3A_1291 = vector.broadcast %jit3A_1289 : f32 to vector<16xf32>
    %select_n3A_1292 = arith.select %lt3A_1287, %broadcast_in_dim3A_1290, %broadcast_in_dim3A_1291 : vector<16xi1>, vector<16xf32>
    %swap3A_1293 = arith.constant 960 : index
    %swap3A_1294 = tpu.vector_load %arg15[%swap3A_1293] {strides = array<i32>} : memref<1024xf32, #tpu.memory_space<vmem>>, vector<16xf32>,
    %swap3A_1295 = vector.shape_cast %swap3A_1294 : vector<16xf32> to vector<16xf32>
    %swap3A_1296 = vector.shape_cast %select_n3A_1292 : vector<16xf32> to vector<16xf32>
    tpu.vector_store %arg15[%swap3A_1293], %swap3A_1296 {strides = array<i32>} : memref<1024xf32, #tpu.memory_space<vmem>>, vector<16xf32>,
    %get3A_1297 = arith.constant 976 : index
    %get3A_1298 = tpu.vector_load %arg14[%get3A_1297] {strides = array<i32>} : memref<1024xi32, #tpu.memory_space<vmem>>, vector<16xi32>,
    %get3A_1299 = vector.shape_cast %get3A_1298 : vector<16xi32> to vector<16xi32>
    %lt3A_1300 = arith.constant 2048 : i32
    %lt3A_1301 = vector.broadcast %lt3A_1300 : i32 to vector<16xi32>
    %lt3A_1302 = arith.cmpi slt, %get3A_1299, %lt3A_1301 : vector<16xi32>
    %jit3A_1303 = arith.constant 0.000000e+00 : f32
    %jit3A_1304 = arith.constant 1.000000e+00 : f32
    %broadcast_in_dim3A_1305 = vector.broadcast %jit3A_1303 : f32 to vector<16xf32>
    %broadcast_in_dim3A_1306 = vector.broadcast %jit3A_1304 : f32 to vector<16xf32>
    %select_n3A_1307 = arith.select %lt3A_1302, %broadcast_in_dim3A_1305, %broadcast_in_dim3A_1306 : vector<16xi1>, vector<16xf32>
    %swap3A_1308 = arith.constant 976 : index
    %swap3A_1309 = tpu.vector_load %arg15[%swap3A_1308] {strides = array<i32>} : memref<1024xf32, #tpu.memory_space<vmem>>, vector<16xf32>,
    %swap3A_1310 = vector.shape_cast %swap3A_1309 : vector<16xf32> to vector<16xf32>
    %swap3A_1311 = vector.shape_cast %select_n3A_1307 : vector<16xf32> to vector<16xf32>
    tpu.vector_store %arg15[%swap3A_1308], %swap3A_1311 {strides = array<i32>} : memref<1024xf32, #tpu.memory_space<vmem>>, vector<16xf32>,
    %get3A_1312 = arith.constant 992 : index
    %get3A_1313 = tpu.vector_load %arg14[%get3A_1312] {strides = array<i32>} : memref<1024xi32, #tpu.memory_space<vmem>>, vector<16xi32>,
    %get3A_1314 = vector.shape_cast %get3A_1313 : vector<16xi32> to vector<16xi32>
    %lt3A_1315 = arith.constant 2048 : i32
    %lt3A_1316 = vector.broadcast %lt3A_1315 : i32 to vector<16xi32>
    %lt3A_1317 = arith.cmpi slt, %get3A_1314, %lt3A_1316 : vector<16xi32>
    %jit3A_1318 = arith.constant 0.000000e+00 : f32
    %jit3A_1319 = arith.constant 1.000000e+00 : f32
    %broadcast_in_dim3A_1320 = vector.broadcast %jit3A_1318 : f32 to vector<16xf32>
    %broadcast_in_dim3A_1321 = vector.broadcast %jit3A_1319 : f32 to vector<16xf32>
    %select_n3A_1322 = arith.select %lt3A_1317, %broadcast_in_dim3A_1320, %broadcast_in_dim3A_1321 : vector<16xi1>, vector<16xf32>
    %swap3A_1323 = arith.constant 992 : index
    %swap3A_1324 = tpu.vector_load %arg15[%swap3A_1323] {strides = array<i32>} : memref<1024xf32, #tpu.memory_space<vmem>>, vector<16xf32>,
    %swap3A_1325 = vector.shape_cast %swap3A_1324 : vector<16xf32> to vector<16xf32>
    %swap3A_1326 = vector.shape_cast %select_n3A_1322 : vector<16xf32> to vector<16xf32>
    tpu.vector_store %arg15[%swap3A_1323], %swap3A_1326 {strides = array<i32>} : memref<1024xf32, #tpu.memory_space<vmem>>, vector<16xf32>,
    %get3A_1327 = arith.constant 1008 : index
    %get3A_1328 = tpu.vector_load %arg14[%get3A_1327] {strides = array<i32>} : memref<1024xi32, #tpu.memory_space<vmem>>, vector<16xi32>,
    %get3A_1329 = vector.shape_cast %get3A_1328 : vector<16xi32> to vector<16xi32>
    %lt3A_1330 = arith.constant 2048 : i32
    %lt3A_1331 = vector.broadcast %lt3A_1330 : i32 to vector<16xi32>
    %lt3A_1332 = arith.cmpi slt, %get3A_1329, %lt3A_1331 : vector<16xi32>
    %jit3A_1333 = arith.constant 0.000000e+00 : f32
    %jit3A_1334 = arith.constant 1.000000e+00 : f32
    %broadcast_in_dim3A_1335 = vector.broadcast %jit3A_1333 : f32 to vector<16xf32>
    %broadcast_in_dim3A_1336 = vector.broadcast %jit3A_1334 : f32 to vector<16xf32>
    %select_n3A_1337 = arith.select %lt3A_1332, %broadcast_in_dim3A_1335, %broadcast_in_dim3A_1336 : vector<16xi1>, vector<16xf32>
    %swap3A_1338 = arith.constant 1008 : index
    %swap3A_1339 = tpu.vector_load %arg15[%swap3A_1338] {strides = array<i32>} : memref<1024xf32, #tpu.memory_space<vmem>>, vector<16xf32>,
    %swap3A_1340 = vector.shape_cast %swap3A_1339 : vector<16xf32> to vector<16xf32>
    %swap3A_1341 = vector.shape_cast %select_n3A_1337 : vector<16xf32> to vector<16xf32>
    tpu.vector_store %arg15[%swap3A_1338], %swap3A_1341 {strides = array<i32>} : memref<1024xf32, #tpu.memory_space<vmem>>, vector<16xf32>,
    %dma_start3A_1342 = tpu.memref_slice %arg7[%add3A_387] : memref<32768xi32, #tpu.memory_space<hbm>> -> memref<1024xi32, #tpu.memory_space<hbm>>
    %dma_start3A_1343 = tpu.memref_slice %arg7[%add3A_387] : memref<32768xi32, #tpu.memory_space<hbm>> -> memref<1024xi32, #tpu.memory_space<hbm>>
    tpu.enqueue_dma source(%arg14 : memref<1024xi32, #tpu.memory_space<vmem>>) target(%dma_start3A_1343 : memref<1024xi32, #tpu.memory_space<hbm>>) target_semaphore(%arg21 : memref<!tpu.dma_semaphore, #tpu.memory_space<semaphore_mem>>)
    %dma_start3A_1344 = tpu.memref_slice %arg8[%add3A_387] : memref<32768xf32, #tpu.memory_space<hbm>> -> memref<1024xf32, #tpu.memory_space<hbm>>
    %dma_start3A_1345 = tpu.memref_slice %arg8[%add3A_387] : memref<32768xf32, #tpu.memory_space<hbm>> -> memref<1024xf32, #tpu.memory_space<hbm>>
    tpu.enqueue_dma source(%arg15 : memref<1024xf32, #tpu.memory_space<vmem>>) target(%dma_start3A_1345 : memref<1024xf32, #tpu.memory_space<hbm>>) target_semaphore(%arg21 : memref<!tpu.dma_semaphore, #tpu.memory_space<semaphore_mem>>)
    %dma_wait3A_1346 = arith.constant 0 : i32
    %dma_wait3A_1347 = arith.constant 0 : i32
    %dma_wait3A_1348 = tpu.memref_slice %arg9[%dma_wait3A_1346, %dma_wait3A_1347] : memref<4x64xi32, #tpu.memory_space<vmem>> -> memref<1x64xi32, #tpu.memory_space<vmem>>
    %dma_wait3A_1349 = tpu.memref_squeeze %dma_wait3A_1348 : memref<1x64xi32, #tpu.memory_space<vmem>> -> memref<64xi32, #tpu.memory_space<vmem>>
    %dma_wait3A_1350 = arith.constant 0 : i32
    %dma_wait3A_1351 = arith.constant 0 : i32
    %dma_wait3A_1352 = tpu.memref_slice %arg2[%dma_wait3A_1350, %dma_wait3A_1351] : memref<32768x768xf32, #tpu.memory_space<hbm>> -> memref<32768x768xf32, #tpu.memory_space<hbm>>
    tpu.wait_indirect_dma semaphore(%arg18 : memref<!tpu.dma_semaphore, #tpu.memory_space<semaphore_mem>>) src(%dma_wait3A_1352 : memref<32768x768xf32, #tpu.memory_space<hbm>>) dst(%arg10 : memref<64x768xf32, #tpu.memory_space<vmem>>)
    %add3A_1353 = arith.constant 0 : i32
    %add3A_1354 = arith.addi %mul3A_2, %add3A_1353 : i32
    %dma_start3A_1355 = arith.constant 0 : i32
    %dma_start3A_1356 = tpu.memref_slice %arg6[%add3A_1354, %dma_start3A_1355] : memref<8192x768xf32, #tpu.memory_space<hbm>> -> memref<64x768xf32, #tpu.memory_space<hbm>>
    %dma_start3A_1357 = arith.constant 0 : i32
    %dma_start3A_1358 = tpu.memref_slice %arg6[%add3A_1354, %dma_start3A_1357] : memref<8192x768xf32, #tpu.memory_space<hbm>> -> memref<64x768xf32, #tpu.memory_space<hbm>>
    tpu.enqueue_dma source(%arg10 : memref<64x768xf32, #tpu.memory_space<vmem>>) target(%dma_start3A_1358 : memref<64x768xf32, #tpu.memory_space<hbm>>) target_semaphore(%arg21 : memref<!tpu.dma_semaphore, #tpu.memory_space<semaphore_mem>>)
    %dma_wait3A_1359 = arith.constant 0 : i32
    %dma_wait3A_1360 = tpu.memref_slice %arg6[%add3A_1354, %dma_wait3A_1359] : memref<8192x768xf32, #tpu.memory_space<hbm>> -> memref<64x768xf32, #tpu.memory_space<hbm>>
    %dma_wait3A_1361 = arith.constant 0 : i32
    %dma_wait3A_1362 = tpu.memref_slice %arg6[%add3A_1354, %dma_wait3A_1361] : memref<8192x768xf32, #tpu.memory_space<hbm>> -> memref<64x768xf32, #tpu.memory_space<hbm>>
    tpu.wait_dma2 semaphore(%arg21 : memref<!tpu.dma_semaphore, #tpu.memory_space<semaphore_mem>>) src(%arg10 : memref<64x768xf32, #tpu.memory_space<vmem>>) dst(%dma_wait3A_1362 : memref<64x768xf32, #tpu.memory_space<hbm>>)
    %dma_start3A_1363 = arith.constant 2 : i32
    %dma_start3A_1364 = arith.constant 0 : i32
    %dma_start3A_1365 = tpu.memref_slice %arg9[%dma_start3A_1363, %dma_start3A_1364] : memref<4x64xi32, #tpu.memory_space<vmem>> -> memref<1x64xi32, #tpu.memory_space<vmem>>
    %dma_start3A_1366 = tpu.memref_squeeze %dma_start3A_1365 : memref<1x64xi32, #tpu.memory_space<vmem>> -> memref<64xi32, #tpu.memory_space<vmem>>
    %dma_start3A_1367 = arith.constant 0 : i32
    %dma_start3A_1368 = arith.constant 0 : i32
    %dma_start3A_1369 = tpu.memref_slice %arg2[%dma_start3A_1367, %dma_start3A_1368] : memref<32768x768xf32, #tpu.memory_space<hbm>> -> memref<32768x768xf32, #tpu.memory_space<hbm>>
    tpu.enqueue_indirect_dma source(%dma_start3A_1369 : memref<32768x768xf32, #tpu.memory_space<hbm>>) target(%arg10 : memref<64x768xf32, #tpu.memory_space<vmem>>) offsets(%dma_start3A_1366 : memref<64xi32, #tpu.memory_space<vmem>>) semaphore(%arg18 : memref<!tpu.dma_semaphore, #tpu.memory_space<semaphore_mem>>)
    %dma_wait3A_1370 = arith.constant 1 : i32
    %dma_wait3A_1371 = arith.constant 0 : i32
    %dma_wait3A_1372 = tpu.memref_slice %arg9[%dma_wait3A_1370, %dma_wait3A_1371] : memref<4x64xi32, #tpu.memory_space<vmem>> -> memref<1x64xi32, #tpu.memory_space<vmem>>
    %dma_wait3A_1373 = tpu.memref_squeeze %dma_wait3A_1372 : memref<1x64xi32, #tpu.memory_space<vmem>> -> memref<64xi32, #tpu.memory_space<vmem>>
    %dma_wait3A_1374 = arith.constant 0 : i32
    %dma_wait3A_1375 = arith.constant 0 : i32
    %dma_wait3A_1376 = tpu.memref_slice %arg2[%dma_wait3A_1374, %dma_wait3A_1375] : memref<32768x768xf32, #tpu.memory_space<hbm>> -> memref<32768x768xf32, #tpu.memory_space<hbm>>
    tpu.wait_indirect_dma semaphore(%arg19 : memref<!tpu.dma_semaphore, #tpu.memory_space<semaphore_mem>>) src(%dma_wait3A_1376 : memref<32768x768xf32, #tpu.memory_space<hbm>>) dst(%arg11 : memref<64x768xf32, #tpu.memory_space<vmem>>)
    %add3A_1377 = arith.constant 64 : i32
    %add3A_1378 = arith.addi %mul3A_2, %add3A_1377 : i32
    %dma_start3A_1379 = arith.constant 0 : i32
    %dma_start3A_1380 = tpu.memref_slice %arg6[%add3A_1378, %dma_start3A_1379] : memref<8192x768xf32, #tpu.memory_space<hbm>> -> memref<64x768xf32, #tpu.memory_space<hbm>>
    %dma_start3A_1381 = arith.constant 0 : i32
    %dma_start3A_1382 = tpu.memref_slice %arg6[%add3A_1378, %dma_start3A_1381] : memref<8192x768xf32, #tpu.memory_space<hbm>> -> memref<64x768xf32, #tpu.memory_space<hbm>>
    tpu.enqueue_dma source(%arg11 : memref<64x768xf32, #tpu.memory_space<vmem>>) target(%dma_start3A_1382 : memref<64x768xf32, #tpu.memory_space<hbm>>) target_semaphore(%arg21 : memref<!tpu.dma_semaphore, #tpu.memory_space<semaphore_mem>>)
    %dma_wait3A_1383 = arith.constant 0 : i32
    %dma_wait3A_1384 = tpu.memref_slice %arg6[%add3A_1378, %dma_wait3A_1383] : memref<8192x768xf32, #tpu.memory_space<hbm>> -> memref<64x768xf32, #tpu.memory_space<hbm>>
    %dma_wait3A_1385 = arith.constant 0 : i32
    %dma_wait3A_1386 = tpu.memref_slice %arg6[%add3A_1378, %dma_wait3A_1385] : memref<8192x768xf32, #tpu.memory_space<hbm>> -> memref<64x768xf32, #tpu.memory_space<hbm>>
    tpu.wait_dma2 semaphore(%arg21 : memref<!tpu.dma_semaphore, #tpu.memory_space<semaphore_mem>>) src(%arg11 : memref<64x768xf32, #tpu.memory_space<vmem>>) dst(%dma_wait3A_1386 : memref<64x768xf32, #tpu.memory_space<hbm>>)
    %dma_start3A_1387 = arith.constant 3 : i32
    %dma_start3A_1388 = arith.constant 0 : i32
    %dma_start3A_1389 = tpu.memref_slice %arg9[%dma_start3A_1387, %dma_start3A_1388] : memref<4x64xi32, #tpu.memory_space<vmem>> -> memref<1x64xi32, #tpu.memory_space<vmem>>
    %dma_start3A_1390 = tpu.memref_squeeze %dma_start3A_1389 : memref<1x64xi32, #tpu.memory_space<vmem>> -> memref<64xi32, #tpu.memory_space<vmem>>
    %dma_start3A_1391 = arith.constant 0 : i32
    %dma_start3A_1392 = arith.constant 0 : i32
    %dma_start3A_1393 = tpu.memref_slice %arg2[%dma_start3A_1391, %dma_start3A_1392] : memref<32768x768xf32, #tpu.memory_space<hbm>> -> memref<32768x768xf32, #tpu.memory_space<hbm>>
    tpu.enqueue_indirect_dma source(%dma_start3A_1393 : memref<32768x768xf32, #tpu.memory_space<hbm>>) target(%arg11 : memref<64x768xf32, #tpu.memory_space<vmem>>) offsets(%dma_start3A_1390 : memref<64xi32, #tpu.memory_space<vmem>>) semaphore(%arg19 : memref<!tpu.dma_semaphore, #tpu.memory_space<semaphore_mem>>)
    %dma_wait3A_1394 = arith.constant 2 : i32
    %dma_wait3A_1395 = arith.constant 0 : i32
    %dma_wait3A_1396 = tpu.memref_slice %arg9[%dma_wait3A_1394, %dma_wait3A_1395] : memref<4x64xi32, #tpu.memory_space<vmem>> -> memref<1x64xi32, #tpu.memory_space<vmem>>
    %dma_wait3A_1397 = tpu.memref_squeeze %dma_wait3A_1396 : memref<1x64xi32, #tpu.memory_space<vmem>> -> memref<64xi32, #tpu.memory_space<vmem>>
    %dma_wait3A_1398 = arith.constant 0 : i32
    %dma_wait3A_1399 = arith.constant 0 : i32
    %dma_wait3A_1400 = tpu.memref_slice %arg2[%dma_wait3A_1398, %dma_wait3A_1399] : memref<32768x768xf32, #tpu.memory_space<hbm>> -> memref<32768x768xf32, #tpu.memory_space<hbm>>
    tpu.wait_indirect_dma semaphore(%arg18 : memref<!tpu.dma_semaphore, #tpu.memory_space<semaphore_mem>>) src(%dma_wait3A_1400 : memref<32768x768xf32, #tpu.memory_space<hbm>>) dst(%arg10 : memref<64x768xf32, #tpu.memory_space<vmem>>)
    %add3A_1401 = arith.constant 128 : i32
    %add3A_1402 = arith.addi %mul3A_2, %add3A_1401 : i32
    %dma_start3A_1403 = arith.constant 0 : i32
    %dma_start3A_1404 = tpu.memref_slice %arg6[%add3A_1402, %dma_start3A_1403] : memref<8192x768xf32, #tpu.memory_space<hbm>> -> memref<64x768xf32, #tpu.memory_space<hbm>>
    %dma_start3A_1405 = arith.constant 0 : i32
    %dma_start3A_1406 = tpu.memref_slice %arg6[%add3A_1402, %dma_start3A_1405] : memref<8192x768xf32, #tpu.memory_space<hbm>> -> memref<64x768xf32, #tpu.memory_space<hbm>>
    tpu.enqueue_dma source(%arg10 : memref<64x768xf32, #tpu.memory_space<vmem>>) target(%dma_start3A_1406 : memref<64x768xf32, #tpu.memory_space<hbm>>) target_semaphore(%arg21 : memref<!tpu.dma_semaphore, #tpu.memory_space<semaphore_mem>>)
    %dma_wait3A_1407 = arith.constant 3 : i32
    %dma_wait3A_1408 = arith.constant 0 : i32
    %dma_wait3A_1409 = tpu.memref_slice %arg9[%dma_wait3A_1407, %dma_wait3A_1408] : memref<4x64xi32, #tpu.memory_space<vmem>> -> memref<1x64xi32, #tpu.memory_space<vmem>>
    %dma_wait3A_1410 = tpu.memref_squeeze %dma_wait3A_1409 : memref<1x64xi32, #tpu.memory_space<vmem>> -> memref<64xi32, #tpu.memory_space<vmem>>
    %dma_wait3A_1411 = arith.constant 0 : i32
    %dma_wait3A_1412 = arith.constant 0 : i32
    %dma_wait3A_1413 = tpu.memref_slice %arg2[%dma_wait3A_1411, %dma_wait3A_1412] : memref<32768x768xf32, #tpu.memory_space<hbm>> -> memref<32768x768xf32, #tpu.memory_space<hbm>>
    tpu.wait_indirect_dma semaphore(%arg19 : memref<!tpu.dma_semaphore, #tpu.memory_space<semaphore_mem>>) src(%dma_wait3A_1413 : memref<32768x768xf32, #tpu.memory_space<hbm>>) dst(%arg11 : memref<64x768xf32, #tpu.memory_space<vmem>>)
    %add3A_1414 = arith.constant 192 : i32
    %add3A_1415 = arith.addi %mul3A_2, %add3A_1414 : i32
    %dma_start3A_1416 = arith.constant 0 : i32
    %dma_start3A_1417 = tpu.memref_slice %arg6[%add3A_1415, %dma_start3A_1416] : memref<8192x768xf32, #tpu.memory_space<hbm>> -> memref<64x768xf32, #tpu.memory_space<hbm>>
    %dma_start3A_1418 = arith.constant 0 : i32
    %dma_start3A_1419 = tpu.memref_slice %arg6[%add3A_1415, %dma_start3A_1418] : memref<8192x768xf32, #tpu.memory_space<hbm>> -> memref<64x768xf32, #tpu.memory_space<hbm>>
    tpu.enqueue_dma source(%arg11 : memref<64x768xf32, #tpu.memory_space<vmem>>) target(%dma_start3A_1419 : memref<64x768xf32, #tpu.memory_space<hbm>>) target_semaphore(%arg21 : memref<!tpu.dma_semaphore, #tpu.memory_space<semaphore_mem>>)
    %dma_wait3A_1420 = tpu.memref_slice %arg7[%add3A_387] : memref<32768xi32, #tpu.memory_space<hbm>> -> memref<1024xi32, #tpu.memory_space<hbm>>
    %dma_wait3A_1421 = tpu.memref_slice %arg7[%add3A_387] : memref<32768xi32, #tpu.memory_space<hbm>> -> memref<1024xi32, #tpu.memory_space<hbm>>
    tpu.wait_dma2 semaphore(%arg21 : memref<!tpu.dma_semaphore, #tpu.memory_space<semaphore_mem>>) src(%arg14 : memref<1024xi32, #tpu.memory_space<vmem>>) dst(%dma_wait3A_1421 : memref<1024xi32, #tpu.memory_space<hbm>>)
    %dma_wait3A_1422 = tpu.memref_slice %arg8[%add3A_387] : memref<32768xf32, #tpu.memory_space<hbm>> -> memref<1024xf32, #tpu.memory_space<hbm>>
    %dma_wait3A_1423 = tpu.memref_slice %arg8[%add3A_387] : memref<32768xf32, #tpu.memory_space<hbm>> -> memref<1024xf32, #tpu.memory_space<hbm>>
    tpu.wait_dma2 semaphore(%arg21 : memref<!tpu.dma_semaphore, #tpu.memory_space<semaphore_mem>>) src(%arg15 : memref<1024xf32, #tpu.memory_space<vmem>>) dst(%dma_wait3A_1423 : memref<1024xf32, #tpu.memory_space<hbm>>)
    %dma_wait3A_1424 = arith.constant 0 : i32
    %dma_wait3A_1425 = tpu.memref_slice %arg6[%add3A_1402, %dma_wait3A_1424] : memref<8192x768xf32, #tpu.memory_space<hbm>> -> memref<64x768xf32, #tpu.memory_space<hbm>>
    %dma_wait3A_1426 = arith.constant 0 : i32
    %dma_wait3A_1427 = tpu.memref_slice %arg6[%add3A_1402, %dma_wait3A_1426] : memref<8192x768xf32, #tpu.memory_space<hbm>> -> memref<64x768xf32, #tpu.memory_space<hbm>>
    tpu.wait_dma2 semaphore(%arg21 : memref<!tpu.dma_semaphore, #tpu.memory_space<semaphore_mem>>) src(%arg10 : memref<64x768xf32, #tpu.memory_space<vmem>>) dst(%dma_wait3A_1427 : memref<64x768xf32, #tpu.memory_space<hbm>>)
    %dma_wait3A_1428 = arith.constant 0 : i32
    %dma_wait3A_1429 = tpu.memref_slice %arg6[%add3A_1415, %dma_wait3A_1428] : memref<8192x768xf32, #tpu.memory_space<hbm>> -> memref<64x768xf32, #tpu.memory_space<hbm>>
    %dma_wait3A_1430 = arith.constant 0 : i32
    %dma_wait3A_1431 = tpu.memref_slice %arg6[%add3A_1415, %dma_wait3A_1430] : memref<8192x768xf32, #tpu.memory_space<hbm>> -> memref<64x768xf32, #tpu.memory_space<hbm>>
    tpu.wait_dma2 semaphore(%arg21 : memref<!tpu.dma_semaphore, #tpu.memory_space<semaphore_mem>>) src(%arg11 : memref<64x768xf32, #tpu.memory_space<vmem>>) dst(%dma_wait3A_1431 : memref<64x768xf32, #tpu.memory_space<hbm>>)
    return
  }
}

</mosaic_0001>

<sc_bundles>
// kernel: kernel.3.cloned.1.call-start
scs
__scs_entry_jumppad:
0x0: {  	(pc) =	sbr.rel $0x88, $3  }
0x1: {  	(tag) =	ssettag $0x0;
	lr =	simm.s32 $0x1  }
0x2: {  	[smem:$0x3FA0] =	sst lr;
	_ =	strace $0xD0000000  }
0x3: {  	_ = 	snop  }
0x4: {  	_ = 	snop  }
0x5: {  	_ = 	snop  }
0x6: {  	_ = 	snop  }
0x7: {  	_ = 	snop  }
__scs_overlays_trampoline_lowered:
0x8: {  	[smem:$0x3FAF] =	sst s0  }
0x9: {  	[smem:$0x3FB0] =	sst s1  }
0xa: {  	[smem:$0x3FB1] =	sst s2  }
0xb: {  	[smem:$0x3FB2] =	sst s3  }
0xc: {  	[smem:$0x3FB3] =	sst s4  }
0xd: {  	[smem:$0x3FB4] =	sst s5  }
0xe: {  	[smem:$0x3FB5] =	sst s6  }
0xf: {  	[smem:$0x3FB6] =	sst s7  }
0x10: {  	[smem:$0x3FB7] =	sst s8  }
0x11: {  	[smem:$0x3FB8] =	sst s9;
	s0 =	simm.s32 @!p0 $0x0  }
0x12: {  	s1 =	sld [smem:$0x3F9E];
	s0 =	simm.s32 @p0 $0x1  }
0x13: {  	[smem:$0x3FB9] =	sst s0;
	s0 =	simm.s32 @!p1 $0x0  }
0x14: {  	s2 =	sld [smem:$0x3F9D];
	s0 =	simm.s32 @p1 $0x1  }
0x15: {  	[smem:$0x3FBA] =	sst s0;
	s0 =	simm.s32 @!p2 $0x0  }
0x16: {  	s3 =	sld [smem:$0x3FDB];
	s0 =	simm.s32 @p2 $0x1  }
0x17: {  	s4 =	simm.s32 $0x1BF5;
	[smem:$0x3FBC] =	sst s0  }
0x18: {  	s0 =	sld [smem:$0x3F9F];
	_ =	swait.ge [sflag:s4], $0x0  }
0x19: {  	s7 =	sld [smem:$0x3FA0]  }
0x1a: {  	s8 =	sadd.s32 $0xFFFFE003, lr  }
0x1b: {  	s9 =	sadd.s32 $0xFFFFFEF7, lr;
	s5 =	simm.s32 $0xFFFFFFFF;
	p2 =	slt.u32 s8, $0xFFFFF086  }
0x1c: {  	p1 =	slt.u32 s9, $0xF7A;
	s5 =	simm.s32 @!p2 $0x0  }
0x1d: {  	s5 =	simm.s32 @p1 $0x1;
	p0 =	seq.s32 s7, s2  }
0x1e: {  	s7 =	smul.u32 @!p0 $0xF7A, s2;
	p2 =	seq.s32 @!p0 s5, $0x0  }
0x1f: {  	s9 =	smul.u32 $0xF7A, s1;
	s8 =	simm.s32 @!p0 $0x1BF5;
	p2 =	por !p2, p0  }
0x20: {  	[sflag:s8] =	ssyncset.s32 @!p0 $0xFFFFF086;
	s6 =	sadd.s32 @!p0 s3, s7;
	s7 =	simm.s32 @!p0 $0x108  }
0x21: {  	s3 =	sadd.s32 s3, s9;
	s6 =	sadd.s32 @!p0 $0x88, s6;
	s7 =	simm.s32 @p2 $0x1082  }
0x22: {  	[simem:s7], [sflag:s8] =	dma.local @!p0 [hbm:s6], $0xF7A  }
0x23: {  	s9 =	sor.u32 $0xD0000000, s2;
	s6 =	simm.s32 $0x108;
	_ =	swait.ge @!p0 [sflag:s8], $0x0  }
0x24: {  	s3 =	sadd.s32 $0x88, s3;
	s6 =	simm.s32 @!p1 $0x1082;
	[sflag:s4] =	ssyncset.s32 $0xFFFFF086  }
0x25: {  	[simem:s6], [sflag:s4] =	dma.local [hbm:s3], $0xF7A  }
0x26: {  	[smem:$0x3FA0] =	sst s1;
	(tag) =	ssettag s2;
	_ =	strace s9  }
0x27: {  	s1 =	sld [smem:$0x3FB0]  }
0x28: {  	s2 =	sld [smem:$0x3FB1]  }
0x29: {  	s4 =	sld [smem:$0x3FB3]  }
0x2a: {  	p0 =	seq.s32 s5, $0x0;
	s5 =	sld [smem:$0x3FB4]  }
0x2b: {  	s6 =	sld [smem:$0x3FB5]  }
0x2c: {  	s7 =	sld [smem:$0x3FB6]  }
0x2d: {  	s3 =	simm.s32 $0x108;
	s8 =	sld [smem:$0x3FB7]  }
0x2e: {  	s3 =	simm.s32 @!p0 $0x1082;
	s9 =	sld [smem:$0x3FB8]  }
0x2f: {  	lr =	sadd.s32 s0, s3;
	s0 =	sld [smem:$0x3FAF]  }
0x30: {  	s3 =	sld [smem:$0x3FB2]  }
0x31: {  	[smem:$0x3FBB] =	sst s10  }
0x32: {  	s10 =	sld [smem:$0x3FB9];
	_ =	sdelay $0x3  }
0x33: {  	p0 =	seq.s32 s10, $0x1;
	s10 =	sld [smem:$0x3FBB];
	_ =	sdelay $0x3  }
0x34: {  	[smem:$0x3FBB] =	sst s10  }
0x35: {  	s10 =	sld [smem:$0x3FBA];
	_ =	sdelay $0x3  }
0x36: {  	p1 =	seq.s32 s10, $0x1;
	s10 =	sld [smem:$0x3FBB];
	_ =	sdelay $0x3  }
0x37: {  	[smem:$0x3FBB] =	sst s10  }
0x38: {  	s10 =	sld [smem:$0x3FBC]  }
0x39: {  	_ = 	snop;
	(pc) =	sbr.ind lr, $3  }
0x3a: {  	_ = 	snop  }
0x3b: {  	_ = 	snop  }
0x3c: {  	p2 =	seq.s32 s10, $0x1;
	s10 =	sld [smem:$0x3FBB]  }
0x3d: {  	_ =	shalt  }
0x3e: {  	_ =	shalt  }
0x3f: {  	_ =	shalt  }
0x40: {  	_ =	shalt  }
0x41: {  	_ =	shalt  }
0x42: {  	_ =	shalt  }
0x43: {  	_ =	shalt  }
0x44: {  	_ =	shalt  }
0x45: {  	_ =	shalt  }
0x46: {  	_ =	shalt  }
0x47: {  	_ =	shalt  }
0x48: {  	_ =	shalt  }
0x49: {  	_ =	shalt  }
0x4a: {  	_ =	shalt  }
0x4b: {  	_ =	shalt  }
0x4c: {  	_ =	shalt  }
0x4d: {  	_ =	shalt  }
0x4e: {  	_ =	shalt  }
0x4f: {  	_ =	shalt  }
0x50: {  	_ =	shalt  }
0x51: {  	_ =	shalt  }
0x52: {  	_ =	shalt  }
0x53: {  	_ =	shalt  }
0x54: {  	_ =	shalt  }
0x55: {  	_ =	shalt  }
0x56: {  	_ =	shalt  }
0x57: {  	_ =	shalt  }
0x58: {  	_ =	shalt  }
0x59: {  	_ =	shalt  }
0x5a: {  	_ =	shalt  }
0x5b: {  	_ =	shalt  }
0x5c: {  	_ =	shalt  }
0x5d: {  	_ =	shalt  }
0x5e: {  	_ =	shalt  }
0x5f: {  	_ =	shalt  }
0x60: {  	_ =	shalt  }
0x61: {  	_ =	shalt  }
0x62: {  	_ =	shalt  }
0x63: {  	_ =	shalt  }
0x64: {  	_ =	shalt  }
0x65: {  	_ =	shalt  }
0x66: {  	_ =	shalt  }
0x67: {  	_ =	shalt  }
0x68: {  	_ =	shalt  }
0x69: {  	_ =	shalt  }
0x6a: {  	_ =	shalt  }
0x6b: {  	_ =	shalt  }
0x6c: {  	_ =	shalt  }
0x6d: {  	_ =	shalt  }
0x6e: {  	_ =	shalt  }
0x6f: {  	_ =	shalt  }
0x70: {  	_ =	shalt  }
0x71: {  	_ =	shalt  }
0x72: {  	_ =	shalt  }
0x73: {  	_ =	shalt  }
0x74: {  	_ =	shalt  }
0x75: {  	_ =	shalt  }
0x76: {  	_ =	shalt  }
0x77: {  	_ =	shalt  }
0x78: {  	_ =	shalt  }
0x79: {  	_ =	shalt  }
0x7a: {  	_ =	shalt  }
0x7b: {  	_ =	shalt  }
0x7c: {  	_ =	shalt  }
0x7d: {  	_ =	shalt  }
0x7e: {  	_ =	shalt  }
0x7f: {  	_ =	shalt  }
0x80: {  	_ =	shalt  }
0x81: {  	_ =	shalt  }
0x82: {  	_ =	shalt  }
0x83: {  	_ =	shalt  }
0x84: {  	_ =	shalt  }
0x85: {  	_ =	shalt  }
0x86: {  	_ =	shalt  }
0x87: {  	_ =	shalt  }
.Lfunc_end0:
.L_simem_size_0:
called_computation_lowered:
.L_overlay_start_0:
0x88: {  	s2 =	sld [smem:$0x3FD9]  }
0x89: {  	s3 =	sld [smem:$0x3FFE];
	_ =	sdelay $0x1  }
0x8a: {  	s1 =	srdreg.scid  }
0x8b: {  	s0 =	sand.u32 $0x1, s1  }
0x8c: {  	s14 =	sshll.u32 s0, $0xA;
	s2 =	sadd.s32 s3, s2  }
0x8d: {  	s2 =	sadd.s32 s2, s14  }
0x8e: {  	[smem:$0x3FC7] =	sst s2  }
0x8f: {  	_ = 	snop  }
0x90: {  	s2 =	sld [smem:$0x3FD0];
	_ =	sdelay $0x2  }
0x91: {  	s4 =	simm.s32 $0xA;
	s5 =	simm.s32 $0x10;
	s15 =	sld [smem:$0x3FC9]  }
0x92: {  	[smem:s5], [sflag:s4] =	dma.local [hbm:s2], $0x1  }
0x93: {  	_ =	swait.eq [sflag:s4], $0x1  }
0x94: {  	s16 =	sld [smem:$0x10];
	[sflag:s4] =	ssyncset.done $0x0  }
0x95: {  	s17 =	sld [smem:$0x11];
	[sflag:s4] =	ssyncadd.s32 $0xFFFFFFFF  }
0x96: {  	s18 =	sld [smem:$0x12];
	(tm) =	ssettm $0x1  }
0x97: {  	s6 =	sld [smem:$0x3FFB];
	_ =	sdelay $0x3  }
0x98: {  	_ =	strace s6  }
0x99: {  	s6 =	sld [smem:$0x3FFC];
	_ =	sdelay $0x3  }
0x9a: {  	_ =	strace s6  }
0x9b: {  	s6 =	sld [smem:$0x3FFD];
	_ =	sdelay $0x3  }
0x9c: {  	_ =	strace s6  }
0x9d: {  	_ =	strace $0x8FFFFFFF  }
0x9e: {  	s19 =	sld [smem:$0x3FDB];
	_ =	sdelay $0x1  }
0x9f: {  	s7 =	simm.s32 $_scs_section_size  }
0xa0: {  	s8 =	simm.s32 $_size__tile_overlayer_lowered;
	s9 =	simm.s32 $_tile_overlayer_lowered  }
0xa1: {  	s22 =	simm.s32 $0x1BFF;
	s21 =	sshll.u32 s9, $0x1;
	s6 =	sadd.s32 s7, s19  }
0xa2: {  	s10 =	simm.s32 $0x0;
	s20 =	sshll.u32 s8, $0x1;
	s8 =	sadd.s32 s21, s6  }
0xa3: {  	[timem:s10], [sflag:s22] =	dma.local [hbm:s8], s20  }
0xa4: {  	_ =	swait.ge [sflag:s22], s20  }
0xa5: {  	s7 =	ssub.s32 $0x0, s20;
	[sflag:s22] =	ssyncset.done $0x0  }
0xa6: {  	[sflag:s22] =	ssyncadd.s32 s7;
	_ =	sdelay $0x1  }
0xa7: {  	s23 =	simm.s32 $0x1B8B  }
0xa8: {  	_ =	swait.ge [sflag:s23], $0x1  }
0xa9: {  	[sflag:s23] =	ssyncset.done $0x0  }
0xaa: {  	s25 =	simm.s32 $0x1B8E;
	s24 =	sld [smem:$0x3FFE];
	[sflag:s23] =	ssyncadd.s32 $0xFFFFFFFF  }
0xab: {  	s26 =	simm.s32 $execute0_lowered;
	[smem:$0x3FD2] =	sst s25  }
0xac: {  	s8 =	sshll.u32 s26, $0x1;
	_ =	strace $0x80000046;
	[dreg:$0x1] =	wrdreg $0xFFFFFFFF  }
0xad: {  	s28 =	simm.s32 $_size_execute0_lowered;
	s6 =	sadd.s32 s6, s8;
	[dreg:$0x0] =	wrdreg $0x0  }
0xae: {  	s8 =	sshll.u32 s28, $0x1;
	[dreg:$0x2] =	wrdreg s6  }
0xaf: {  	[dreg:$0x3] =	wrdreg s8  }
0xb0: {  	[dreg:$0x4] =	wrdreg $0xC0  }
0xb1: {  	_ =	task [dreg:s10], $0x5FFFF  }
0xb2: {  	[dreg:$0x1] =	wrdreg $0xFFFFFFFF  }
0xb3: {  	[dreg:$0x0] =	wrdreg $0x60  }
0xb4: {  	[dreg:$0x2] =	wrdreg s15  }
0xb5: {  	[dreg:$0x3] =	wrdreg s24  }
0xb6: {  	[dreg:$0x4] =	wrdreg s18  }
0xb7: {  	[dreg:$0x5] =	wrdreg s17  }
0xb8: {  	[dreg:$0x6] =	wrdreg s16  }
0xb9: {  	[dreg:$0x7] =	wrdreg $0x19A000  }
0xba: {  	[dreg:$0x8] =	wrdreg $0x9  }
0xbb: {  	_ =	task.clear_ibuf [dreg:s10], $0x9FFFF;
	_ =	strace $0x90000046  }
0xbc: {  	s29 =	simm.s32 $0x9;
	_ =	strace $0x80000048  }
0xbd: {  	_ =	swait.ge [sflag:s29], $0x1  }
0xbe: {  	[sflag:s29] =	ssyncadd.s32 $0xFFFFFFFF  }
0xbf: {  	_ =	strace $0x90000048  }
0xc0: {  	_ =	sfence  }
0xc1: {  	s30 =	sld [smem:$0x0];
	_ =	sdelay $0x2  }
0xc2: {  	s31 =	sshll.u32 s1, $0xD;
	s1 =	sshrl.u32 s1, $0x2  }
0xc3: {  	s3 =	sand.u32 $0x4000, s31;
	s1 =	sadd.s32 s1, s30  }
0xc4: {  	s0 =	sor.u32 s3, s0;
	s1 =	sshll.u32 s1, $0x11  }
0xc5: {  	s0 =	sor.u32 s1, s0  }
0xc6: {  	s0 =	sadd.s32 $0x8F2B, s0  }
0xc7: {  	[sflag:s0] =	ssyncadd.remote.s32 $0x1  }
0xc8: {  	_ =	sfence.sel $0xFFFF  }
0xc9: {  	[dreg:$0x0] =	wrdreg $0xFFFFFFFF;
	(pc) =	sbr.abs _section_cstart, $3  }
0xca: {  	[dreg:$0x1] =	wrdreg $0xFFFFFFFF  }
0xcb: {  	_ =	task.clear_ibuf [dreg:s10], $0x2FFFF;
	_ =	strace $0x9FFFFFFF  }
0xcc: {  	(tm) =	ssettm $0x7FFFFFFF  }
0xcd: {  	_ =	shalt  }
tec
execute0_lowered:
.L_overlay_start_1:
0x0: {  	(tag) =	ssettag $0x1  }
0x1: {  	s1 =	rddreg [dreg:$0x0]  }
0x2: {  	s0 =	rddreg [dreg:$0x1]  }
0x3: {  	s2 =	rddreg [dreg:$0x2]  }
0x4: {  	s5 =	rddreg [dreg:$0x3]  }
0x5: {  	s6 =	rddreg [dreg:$0x4]  }
0x6: {  	s3 =	rddreg [dreg:$0x5];
	s4 =	simm.s32 $0x0  }
0x7: {  	s17 =	simm.s32 $0x18280;
	[smem:$0x7FF] =	sst s4  }
0x8: {  	s18 =	simm.s32 $0x18A80;
	_ =	strace $0x80000047;
	[dreg:$0x10] =	wrdreg s17  }
0x9: {  	s19 =	simm.s32 $0x18300;
	[dreg:$0x11] =	wrdreg s18  }
0xa: {  	s20 =	simm.s32 $0x18B00;
	[dreg:$0x12] =	wrdreg s19  }
0xb: {  	s21 =	simm.s32 $0x18380;
	[dreg:$0x13] =	wrdreg s20  }
0xc: {  	s12 =	stileid.u32;
	s22 =	simm.s32 $0x18B80;
	[dreg:$0x14] =	wrdreg s21  }
0xd: {  	s23 =	simm.s32 $0x18400;
	s25 =	sshll.u32 s12, $0x8;
	[dreg:$0x15] =	wrdreg s22  }
0xe: {  	s7 =	srdreg.scid;
	s2 =	sadd.s32 s2, s25;
	[dreg:$0x16] =	wrdreg s23  }
0xf: {  	s28 =	simm.s32 $0x1200;
	s5 =	sadd.s32 s5, s25;
	[dreg:$0x8] =	wrdreg s2  }
0x10: {  	s29 =	simm.s32 $0x1A00;
	s25 =	simm.s32 $0x18480;
	[dreg:$0x9] =	wrdreg s5  }
0x11: {  	s30 =	simm.s32 $0x2200;
	s17 =	simm.s32 $0x18F80;
	[dreg:$0x18] =	wrdreg s25  }
0x12: {  	s31 =	simm.s32 $0x2A00;
	s18 =	simm.s32 $0x18800;
	[smem:$0x7F4] =	sst s17  }
0x13: {  	s7 =	sand.u32 $0x1, s7;
	s19 =	simm.s32 $0x19000;
	[smem:$0x7F5] =	sst s18  }
0x14: {  	s8 =	sshll.u32 s12, $0x1;
	s20 =	simm.s32 $0x18880;
	[smem:$0x7F6] =	sst s19  }
0x15: {  	s10 =	sshll.u32 s12, $0xA;
	s21 =	simm.s32 $0x19080;
	[smem:$0x7F7] =	sst s20  }
0x16: {  	s8 =	sor.u32 s7, s8;
	s22 =	simm.s32 $0x18900;
	[smem:$0x7F8] =	sst s21  }
0x17: {  	s9 =	sshll.u32 s7, $0xE;
	s23 =	simm.s32 $0x19100;
	[smem:$0x7F9] =	sst s22  }
0x18: {  	s11 =	sshll.u32 s8, $0x6;
	[smem:$0x7FA] =	sst s23;
	s25 =	simm.s32 $0x19180  }
0x19: {  	s9 =	sor.u32 s10, s9;
	s24 =	sadd.s32 s0, s11;
	[smem:$0x7FC] =	sst s25  }
0x1a: {  	s19 =	simm.s32 $0x2;
	s10 =	sadd.s32 s9, s3;
	[dreg:$0x7] =	wrdreg s24  }
0x1b: {  	s26 =	sshrl.u32 s9, $0x3;
	s9 =	simm.s32 $0x18D80;
	[dreg:$0xa] =	wrdreg s10  }
0x1c: {  	s20 =	simm.s32 $0x5;
	s24 =	simm.s32 $0x18C00;
	[dreg:$0x1d] =	wrdreg s9  }
0x1d: {  	s0 =	sadd.s32 s26, s0;
	s26 =	simm.s32 $0x18C80;
	[dreg:$0x17] =	wrdreg s24  }
0x1e: {  	s21 =	simm.s32 $0x3;
	s10 =	simm.s32 $0x18600;
	[dreg:$0x19] =	wrdreg s26  }
0x1f: {  	s11 =	smul.u32 $0x6000, s8;
	s12 =	sadd.s32 $0x1800, s0;
	[dreg:$0x1e] =	wrdreg s10  }
0x20: {  	s8 =	smul.u32 $0x30000, s8;
	s0 =	sadd.s32 $0x800, s0;
	[dreg:$0xb] =	wrdreg s12  }
0x21: {  	s17 =	simm.s32 $0x6200;
	s5 =	sadd.s32 s6, s11;
	[dreg:$0xc] =	wrdreg s0  }
0x22: {  	s13 =	sshrl.u32 s8, $0x3;
	s8 =	simm.s32 $0x18580;
	[smem:$0x7EE] =	sst s5  }
0x23: {  	s18 =	simm.s32 $0x6A00;
	s11 =	simm.s32 $0x18E00;
	[dreg:$0x1c] =	wrdreg s8  }
0x24: {  	s9 =	simm.s32 $0x4A00;
	s24 =	simm.s32 $0x18980;
	[dreg:$0x1f] =	wrdreg s11  }
0x25: {  	s26 =	simm.s32 $0x19600;
	s10 =	simm.s32 $0x5200;
	[smem:$0x7FB] =	sst s24  }
0x26: {  	s14 =	sadd.s32 $0x1800, s5;
	s2 =	sadd.s32 s6, s13;
	[smem:$0x7FD] =	sst s26  }
0x27: {  	s5 =	ssub.s32 $0x2, s7;
	s6 =	simm.s32 $0x18D00;
	[dreg:$0xd] =	wrdreg s14  }
0x28: {  	s12 =	simm.s32 $0x18680;
	s13 =	simm.s32 $0x18E80;
	[dreg:$0x1b] =	wrdreg s6  }
0x29: {  	s11 =	simm.s32 $0x1;
	s26 =	simm.s32 $0xA00;
	[smem:$0x7EF] =	sst s12  }
0x2a: {  	s15 =	sadd.s32 $0x3000, s2;
	s16 =	sadd.s32 $0x4800, s2;
	[smem:$0x7F0] =	sst s13  }
0x2b: {  	s2 =	simm.s32 $0x18500;
	s7 =	sshrl.u32 s5, $0x1;
	[dreg:$0xe] =	wrdreg s15  }
0x2c: {  	s6 =	sadd.s32 $0x100, s1;
	s14 =	simm.s32 $0x18700;
	[dreg:$0xf] =	wrdreg s16  }
0x2d: {  	s13 =	simm.s32 $0x200;
	s12 =	simm.s32 $0x7200;
	[dreg:$0x1a] =	wrdreg s2  }
0x2e: {  	s2 =	ssub.s32 s5, s7;
	s7 =	sadd.s32 $0x200, s1;
	[smem:$0x7F1] =	sst s14  }
0x2f: {  	v2 =	vlaneseq.u32;
	s15 =	simm.s32 $0x18F00;
	s16 =	simm.s32 $0x18780;
	s5 =	simm.s32 $0x4200  }
0x30: {  	vm0 =	vmmov $0xffff;
	v3 =	vimm.f32 $1.000000000e+00;
	v1 =	vshrl.u32 v2, $0x3;
	s14 =	simm.s32 $0x5A00;
	s8 =	smax.u32 s2, $0x1;
	[smem:$0x7F2] =	sst s15  }
0x31: {  	v0 =	vand.u32 $0x7, v2;
	v2 =	vor.u32 $0x8, v2;
	v1 =	vmul.u32 $0x8, v1;
	[smem:$0x7F3] =	sst s16;
	s15 =	simm.s32 $0x80;
	s16 =	simm.s32 $0x4  }
.LBB2_1:
0x32: {  	s22 =	rddreg [dreg:$0x7]  }
0x33: {  	[tilespmem:s4], [sflag:$0x1] =	stream.linear.gather [hbm4b:s22+s4], $0x200, $0x38;
	[tilespmem:$0x1A200] =	vst v63  }
0x34: {  	s23 =	rddreg [dreg:$0x8];
	s24 =	simm.s32 $0x18200  }
0x35: {  	[tilespmem:s24], [sflag:$0x1] =	stream.linear.gather [hbm4b:s23+s4], $0x800, $0x38;
	[tilespmem:$0x1A200] =	vst v63  }
0x36: {  	s2 =	rddreg [dreg:$0x9];
	s25 =	simm.s32 $0x18A00  }
0x37: {  	[tilespmem:s25], [sflag:$0x1] =	stream.linear.gather [hbm4b:s2+s4], $0x800, $0x38;
	[tilespmem:$0x1A200] =	vst v63  }
0x38: {  	_ =	swait.ge [sflag:s11], $0x200  }
0x39: {  	[sflag:s11] =	ssyncset.done $0x0  }
0x3a: {  	[sflag:s11] =	ssyncadd.s32 $0xFFFFFE00  }
0x3b: {  	_ =	swait.ge [sflag:s11], $0x800  }
0x3c: {  	[sflag:s11] =	ssyncset.done $0x0  }
0x3d: {  	[sflag:s11] =	ssyncadd.s32 $0xFFFFF800  }
0x3e: {  	_ =	swait.ge [sflag:s11], $0x800  }
0x3f: {  	[sflag:s11] =	ssyncset.done $0x0  }
0x40: {  	[sflag:s11] =	ssyncadd.s32 $0xFFFFF800  }
0x41: {  	v4 =	vld [tilespmem:$0x0];
	_ =	sdelay $0x4  }
0x42: {  	v5 =	vshrl.u32 v4, $0x3  }
0x43: {  	v5 =	vmul.u32 $0x30, v5  }
0x44: {  	v4 =	vand.u32 $0x7, v4  }
0x45: {  	v4 =	vor.u32 v4, v5  }
0x46: {  	v5 =	vperm.xlane v4, v0;
	_ =	sdelay $0x1  }
0x47: {  	v5 =	vadd.s32 v1, v5;
	_ =	sdelay $0x3  }
0x48: {  	v4 =	vperm.xlane v4, v2  }
0x49: {  	[tilespmem:s13], [sflag:$0x2] =	stream.indirect_vreg.gather [hbm4b:s1+s4], $0x80, v5, vm0, $0xb8;
	[tilespmem:$0x1A200] =	vst v63  }
0x4a: {  	v4 =	vadd.s32 v1, v4  }
0x4b: {  	[tilespmem:s26], [sflag:$0x2] =	stream.indirect_vreg.gather [hbm4b:s6+s4], $0x80, v5, vm0, $0xb8;
	[tilespmem:$0x1A200] =	vst v63  }
0x4c: {  	_ = 	snop  }
0x4d: {  	[tilespmem:s28], [sflag:$0x2] =	stream.indirect_vreg.gather [hbm4b:s7+s4], $0x80, v5, vm0, $0xb8;
	[tilespmem:$0x1A200] =	vst v63  }
0x4e: {  	_ = 	snop  }
0x4f: {  	[tilespmem:s29], [sflag:$0x2] =	stream.indirect_vreg.gather [hbm4b:s1+s4], $0x80, v4, vm0, $0xb8;
	[tilespmem:$0x1A200] =	vst v63  }
0x50: {  	_ = 	snop  }
0x51: {  	[tilespmem:s30], [sflag:$0x2] =	stream.indirect_vreg.gather [hbm4b:s6+s4], $0x80, v4, vm0, $0xb8;
	[tilespmem:$0x1A200] =	vst v63  }
0x52: {  	_ = 	snop  }
0x53: {  	[tilespmem:s31], [sflag:$0x2] =	stream.indirect_vreg.gather [hbm4b:s7+s4], $0x80, v4, vm0, $0xb8;
	[tilespmem:$0x1A200] =	vst v63  }
0x54: {  	v4 =	vld [tilespmem:$0x10];
	_ =	sdelay $0x4  }
0x55: {  	v5 =	vshrl.u32 v4, $0x3  }
0x56: {  	v5 =	vmul.u32 $0x30, v5  }
0x57: {  	v4 =	vand.u32 $0x7, v4  }
0x58: {  	v4 =	vor.u32 v4, v5  }
0x59: {  	v5 =	vperm.xlane v4, v0;
	_ =	sdelay $0x1  }
0x5a: {  	v5 =	vadd.s32 v1, v5;
	_ =	sdelay $0x3  }
0x5b: {  	s0 =	simm.s32 $0x3200;
	v4 =	vperm.xlane v4, v2  }
0x5c: {  	[tilespmem:s0], [sflag:$0x2] =	stream.indirect_vreg.gather [hbm4b:s1+s4], $0x80, v5, vm0, $0xb8;
	[tilespmem:$0x1A200] =	vst v63  }
0x5d: {  	s2 =	simm.s32 $0x3A00;
	v4 =	vadd.s32 v1, v4  }
0x5e: {  	[tilespmem:s2], [sflag:$0x2] =	stream.indirect_vreg.gather [hbm4b:s6+s4], $0x80, v5, vm0, $0xb8;
	[tilespmem:$0x1A200] =	vst v63  }
0x5f: {  	_ = 	snop  }
0x60: {  	[tilespmem:s5], [sflag:$0x2] =	stream.indirect_vreg.gather [hbm4b:s7+s4], $0x80, v5, vm0, $0xb8;
	[tilespmem:$0x1A200] =	vst v63  }
0x61: {  	_ = 	snop  }
0x62: {  	[tilespmem:s9], [sflag:$0x2] =	stream.indirect_vreg.gather [hbm4b:s1+s4], $0x80, v4, vm0, $0xb8;
	[tilespmem:$0x1A200] =	vst v63  }
0x63: {  	_ = 	snop  }
0x64: {  	[tilespmem:s10], [sflag:$0x2] =	stream.indirect_vreg.gather [hbm4b:s6+s4], $0x80, v4, vm0, $0xb8;
	[tilespmem:$0x1A200] =	vst v63  }
0x65: {  	_ = 	snop  }
0x66: {  	[tilespmem:s14], [sflag:$0x2] =	stream.indirect_vreg.gather [hbm4b:s7+s4], $0x80, v4, vm0, $0xb8;
	[tilespmem:$0x1A200] =	vst v63  }
0x67: {  	v4 =	vld [tilespmem:$0x20];
	_ =	sdelay $0x4  }
0x68: {  	v5 =	vshrl.u32 v4, $0x3  }
0x69: {  	v5 =	vmul.u32 $0x30, v5  }
0x6a: {  	v4 =	vand.u32 $0x7, v4  }
0x6b: {  	v4 =	vor.u32 v4, v5  }
0x6c: {  	v5 =	vperm.xlane v4, v0;
	_ =	sdelay $0x1  }
0x6d: {  	v5 =	vadd.s32 v1, v5;
	_ =	sdelay $0x3  }
0x6e: {  	v4 =	vperm.xlane v4, v2  }
0x6f: {  	[tilespmem:s17], [sflag:$0x2] =	stream.indirect_vreg.gather [hbm4b:s1+s4], $0x80, v5, vm0, $0xb8;
	[tilespmem:$0x1A200] =	vst v63  }
0x70: {  	v4 =	vadd.s32 v1, v4  }
0x71: {  	[tilespmem:s18], [sflag:$0x2] =	stream.indirect_vreg.gather [hbm4b:s6+s4], $0x80, v5, vm0, $0xb8;
	[tilespmem:$0x1A200] =	vst v63  }
0x72: {  	_ = 	snop  }
0x73: {  	[tilespmem:s12], [sflag:$0x2] =	stream.indirect_vreg.gather [hbm4b:s7+s4], $0x80, v5, vm0, $0xb8;
	[tilespmem:$0x1A200] =	vst v63  }
0x74: {  	s22 =	simm.s32 $0x7A00  }
0x75: {  	[tilespmem:s22], [sflag:$0x2] =	stream.indirect_vreg.gather [hbm4b:s1+s4], $0x80, v4, vm0, $0xb8;
	[tilespmem:$0x1A200] =	vst v63  }
0x76: {  	s23 =	simm.s32 $0x8200  }
0x77: {  	[tilespmem:s23], [sflag:$0x2] =	stream.indirect_vreg.gather [hbm4b:s6+s4], $0x80, v4, vm0, $0xb8;
	[tilespmem:$0x1A200] =	vst v63  }
0x78: {  	s22 =	simm.s32 $0x8A00  }
0x79: {  	[tilespmem:s22], [sflag:$0x2] =	stream.indirect_vreg.gather [hbm4b:s7+s4], $0x80, v4, vm0, $0xb8;
	[tilespmem:$0x1A200] =	vst v63  }
0x7a: {  	v4 =	vld [tilespmem:$0x30];
	_ =	sdelay $0x4  }
0x7b: {  	v5 =	vshrl.u32 v4, $0x3  }
0x7c: {  	v5 =	vmul.u32 $0x30, v5  }
0x7d: {  	v4 =	vand.u32 $0x7, v4  }
0x7e: {  	v4 =	vor.u32 v4, v5  }
0x7f: {  	v5 =	vperm.xlane v4, v0;
	_ =	sdelay $0x1  }
0x80: {  	v5 =	vadd.s32 v1, v5;
	_ =	sdelay $0x3  }
0x81: {  	s23 =	simm.s32 $0x9200;
	v4 =	vperm.xlane v4, v2  }
0x82: {  	[tilespmem:s23], [sflag:$0x2] =	stream.indirect_vreg.gather [hbm4b:s1+s4], $0x80, v5, vm0, $0xb8;
	[tilespmem:$0x1A200] =	vst v63  }
0x83: {  	s22 =	simm.s32 $0x9A00;
	v4 =	vadd.s32 v1, v4  }
0x84: {  	[tilespmem:s22], [sflag:$0x2] =	stream.indirect_vreg.gather [hbm4b:s6+s4], $0x80, v5, vm0, $0xb8;
	[tilespmem:$0x1A200] =	vst v63  }
0x85: {  	s23 =	simm.s32 $0xA200  }
0x86: {  	[tilespmem:s23], [sflag:$0x2] =	stream.indirect_vreg.gather [hbm4b:s7+s4], $0x80, v5, vm0, $0xb8;
	[tilespmem:$0x1A200] =	vst v63  }
0x87: {  	s22 =	simm.s32 $0xAA00  }
0x88: {  	[tilespmem:s22], [sflag:$0x2] =	stream.indirect_vreg.gather [hbm4b:s1+s4], $0x80, v4, vm0, $0xb8;
	[tilespmem:$0x1A200] =	vst v63  }
0x89: {  	s23 =	simm.s32 $0xB200  }
0x8a: {  	[tilespmem:s23], [sflag:$0x2] =	stream.indirect_vreg.gather [hbm4b:s6+s4], $0x80, v4, vm0, $0xb8;
	[tilespmem:$0x1A200] =	vst v63  }
0x8b: {  	s22 =	simm.s32 $0xBA00  }
0x8c: {  	[tilespmem:s22], [sflag:$0x2] =	stream.indirect_vreg.gather [hbm4b:s7+s4], $0x80, v4, vm0, $0xb8;
	[tilespmem:$0x1A200] =	vst v63  }
0x8d: {  	v4 =	vld [tilespmem:$0x80];
	_ =	sdelay $0x4  }
0x8e: {  	v5 =	vshrl.u32 v4, $0x3  }
0x8f: {  	v5 =	vmul.u32 $0x30, v5  }
0x90: {  	v4 =	vand.u32 $0x7, v4  }
0x91: {  	v4 =	vor.u32 v4, v5  }
0x92: {  	v5 =	vperm.xlane v4, v0;
	_ =	sdelay $0x1  }
0x93: {  	v5 =	vadd.s32 v1, v5;
	_ =	sdelay $0x3  }
0x94: {  	s0 =	simm.s32 $0xC200;
	v4 =	vperm.xlane v4, v2  }
0x95: {  	[tilespmem:s0], [sflag:$0x3] =	stream.indirect_vreg.gather [hbm4b:s1+s4], $0x80, v5, vm0, $0xb8;
	[tilespmem:$0x1A200] =	vst v63  }
0x96: {  	s23 =	simm.s32 $0xCA00;
	v4 =	vadd.s32 v1, v4  }
0x97: {  	[tilespmem:s23], [sflag:$0x3] =	stream.indirect_vreg.gather [hbm4b:s6+s4], $0x80, v5, vm0, $0xb8;
	[tilespmem:$0x1A200] =	vst v63  }
0x98: {  	s23 =	simm.s32 $0xD200  }
0x99: {  	[tilespmem:s23], [sflag:$0x3] =	stream.indirect_vreg.gather [hbm4b:s7+s4], $0x80, v5, vm0, $0xb8;
	[tilespmem:$0x1A200] =	vst v63  }
0x9a: {  	s23 =	simm.s32 $0xDA00  }
0x9b: {  	[tilespmem:s23], [sflag:$0x3] =	stream.indirect_vreg.gather [hbm4b:s1+s4], $0x80, v4, vm0, $0xb8;
	[tilespmem:$0x1A200] =	vst v63  }
0x9c: {  	s23 =	simm.s32 $0xE200  }
0x9d: {  	[tilespmem:s23], [sflag:$0x3] =	stream.indirect_vreg.gather [hbm4b:s6+s4], $0x80, v4, vm0, $0xb8;
	[tilespmem:$0x1A200] =	vst v63  }
0x9e: {  	s23 =	simm.s32 $0xEA00  }
0x9f: {  	[tilespmem:s23], [sflag:$0x3] =	stream.indirect_vreg.gather [hbm4b:s7+s4], $0x80, v4, vm0, $0xb8;
	[tilespmem:$0x1A200] =	vst v63  }
0xa0: {  	v4 =	vld [tilespmem:$0x90];
	_ =	sdelay $0x4  }
0xa1: {  	v5 =	vshrl.u32 v4, $0x3  }
0xa2: {  	v5 =	vmul.u32 $0x30, v5  }
0xa3: {  	v4 =	vand.u32 $0x7, v4  }
0xa4: {  	v4 =	vor.u32 v4, v5  }
0xa5: {  	v5 =	vperm.xlane v4, v0;
	_ =	sdelay $0x1  }
0xa6: {  	v5 =	vadd.s32 v1, v5;
	_ =	sdelay $0x3  }
0xa7: {  	s23 =	simm.s32 $0xF200;
	v4 =	vperm.xlane v4, v2  }
0xa8: {  	[tilespmem:s23], [sflag:$0x3] =	stream.indirect_vreg.gather [hbm4b:s1+s4], $0x80, v5, vm0, $0xb8;
	[tilespmem:$0x1A200] =	vst v63  }
0xa9: {  	v4 =	vadd.s32 v1, v4;
	s23 =	simm.s32 $0xFA00  }
0xaa: {  	[tilespmem:s23], [sflag:$0x3] =	stream.indirect_vreg.gather [hbm4b:s6+s4], $0x80, v5, vm0, $0xb8;
	[tilespmem:$0x1A200] =	vst v63  }
0xab: {  	s23 =	simm.s32 $0x10200  }
0xac: {  	[tilespmem:s23], [sflag:$0x3] =	stream.indirect_vreg.gather [hbm4b:s7+s4], $0x80, v5, vm0, $0xb8;
	[tilespmem:$0x1A200] =	vst v63  }
0xad: {  	s23 =	simm.s32 $0x10A00  }
0xae: {  	[tilespmem:s23], [sflag:$0x3] =	stream.indirect_vreg.gather [hbm4b:s1+s4], $0x80, v4, vm0, $0xb8;
	[tilespmem:$0x1A200] =	vst v63  }
0xaf: {  	s23 =	simm.s32 $0x11200  }
0xb0: {  	[tilespmem:s23], [sflag:$0x3] =	stream.indirect_vreg.gather [hbm4b:s6+s4], $0x80, v4, vm0, $0xb8;
	[tilespmem:$0x1A200] =	vst v63  }
0xb1: {  	s23 =	simm.s32 $0x11A00  }
0xb2: {  	[tilespmem:s23], [sflag:$0x3] =	stream.indirect_vreg.gather [hbm4b:s7+s4], $0x80, v4, vm0, $0xb8;
	[tilespmem:$0x1A200] =	vst v63  }
0xb3: {  	v4 =	vld [tilespmem:$0xA0];
	_ =	sdelay $0x4  }
0xb4: {  	v5 =	vshrl.u32 v4, $0x3  }
0xb5: {  	v5 =	vmul.u32 $0x30, v5  }
0xb6: {  	v4 =	vand.u32 $0x7, v4  }
0xb7: {  	v4 =	vor.u32 v4, v5  }
0xb8: {  	v5 =	vperm.xlane v4, v0;
	_ =	sdelay $0x1  }
0xb9: {  	v5 =	vadd.s32 v1, v5;
	_ =	sdelay $0x3  }
0xba: {  	s23 =	simm.s32 $0x12200;
	v4 =	vperm.xlane v4, v2  }
0xbb: {  	[tilespmem:s23], [sflag:$0x3] =	stream.indirect_vreg.gather [hbm4b:s1+s4], $0x80, v5, vm0, $0xb8;
	[tilespmem:$0x1A200] =	vst v63  }
0xbc: {  	v4 =	vadd.s32 v1, v4;
	s23 =	simm.s32 $0x12A00  }
0xbd: {  	[tilespmem:s23], [sflag:$0x3] =	stream.indirect_vreg.gather [hbm4b:s6+s4], $0x80, v5, vm0, $0xb8;
	[tilespmem:$0x1A200] =	vst v63  }
0xbe: {  	s23 =	simm.s32 $0x13200  }
0xbf: {  	[tilespmem:s23], [sflag:$0x3] =	stream.indirect_vreg.gather [hbm4b:s7+s4], $0x80, v5, vm0, $0xb8;
	[tilespmem:$0x1A200] =	vst v63  }
0xc0: {  	s23 =	simm.s32 $0x13A00  }
0xc1: {  	[tilespmem:s23], [sflag:$0x3] =	stream.indirect_vreg.gather [hbm4b:s1+s4], $0x80, v4, vm0, $0xb8;
	[tilespmem:$0x1A200] =	vst v63  }
0xc2: {  	s23 =	simm.s32 $0x14200  }
0xc3: {  	[tilespmem:s23], [sflag:$0x3] =	stream.indirect_vreg.gather [hbm4b:s6+s4], $0x80, v4, vm0, $0xb8;
	[tilespmem:$0x1A200] =	vst v63  }
0xc4: {  	s23 =	simm.s32 $0x14A00  }
0xc5: {  	[tilespmem:s23], [sflag:$0x3] =	stream.indirect_vreg.gather [hbm4b:s7+s4], $0x80, v4, vm0, $0xb8;
	[tilespmem:$0x1A200] =	vst v63  }
0xc6: {  	v4 =	vld [tilespmem:$0xB0];
	_ =	sdelay $0x4  }
0xc7: {  	v5 =	vshrl.u32 v4, $0x3  }
0xc8: {  	v5 =	vmul.u32 $0x30, v5  }
0xc9: {  	v4 =	vand.u32 $0x7, v4  }
0xca: {  	v4 =	vor.u32 v4, v5  }
0xcb: {  	v5 =	vperm.xlane v4, v0;
	_ =	sdelay $0x1  }
0xcc: {  	v5 =	vadd.s32 v1, v5;
	_ =	sdelay $0x3  }
0xcd: {  	s23 =	simm.s32 $0x15200;
	v4 =	vperm.xlane v4, v2  }
0xce: {  	[tilespmem:s23], [sflag:$0x3] =	stream.indirect_vreg.gather [hbm4b:s1+s4], $0x80, v5, vm0, $0xb8;
	[tilespmem:$0x1A200] =	vst v63  }
0xcf: {  	v4 =	vadd.s32 v1, v4;
	s23 =	simm.s32 $0x15A00  }
0xd0: {  	[tilespmem:s23], [sflag:$0x3] =	stream.indirect_vreg.gather [hbm4b:s6+s4], $0x80, v5, vm0, $0xb8;
	[tilespmem:$0x1A200] =	vst v63  }
0xd1: {  	s23 =	simm.s32 $0x16200  }
0xd2: {  	[tilespmem:s23], [sflag:$0x3] =	stream.indirect_vreg.gather [hbm4b:s7+s4], $0x80, v5, vm0, $0xb8;
	[tilespmem:$0x1A200] =	vst v63  }
0xd3: {  	s23 =	simm.s32 $0x16A00  }
0xd4: {  	[tilespmem:s23], [sflag:$0x3] =	stream.indirect_vreg.gather [hbm4b:s1+s4], $0x80, v4, vm0, $0xb8;
	[tilespmem:$0x1A200] =	vst v63  }
0xd5: {  	s23 =	simm.s32 $0x17200  }
0xd6: {  	[tilespmem:s23], [sflag:$0x3] =	stream.indirect_vreg.gather [hbm4b:s6+s4], $0x80, v4, vm0, $0xb8;
	[tilespmem:$0x1A200] =	vst v63  }
0xd7: {  	s22 =	rddreg [dreg:$0x10];
	s23 =	simm.s32 $0x17A00  }
0xd8: {  	[tilespmem:s23], [sflag:$0x3] =	stream.indirect_vreg.gather [hbm4b:s7+s4], $0x80, v4, vm0, $0xb8;
	[tilespmem:$0x1A200] =	vst v63  }
0xd9: {  	s23 =	rddreg [dreg:$0x11]  }
0xda: {  	[spmem:s3] =	stream.indirect.scatter [tilespmem:s25], [sflag:$0x4], $0x1, s24, s15, $0xb8;
	[tilespmem:$0x1A200] =	vst v63  }
0xdb: {  	s24 =	rddreg [dreg:$0x14]  }
0xdc: {  	s25 =	rddreg [dreg:$0x15]  }
0xdd: {  	[spmem:s3] =	stream.indirect.scatter [tilespmem:s23], [sflag:$0x4], $0x1, s22, s15, $0xb8;
	[tilespmem:$0x1A200] =	vst v63  }
0xde: {  	s22 =	rddreg [dreg:$0x12]  }
0xdf: {  	s23 =	rddreg [dreg:$0x13]  }
0xe0: {  	[spmem:s3] =	stream.indirect.scatter [tilespmem:s23], [sflag:$0x4], $0x1, s22, s15, $0xb8;
	[tilespmem:$0x1A200] =	vst v63  }
0xe1: {  	s22 =	rddreg [dreg:$0x16]  }
0xe2: {  	s23 =	rddreg [dreg:$0x17]  }
0xe3: {  	[spmem:s3] =	stream.indirect.scatter [tilespmem:s25], [sflag:$0x4], $0x1, s24, s15, $0xb8;
	[tilespmem:$0x1A200] =	vst v63  }
0xe4: {  	s24 =	rddreg [dreg:$0x18]  }
0xe5: {  	s25 =	rddreg [dreg:$0x19]  }
0xe6: {  	[spmem:s3] =	stream.indirect.scatter [tilespmem:s23], [sflag:$0x4], $0x1, s22, s15, $0xb8;
	[tilespmem:$0x1A200] =	vst v63  }
0xe7: {  	s22 =	rddreg [dreg:$0x1a]  }
0xe8: {  	s23 =	rddreg [dreg:$0x1b]  }
0xe9: {  	[spmem:s3] =	stream.indirect.scatter [tilespmem:s25], [sflag:$0x4], $0x1, s24, s15, $0xb8;
	[tilespmem:$0x1A200] =	vst v63  }
0xea: {  	s24 =	rddreg [dreg:$0x1c]  }
0xeb: {  	s25 =	rddreg [dreg:$0x1d]  }
0xec: {  	[spmem:s3] =	stream.indirect.scatter [tilespmem:s23], [sflag:$0x4], $0x1, s22, s15, $0xb8;
	[tilespmem:$0x1A200] =	vst v63  }
0xed: {  	s22 =	rddreg [dreg:$0x1e]  }
0xee: {  	s23 =	rddreg [dreg:$0x1f]  }
0xef: {  	[spmem:s3] =	stream.indirect.scatter [tilespmem:s25], [sflag:$0x4], $0x1, s24, s15, $0xb8;
	[tilespmem:$0x1A200] =	vst v63  }
0xf0: {  	s24 =	sld [smem:$0x7EF]  }
0xf1: {  	s25 =	sld [smem:$0x7F0]  }
0xf2: {  	[spmem:s3] =	stream.indirect.scatter [tilespmem:s23], [sflag:$0x4], $0x1, s22, s15, $0xb8;
	[tilespmem:$0x1A200] =	vst v63  }
0xf3: {  	s22 =	sld [smem:$0x7F1]  }
0xf4: {  	s23 =	sld [smem:$0x7F2]  }
0xf5: {  	[spmem:s3] =	stream.indirect.scatter [tilespmem:s25], [sflag:$0x4], $0x1, s24, s15, $0xb8;
	[tilespmem:$0x1A200] =	vst v63  }
0xf6: {  	s24 =	sld [smem:$0x7F3]  }
0xf7: {  	s25 =	sld [smem:$0x7F4]  }
0xf8: {  	[spmem:s3] =	stream.indirect.scatter [tilespmem:s23], [sflag:$0x4], $0x1, s22, s15, $0xb8;
	[tilespmem:$0x1A200] =	vst v63  }
0xf9: {  	s22 =	sld [smem:$0x7F5]  }
0xfa: {  	s23 =	sld [smem:$0x7F6]  }
0xfb: {  	[spmem:s3] =	stream.indirect.scatter [tilespmem:s25], [sflag:$0x4], $0x1, s24, s15, $0xb8;
	[tilespmem:$0x1A200] =	vst v63  }
0xfc: {  	s24 =	sld [smem:$0x7F7]  }
0xfd: {  	s25 =	sld [smem:$0x7F8]  }
0xfe: {  	[spmem:s3] =	stream.indirect.scatter [tilespmem:s23], [sflag:$0x4], $0x1, s22, s15, $0xb8;
	[tilespmem:$0x1A200] =	vst v63  }
0xff: {  	s22 =	sld [smem:$0x7F9]  }
0x100: {  	s23 =	sld [smem:$0x7FA]  }
0x101: {  	[spmem:s3] =	stream.indirect.scatter [tilespmem:s25], [sflag:$0x4], $0x1, s24, s15, $0xb8;
	[tilespmem:$0x1A200] =	vst v63  }
0x102: {  	s24 =	sld [smem:$0x7FB]  }
0x103: {  	s25 =	sld [smem:$0x7FC]  }
0x104: {  	[spmem:s3] =	stream.indirect.scatter [tilespmem:s23], [sflag:$0x4], $0x1, s22, s15, $0xb8;
	[tilespmem:$0x1A200] =	vst v63  }
0x105: {  	_ = 	snop  }
0x106: {  	[spmem:s3] =	stream.indirect.scatter [tilespmem:s25], [sflag:$0x4], $0x1, s24, s15, $0xb8;
	[tilespmem:$0x1A200] =	vst v63  }
0x107: {  	_ =	swait.ge [sflag:s16], $0x80  }
0x108: {  	[sflag:s16] =	ssyncset.done $0x0  }
0x109: {  	[sflag:s16] =	ssyncadd.s32 $0xFFFFFF80  }
0x10a: {  	_ =	swait.ge [sflag:s16], $0x80  }
0x10b: {  	[sflag:s16] =	ssyncset.done $0x0  }
0x10c: {  	[sflag:s16] =	ssyncadd.s32 $0xFFFFFF80  }
0x10d: {  	_ =	swait.ge [sflag:s16], $0x80  }
0x10e: {  	[sflag:s16] =	ssyncset.done $0x0  }
0x10f: {  	[sflag:s16] =	ssyncadd.s32 $0xFFFFFF80  }
0x110: {  	_ =	swait.ge [sflag:s16], $0x80  }
0x111: {  	[sflag:s16] =	ssyncset.done $0x0  }
0x112: {  	[sflag:s16] =	ssyncadd.s32 $0xFFFFFF80  }
0x113: {  	_ =	swait.ge [sflag:s16], $0x80  }
0x114: {  	[sflag:s16] =	ssyncset.done $0x0  }
0x115: {  	[sflag:s16] =	ssyncadd.s32 $0xFFFFFF80  }
0x116: {  	_ =	swait.ge [sflag:s16], $0x80  }
0x117: {  	[sflag:s16] =	ssyncset.done $0x0  }
0x118: {  	[sflag:s16] =	ssyncadd.s32 $0xFFFFFF80  }
0x119: {  	_ =	swait.ge [sflag:s16], $0x80  }
0x11a: {  	[sflag:s16] =	ssyncset.done $0x0  }
0x11b: {  	[sflag:s16] =	ssyncadd.s32 $0xFFFFFF80  }
0x11c: {  	_ =	swait.ge [sflag:s16], $0x80  }
0x11d: {  	[sflag:s16] =	ssyncset.done $0x0  }
0x11e: {  	[sflag:s16] =	ssyncadd.s32 $0xFFFFFF80  }
0x11f: {  	_ =	swait.ge [sflag:s16], $0x80  }
0x120: {  	[sflag:s16] =	ssyncset.done $0x0  }
0x121: {  	[sflag:s16] =	ssyncadd.s32 $0xFFFFFF80  }
0x122: {  	_ =	swait.ge [sflag:s16], $0x80  }
0x123: {  	[sflag:s16] =	ssyncset.done $0x0  }
0x124: {  	[sflag:s16] =	ssyncadd.s32 $0xFFFFFF80  }
0x125: {  	_ =	swait.ge [sflag:s16], $0x80  }
0x126: {  	[sflag:s16] =	ssyncset.done $0x0  }
0x127: {  	[sflag:s16] =	ssyncadd.s32 $0xFFFFFF80  }
0x128: {  	_ =	swait.ge [sflag:s16], $0x80  }
0x129: {  	[sflag:s16] =	ssyncset.done $0x0  }
0x12a: {  	[sflag:s16] =	ssyncadd.s32 $0xFFFFFF80  }
0x12b: {  	_ =	swait.ge [sflag:s16], $0x80  }
0x12c: {  	[sflag:s16] =	ssyncset.done $0x0  }
0x12d: {  	[sflag:s16] =	ssyncadd.s32 $0xFFFFFF80  }
0x12e: {  	_ =	swait.ge [sflag:s16], $0x80  }
0x12f: {  	[sflag:s16] =	ssyncset.done $0x0  }
0x130: {  	[sflag:s16] =	ssyncadd.s32 $0xFFFFFF80  }
0x131: {  	_ =	swait.ge [sflag:s16], $0x80  }
0x132: {  	[sflag:s16] =	ssyncset.done $0x0  }
0x133: {  	[sflag:s16] =	ssyncadd.s32 $0xFFFFFF80  }
0x134: {  	_ =	swait.ge [sflag:s16], $0x80  }
0x135: {  	[sflag:s16] =	ssyncset.done $0x0  }
0x136: {  	[sflag:s16] =	ssyncadd.s32 $0xFFFFFF80  }
0x137: {  	[bflag:$0x0] =	sbarrier.arrive $0xFFFF  }
0x138: {  	s23 =	simm.s32 $0x6;
	s25 =	simm.s32 $0x19200;
	s24 =	rddreg [dreg:$0xa]  }
0x139: {  	[tilespmem:s25], [sflag:$0x6] =	stream.linear.gather [spmem:s24], $0x400, $0x38;
	[tilespmem:$0x1A200] =	vst v63  }
0x13a: {  	_ =	swait.ge [sflag:s23], $0x400  }
0x13b: {  	[sflag:s23] =	ssyncset.done $0x0  }
0x13c: {  	[sflag:s23] =	ssyncadd.s32 $0xFFFFFC00  }
0x13d: {  	v4 =	vld [tilespmem:$0x19200]  }
0x13e: {  	v5 =	vld [tilespmem:$0x19210]  }
0x13f: {  	v6 =	vld [tilespmem:$0x19220]  }
0x140: {  	v7 =	vld [tilespmem:$0x19230]  }
0x141: {  	v8 =	vld [tilespmem:$0x19240]  }
0x142: {  	vm1 =	vlt.s32 v4, $0x800;
	v4 =	vld [tilespmem:$0x19250]  }
0x143: {  	v9 =	vsel vm1, $0x0, v3;
	vm1 =	vlt.s32 v5, $0x800;
	v5 =	vld [tilespmem:$0x19260]  }
0x144: {  	v24 =	vld [tilespmem:$0x19270];
	[tilespmem:$0x19600] =	vst v9;
	v23 =	vsel vm1, $0x0, v3;
	vm1 =	vlt.s32 v6, $0x800  }
0x145: {  	v26 =	vld [tilespmem:$0x19280];
	[tilespmem:$0x19610] =	vst v23;
	v25 =	vsel vm1, $0x0, v3;
	vm1 =	vlt.s32 v7, $0x800  }
0x146: {  	v28 =	vld [tilespmem:$0x19290];
	[tilespmem:$0x19620] =	vst v25;
	v27 =	vsel vm1, $0x0, v3;
	vm1 =	vlt.s32 v8, $0x800  }
0x147: {  	[tilespmem:$0x19630] =	vst v27;
	v29 =	vsel vm1, $0x0, v3;
	vm1 =	vlt.s32 v4, $0x800;
	v4 =	vld [tilespmem:$0x192A0]  }
0x148: {  	[tilespmem:$0x19640] =	vst v29;
	v30 =	vsel vm1, $0x0, v3;
	vm1 =	vlt.s32 v5, $0x800;
	v5 =	vld [tilespmem:$0x192B0]  }
0x149: {  	v32 =	vld [tilespmem:$0x192C0];
	[tilespmem:$0x19650] =	vst v30;
	v31 =	vsel vm1, $0x0, v3;
	vm1 =	vlt.s32 v24, $0x800  }
0x14a: {  	v34 =	vld [tilespmem:$0x192D0];
	[tilespmem:$0x19660] =	vst v31;
	v33 =	vsel vm1, $0x0, v3;
	vm1 =	vlt.s32 v26, $0x800  }
0x14b: {  	v36 =	vld [tilespmem:$0x192E0];
	[tilespmem:$0x19670] =	vst v33;
	v35 =	vsel vm1, $0x0, v3;
	vm1 =	vlt.s32 v28, $0x800  }
0x14c: {  	[tilespmem:$0x19680] =	vst v35;
	v37 =	vsel vm1, $0x0, v3;
	vm1 =	vlt.s32 v4, $0x800;
	v4 =	vld [tilespmem:$0x192F0]  }
0x14d: {  	[tilespmem:$0x19690] =	vst v37;
	v38 =	vsel vm1, $0x0, v3;
	vm1 =	vlt.s32 v5, $0x800;
	v5 =	vld [tilespmem:$0x19300]  }
0x14e: {  	v40 =	vld [tilespmem:$0x19310];
	[tilespmem:$0x196A0] =	vst v38;
	v39 =	vsel vm1, $0x0, v3;
	vm1 =	vlt.s32 v32, $0x800  }
0x14f: {  	v42 =	vld [tilespmem:$0x19320];
	[tilespmem:$0x196B0] =	vst v39;
	v41 =	vsel vm1, $0x0, v3;
	vm1 =	vlt.s32 v34, $0x800  }
0x150: {  	v44 =	vld [tilespmem:$0x19330];
	[tilespmem:$0x196C0] =	vst v41;
	v43 =	vsel vm1, $0x0, v3;
	vm1 =	vlt.s32 v36, $0x800  }
0x151: {  	[tilespmem:$0x196D0] =	vst v43;
	v45 =	vsel vm1, $0x0, v3;
	vm1 =	vlt.s32 v4, $0x800;
	v4 =	vld [tilespmem:$0x19340]  }
0x152: {  	[tilespmem:$0x196E0] =	vst v45;
	v46 =	vsel vm1, $0x0, v3;
	vm1 =	vlt.s32 v5, $0x800;
	v5 =	vld [tilespmem:$0x19350]  }
0x153: {  	v48 =	vld [tilespmem:$0x19360];
	[tilespmem:$0x196F0] =	vst v46;
	v47 =	vsel vm1, $0x0, v3;
	vm1 =	vlt.s32 v40, $0x800  }
0x154: {  	v50 =	vld [tilespmem:$0x19370];
	[tilespmem:$0x19700] =	vst v47;
	v49 =	vsel vm1, $0x0, v3;
	vm1 =	vlt.s32 v42, $0x800  }
0x155: {  	v52 =	vld [tilespmem:$0x19380];
	[tilespmem:$0x19710] =	vst v49;
	v51 =	vsel vm1, $0x0, v3;
	vm1 =	vlt.s32 v44, $0x800  }
0x156: {  	[tilespmem:$0x19720] =	vst v51;
	v53 =	vsel vm1, $0x0, v3;
	vm1 =	vlt.s32 v4, $0x800;
	v4 =	vld [tilespmem:$0x19390]  }
0x157: {  	[tilespmem:$0x19730] =	vst v53;
	v54 =	vsel vm1, $0x0, v3;
	vm1 =	vlt.s32 v5, $0x800;
	v5 =	vld [tilespmem:$0x193A0]  }
0x158: {  	v56 =	vld [tilespmem:$0x193B0];
	[tilespmem:$0x19740] =	vst v54;
	v55 =	vsel vm1, $0x0, v3;
	vm1 =	vlt.s32 v48, $0x800  }
0x159: {  	v58 =	vld [tilespmem:$0x193C0];
	[tilespmem:$0x19750] =	vst v55;
	v57 =	vsel vm1, $0x0, v3;
	vm1 =	vlt.s32 v50, $0x800  }
0x15a: {  	v60 =	vld [tilespmem:$0x193D0];
	[tilespmem:$0x19760] =	vst v57;
	v59 =	vsel vm1, $0x0, v3;
	vm1 =	vlt.s32 v52, $0x800  }
0x15b: {  	[tilespmem:$0x19770] =	vst v59;
	v61 =	vsel vm1, $0x0, v3;
	vm1 =	vlt.s32 v4, $0x800;
	v4 =	vld [tilespmem:$0x193E0]  }
0x15c: {  	[tilespmem:$0x19780] =	vst v61;
	v62 =	vsel vm1, $0x0, v3;
	vm1 =	vlt.s32 v5, $0x800;
	v5 =	vld [tilespmem:$0x193F0]  }
0x15d: {  	v12 =	vld [tilespmem:$0x19400];
	[tilespmem:$0x19790] =	vst v62;
	v63 =	vsel vm1, $0x0, v3;
	vm1 =	vlt.s32 v56, $0x800  }
0x15e: {  	v14 =	vld [tilespmem:$0x19410];
	[tilespmem:$0x197A0] =	vst v63;
	v13 =	vsel vm1, $0x0, v3;
	vm1 =	vlt.s32 v58, $0x800  }
0x15f: {  	v16 =	vld [tilespmem:$0x19420];
	[tilespmem:$0x197B0] =	vst v13;
	v15 =	vsel vm1, $0x0, v3;
	vm1 =	vlt.s32 v60, $0x800  }
0x160: {  	[tilespmem:$0x197C0] =	vst v15;
	v17 =	vsel vm1, $0x0, v3;
	vm1 =	vlt.s32 v4, $0x800;
	v4 =	vld [tilespmem:$0x19430]  }
0x161: {  	[tilespmem:$0x197D0] =	vst v17;
	v18 =	vsel vm1, $0x0, v3;
	vm1 =	vlt.s32 v5, $0x800;
	v5 =	vld [tilespmem:$0x19440]  }
0x162: {  	v20 =	vld [tilespmem:$0x19450];
	[tilespmem:$0x197E0] =	vst v18;
	v19 =	vsel vm1, $0x0, v3;
	vm1 =	vlt.s32 v12, $0x800  }
0x163: {  	v22 =	vld [tilespmem:$0x19460];
	[tilespmem:$0x197F0] =	vst v19;
	v21 =	vsel vm1, $0x0, v3;
	vm1 =	vlt.s32 v14, $0x800  }
0x164: {  	v24 =	vld [tilespmem:$0x19470];
	[tilespmem:$0x19800] =	vst v21;
	v23 =	vsel vm1, $0x0, v3;
	vm1 =	vlt.s32 v16, $0x800  }
0x165: {  	[tilespmem:$0x19810] =	vst v23;
	v25 =	vsel vm1, $0x0, v3;
	vm1 =	vlt.s32 v4, $0x800;
	v4 =	vld [tilespmem:$0x19480]  }
0x166: {  	[tilespmem:$0x19820] =	vst v25;
	v26 =	vsel vm1, $0x0, v3;
	vm1 =	vlt.s32 v5, $0x800;
	v5 =	vld [tilespmem:$0x19490]  }
0x167: {  	v28 =	vld [tilespmem:$0x194A0];
	[tilespmem:$0x19830] =	vst v26;
	v27 =	vsel vm1, $0x0, v3;
	vm1 =	vlt.s32 v20, $0x800  }
0x168: {  	v30 =	vld [tilespmem:$0x194B0];
	[tilespmem:$0x19840] =	vst v27;
	v29 =	vsel vm1, $0x0, v3;
	vm1 =	vlt.s32 v22, $0x800  }
0x169: {  	v32 =	vld [tilespmem:$0x194C0];
	[tilespmem:$0x19850] =	vst v29;
	v31 =	vsel vm1, $0x0, v3;
	vm1 =	vlt.s32 v24, $0x800  }
0x16a: {  	[tilespmem:$0x19860] =	vst v31;
	v33 =	vsel vm1, $0x0, v3;
	vm1 =	vlt.s32 v4, $0x800;
	v4 =	vld [tilespmem:$0x194D0]  }
0x16b: {  	[tilespmem:$0x19870] =	vst v33;
	v34 =	vsel vm1, $0x0, v3;
	vm1 =	vlt.s32 v5, $0x800;
	v5 =	vld [tilespmem:$0x194E0]  }
0x16c: {  	v36 =	vld [tilespmem:$0x194F0];
	[tilespmem:$0x19880] =	vst v34;
	v35 =	vsel vm1, $0x0, v3;
	vm1 =	vlt.s32 v28, $0x800  }
0x16d: {  	v38 =	vld [tilespmem:$0x19500];
	[tilespmem:$0x19890] =	vst v35;
	v37 =	vsel vm1, $0x0, v3;
	vm1 =	vlt.s32 v30, $0x800  }
0x16e: {  	v40 =	vld [tilespmem:$0x19510];
	[tilespmem:$0x198A0] =	vst v37;
	v39 =	vsel vm1, $0x0, v3;
	vm1 =	vlt.s32 v32, $0x800  }
0x16f: {  	[tilespmem:$0x198B0] =	vst v39;
	v41 =	vsel vm1, $0x0, v3;
	vm1 =	vlt.s32 v4, $0x800;
	v4 =	vld [tilespmem:$0x19520]  }
0x170: {  	[tilespmem:$0x198C0] =	vst v41;
	v42 =	vsel vm1, $0x0, v3;
	vm1 =	vlt.s32 v5, $0x800;
	v5 =	vld [tilespmem:$0x19530]  }
0x171: {  	v44 =	vld [tilespmem:$0x19540];
	[tilespmem:$0x198D0] =	vst v42;
	v43 =	vsel vm1, $0x0, v3;
	vm1 =	vlt.s32 v36, $0x800  }
0x172: {  	v46 =	vld [tilespmem:$0x19550];
	[tilespmem:$0x198E0] =	vst v43;
	v45 =	vsel vm1, $0x0, v3;
	vm1 =	vlt.s32 v38, $0x800  }
0x173: {  	v48 =	vld [tilespmem:$0x19560];
	[tilespmem:$0x198F0] =	vst v45;
	v47 =	vsel vm1, $0x0, v3;
	vm1 =	vlt.s32 v40, $0x800  }
0x174: {  	[tilespmem:$0x19900] =	vst v47;
	v49 =	vsel vm1, $0x0, v3;
	vm1 =	vlt.s32 v4, $0x800;
	v4 =	vld [tilespmem:$0x19570]  }
0x175: {  	[tilespmem:$0x19910] =	vst v49;
	v50 =	vsel vm1, $0x0, v3;
	vm1 =	vlt.s32 v5, $0x800;
	v5 =	vld [tilespmem:$0x19580]  }
0x176: {  	v52 =	vld [tilespmem:$0x19590];
	[tilespmem:$0x19920] =	vst v50;
	v51 =	vsel vm1, $0x0, v3;
	vm1 =	vlt.s32 v44, $0x800  }
0x177: {  	v54 =	vld [tilespmem:$0x195A0];
	[tilespmem:$0x19930] =	vst v51;
	v53 =	vsel vm1, $0x0, v3;
	vm1 =	vlt.s32 v46, $0x800  }
0x178: {  	v56 =	vld [tilespmem:$0x195B0];
	[tilespmem:$0x19940] =	vst v53;
	v55 =	vsel vm1, $0x0, v3;
	vm1 =	vlt.s32 v48, $0x800  }
0x179: {  	[tilespmem:$0x19950] =	vst v55;
	v57 =	vsel vm1, $0x0, v3;
	vm1 =	vlt.s32 v4, $0x800;
	v4 =	vld [tilespmem:$0x195C0]  }
0x17a: {  	[tilespmem:$0x19960] =	vst v57;
	v58 =	vsel vm1, $0x0, v3;
	vm1 =	vlt.s32 v5, $0x800;
	v5 =	vld [tilespmem:$0x195D0]  }
0x17b: {  	v60 =	vld [tilespmem:$0x195E0];
	[tilespmem:$0x19970] =	vst v58;
	v59 =	vsel vm1, $0x0, v3;
	vm1 =	vlt.s32 v52, $0x800  }
0x17c: {  	v62 =	vld [tilespmem:$0x195F0];
	[tilespmem:$0x19980] =	vst v59;
	v61 =	vsel vm1, $0x0, v3;
	vm1 =	vlt.s32 v54, $0x800  }
0x17d: {  	[tilespmem:$0x19990] =	vst v61;
	v63 =	vsel vm1, $0x0, v3;
	vm1 =	vlt.s32 v56, $0x800  }
0x17e: {  	[tilespmem:$0x199A0] =	vst v63;
	v8 =	vsel vm1, $0x0, v3;
	vm1 =	vlt.s32 v4, $0x800  }
0x17f: {  	[tilespmem:$0x199B0] =	vst v8;
	v4 =	vsel vm1, $0x0, v3;
	vm1 =	vlt.s32 v5, $0x800  }
0x180: {  	[tilespmem:$0x199C0] =	vst v4;
	v4 =	vsel vm1, $0x0, v3;
	vm1 =	vlt.s32 v60, $0x800  }
0x181: {  	[tilespmem:$0x199D0] =	vst v4;
	v4 =	vsel vm1, $0x0, v3;
	vm1 =	vlt.s32 v62, $0x800  }
0x182: {  	s22 =	rddreg [dreg:$0xb];
	[tilespmem:$0x199E0] =	vst v4;
	v4 =	vsel vm1, $0x0, v3  }
0x183: {  	s24 =	sld [smem:$0x7FD];
	[tilespmem:$0x199F0] =	vst v4  }
0x184: {  	[hbm4b:s22+s4] =	stream.linear.scatter [tilespmem:s25], [sflag:$0x5], $0x400, $0x38;
	[tilespmem:$0x1A200] =	vst v63  }
0x185: {  	s23 =	rddreg [dreg:$0xc]  }
0x186: {  	[hbm4b:s23+s4] =	stream.linear.scatter [tilespmem:s24], [sflag:$0x5], $0x400, $0x38;
	[tilespmem:$0x1A200] =	vst v63  }
0x187: {  	_ =	swait.ge [sflag:s19], $0xC000  }
0x188: {  	s24 =	sld [smem:$0x7EE]  }
0x189: {  	[sflag:s19] =	ssyncset.done $0x0  }
0x18a: {  	[sflag:s19] =	ssyncadd.s32 $0xFFFF4000  }
0x18b: {  	[hbm4b:s24+s4] =	stream.linear.scatter [tilespmem:s13], [sflag:$0x5], $0xC000, $0x38;
	[tilespmem:$0x1A200] =	vst v63  }
0x18c: {  	_ =	swait.ge [sflag:s20], $0xC000  }
0x18d: {  	[sflag:s20] =	ssyncset.done $0x0  }
0x18e: {  	[sflag:s20] =	ssyncadd.s32 $0xFFFF4000  }
0x18f: {  	v4 =	vld [tilespmem:$0x100];
	_ =	sdelay $0x4  }
0x190: {  	v5 =	vshrl.u32 v4, $0x3  }
0x191: {  	v5 =	vmul.u32 $0x30, v5  }
0x192: {  	v4 =	vand.u32 $0x7, v4  }
0x193: {  	v4 =	vor.u32 v4, v5  }
0x194: {  	v5 =	vperm.xlane v4, v0;
	_ =	sdelay $0x1  }
0x195: {  	v5 =	vadd.s32 v1, v5;
	_ =	sdelay $0x3  }
0x196: {  	v4 =	vperm.xlane v4, v2  }
0x197: {  	[tilespmem:s13], [sflag:$0x2] =	stream.indirect_vreg.gather [hbm4b:s1+s4], $0x80, v5, vm0, $0xb8;
	[tilespmem:$0x1A200] =	vst v63  }
0x198: {  	v4 =	vadd.s32 v1, v4  }
0x199: {  	[tilespmem:s26], [sflag:$0x2] =	stream.indirect_vreg.gather [hbm4b:s6+s4], $0x80, v5, vm0, $0xb8;
	[tilespmem:$0x1A200] =	vst v63  }
0x19a: {  	_ = 	snop  }
0x19b: {  	[tilespmem:s28], [sflag:$0x2] =	stream.indirect_vreg.gather [hbm4b:s7+s4], $0x80, v5, vm0, $0xb8;
	[tilespmem:$0x1A200] =	vst v63  }
0x19c: {  	_ = 	snop  }
0x19d: {  	[tilespmem:s29], [sflag:$0x2] =	stream.indirect_vreg.gather [hbm4b:s1+s4], $0x80, v4, vm0, $0xb8;
	[tilespmem:$0x1A200] =	vst v63  }
0x19e: {  	_ = 	snop  }
0x19f: {  	[tilespmem:s30], [sflag:$0x2] =	stream.indirect_vreg.gather [hbm4b:s6+s4], $0x80, v4, vm0, $0xb8;
	[tilespmem:$0x1A200] =	vst v63  }
0x1a0: {  	_ = 	snop  }
0x1a1: {  	[tilespmem:s31], [sflag:$0x2] =	stream.indirect_vreg.gather [hbm4b:s7+s4], $0x80, v4, vm0, $0xb8;
	[tilespmem:$0x1A200] =	vst v63  }
0x1a2: {  	v4 =	vld [tilespmem:$0x110];
	_ =	sdelay $0x4  }
0x1a3: {  	v5 =	vshrl.u32 v4, $0x3  }
0x1a4: {  	v5 =	vmul.u32 $0x30, v5  }
0x1a5: {  	v4 =	vand.u32 $0x7, v4  }
0x1a6: {  	v4 =	vor.u32 v4, v5  }
0x1a7: {  	v5 =	vperm.xlane v4, v0;
	_ =	sdelay $0x1  }
0x1a8: {  	v5 =	vadd.s32 v1, v5;
	_ =	sdelay $0x3  }
0x1a9: {  	s25 =	simm.s32 $0x3200;
	v4 =	vperm.xlane v4, v2  }
0x1aa: {  	[tilespmem:s25], [sflag:$0x2] =	stream.indirect_vreg.gather [hbm4b:s1+s4], $0x80, v5, vm0, $0xb8;
	[tilespmem:$0x1A200] =	vst v63  }
0x1ab: {  	v4 =	vadd.s32 v1, v4  }
0x1ac: {  	[tilespmem:s2], [sflag:$0x2] =	stream.indirect_vreg.gather [hbm4b:s6+s4], $0x80, v5, vm0, $0xb8;
	[tilespmem:$0x1A200] =	vst v63  }
0x1ad: {  	_ = 	snop  }
0x1ae: {  	[tilespmem:s5], [sflag:$0x2] =	stream.indirect_vreg.gather [hbm4b:s7+s4], $0x80, v5, vm0, $0xb8;
	[tilespmem:$0x1A200] =	vst v63  }
0x1af: {  	_ = 	snop  }
0x1b0: {  	[tilespmem:s9], [sflag:$0x2] =	stream.indirect_vreg.gather [hbm4b:s1+s4], $0x80, v4, vm0, $0xb8;
	[tilespmem:$0x1A200] =	vst v63  }
0x1b1: {  	_ = 	snop  }
0x1b2: {  	[tilespmem:s10], [sflag:$0x2] =	stream.indirect_vreg.gather [hbm4b:s6+s4], $0x80, v4, vm0, $0xb8;
	[tilespmem:$0x1A200] =	vst v63  }
0x1b3: {  	_ = 	snop  }
0x1b4: {  	[tilespmem:s14], [sflag:$0x2] =	stream.indirect_vreg.gather [hbm4b:s7+s4], $0x80, v4, vm0, $0xb8;
	[tilespmem:$0x1A200] =	vst v63  }
0x1b5: {  	v4 =	vld [tilespmem:$0x120];
	_ =	sdelay $0x4  }
0x1b6: {  	v5 =	vshrl.u32 v4, $0x3  }
0x1b7: {  	v5 =	vmul.u32 $0x30, v5  }
0x1b8: {  	v4 =	vand.u32 $0x7, v4  }
0x1b9: {  	v4 =	vor.u32 v4, v5  }
0x1ba: {  	v5 =	vperm.xlane v4, v0;
	_ =	sdelay $0x1  }
0x1bb: {  	v5 =	vadd.s32 v1, v5;
	_ =	sdelay $0x3  }
0x1bc: {  	v4 =	vperm.xlane v4, v2  }
0x1bd: {  	[tilespmem:s17], [sflag:$0x2] =	stream.indirect_vreg.gather [hbm4b:s1+s4], $0x80, v5, vm0, $0xb8;
	[tilespmem:$0x1A200] =	vst v63  }
0x1be: {  	v4 =	vadd.s32 v1, v4  }
0x1bf: {  	[tilespmem:s18], [sflag:$0x2] =	stream.indirect_vreg.gather [hbm4b:s6+s4], $0x80, v5, vm0, $0xb8;
	[tilespmem:$0x1A200] =	vst v63  }
0x1c0: {  	_ = 	snop  }
0x1c1: {  	[tilespmem:s12], [sflag:$0x2] =	stream.indirect_vreg.gather [hbm4b:s7+s4], $0x80, v5, vm0, $0xb8;
	[tilespmem:$0x1A200] =	vst v63  }
0x1c2: {  	s23 =	simm.s32 $0x7A00  }
0x1c3: {  	[tilespmem:s23], [sflag:$0x2] =	stream.indirect_vreg.gather [hbm4b:s1+s4], $0x80, v4, vm0, $0xb8;
	[tilespmem:$0x1A200] =	vst v63  }
0x1c4: {  	s24 =	simm.s32 $0x8200  }
0x1c5: {  	[tilespmem:s24], [sflag:$0x2] =	stream.indirect_vreg.gather [hbm4b:s6+s4], $0x80, v4, vm0, $0xb8;
	[tilespmem:$0x1A200] =	vst v63  }
0x1c6: {  	s25 =	simm.s32 $0x8A00  }
0x1c7: {  	[tilespmem:s25], [sflag:$0x2] =	stream.indirect_vreg.gather [hbm4b:s7+s4], $0x80, v4, vm0, $0xb8;
	[tilespmem:$0x1A200] =	vst v63  }
0x1c8: {  	v4 =	vld [tilespmem:$0x130];
	_ =	sdelay $0x4  }
0x1c9: {  	v5 =	vshrl.u32 v4, $0x3  }
0x1ca: {  	v5 =	vmul.u32 $0x30, v5  }
0x1cb: {  	v4 =	vand.u32 $0x7, v4  }
0x1cc: {  	v4 =	vor.u32 v4, v5  }
0x1cd: {  	v5 =	vperm.xlane v4, v0;
	_ =	sdelay $0x1  }
0x1ce: {  	v5 =	vadd.s32 v1, v5;
	_ =	sdelay $0x3  }
0x1cf: {  	s22 =	simm.s32 $0x9200;
	v4 =	vperm.xlane v4, v2  }
0x1d0: {  	[tilespmem:s22], [sflag:$0x2] =	stream.indirect_vreg.gather [hbm4b:s1+s4], $0x80, v5, vm0, $0xb8;
	[tilespmem:$0x1A200] =	vst v63  }
0x1d1: {  	s23 =	simm.s32 $0x9A00;
	v4 =	vadd.s32 v1, v4  }
0x1d2: {  	[tilespmem:s23], [sflag:$0x2] =	stream.indirect_vreg.gather [hbm4b:s6+s4], $0x80, v5, vm0, $0xb8;
	[tilespmem:$0x1A200] =	vst v63  }
0x1d3: {  	s24 =	simm.s32 $0xA200  }
0x1d4: {  	[tilespmem:s24], [sflag:$0x2] =	stream.indirect_vreg.gather [hbm4b:s7+s4], $0x80, v5, vm0, $0xb8;
	[tilespmem:$0x1A200] =	vst v63  }
0x1d5: {  	s25 =	simm.s32 $0xAA00  }
0x1d6: {  	[tilespmem:s25], [sflag:$0x2] =	stream.indirect_vreg.gather [hbm4b:s1+s4], $0x80, v4, vm0, $0xb8;
	[tilespmem:$0x1A200] =	vst v63  }
0x1d7: {  	s22 =	simm.s32 $0xB200  }
0x1d8: {  	[tilespmem:s22], [sflag:$0x2] =	stream.indirect_vreg.gather [hbm4b:s6+s4], $0x80, v4, vm0, $0xb8;
	[tilespmem:$0x1A200] =	vst v63  }
0x1d9: {  	s23 =	simm.s32 $0xBA00  }
0x1da: {  	[tilespmem:s23], [sflag:$0x2] =	stream.indirect_vreg.gather [hbm4b:s7+s4], $0x80, v4, vm0, $0xb8;
	[tilespmem:$0x1A200] =	vst v63  }
0x1db: {  	_ =	swait.ge [sflag:s21], $0xC000  }
0x1dc: {  	[sflag:s21] =	ssyncset.done $0x0  }
0x1dd: {  	s24 =	rddreg [dreg:$0xd];
	[sflag:s21] =	ssyncadd.s32 $0xFFFF4000  }
0x1de: {  	[hbm4b:s24+s4] =	stream.linear.scatter [tilespmem:s0], [sflag:$0x5], $0xC000, $0x38;
	[tilespmem:$0x1A200] =	vst v63  }
0x1df: {  	_ =	swait.ge [sflag:s20], $0xC000  }
0x1e0: {  	[sflag:s20] =	ssyncset.done $0x0  }
0x1e1: {  	[sflag:s20] =	ssyncadd.s32 $0xFFFF4000  }
0x1e2: {  	v4 =	vld [tilespmem:$0x180];
	_ =	sdelay $0x4  }
0x1e3: {  	v5 =	vshrl.u32 v4, $0x3  }
0x1e4: {  	v5 =	vmul.u32 $0x30, v5  }
0x1e5: {  	v4 =	vand.u32 $0x7, v4  }
0x1e6: {  	v4 =	vor.u32 v4, v5  }
0x1e7: {  	v5 =	vperm.xlane v4, v0;
	_ =	sdelay $0x1  }
0x1e8: {  	v5 =	vadd.s32 v1, v5;
	_ =	sdelay $0x3  }
0x1e9: {  	v4 =	vperm.xlane v4, v2  }
0x1ea: {  	[tilespmem:s0], [sflag:$0x3] =	stream.indirect_vreg.gather [hbm4b:s1+s4], $0x80, v5, vm0, $0xb8;
	[tilespmem:$0x1A200] =	vst v63  }
0x1eb: {  	s25 =	simm.s32 $0xCA00;
	v4 =	vadd.s32 v1, v4  }
0x1ec: {  	[tilespmem:s25], [sflag:$0x3] =	stream.indirect_vreg.gather [hbm4b:s6+s4], $0x80, v5, vm0, $0xb8;
	[tilespmem:$0x1A200] =	vst v63  }
0x1ed: {  	s22 =	simm.s32 $0xD200  }
0x1ee: {  	[tilespmem:s22], [sflag:$0x3] =	stream.indirect_vreg.gather [hbm4b:s7+s4], $0x80, v5, vm0, $0xb8;
	[tilespmem:$0x1A200] =	vst v63  }
0x1ef: {  	s23 =	simm.s32 $0xDA00  }
0x1f0: {  	[tilespmem:s23], [sflag:$0x3] =	stream.indirect_vreg.gather [hbm4b:s1+s4], $0x80, v4, vm0, $0xb8;
	[tilespmem:$0x1A200] =	vst v63  }
0x1f1: {  	s24 =	simm.s32 $0xE200  }
0x1f2: {  	[tilespmem:s24], [sflag:$0x3] =	stream.indirect_vreg.gather [hbm4b:s6+s4], $0x80, v4, vm0, $0xb8;
	[tilespmem:$0x1A200] =	vst v63  }
0x1f3: {  	s25 =	simm.s32 $0xEA00  }
0x1f4: {  	[tilespmem:s25], [sflag:$0x3] =	stream.indirect_vreg.gather [hbm4b:s7+s4], $0x80, v4, vm0, $0xb8;
	[tilespmem:$0x1A200] =	vst v63  }
0x1f5: {  	v4 =	vld [tilespmem:$0x190];
	_ =	sdelay $0x4  }
0x1f6: {  	v5 =	vshrl.u32 v4, $0x3  }
0x1f7: {  	v5 =	vmul.u32 $0x30, v5  }
0x1f8: {  	v4 =	vand.u32 $0x7, v4  }
0x1f9: {  	v4 =	vor.u32 v4, v5  }
0x1fa: {  	v5 =	vperm.xlane v4, v0;
	_ =	sdelay $0x1  }
0x1fb: {  	v5 =	vadd.s32 v1, v5;
	_ =	sdelay $0x3  }
0x1fc: {  	s22 =	simm.s32 $0xF200;
	v4 =	vperm.xlane v4, v2  }
0x1fd: {  	[tilespmem:s22], [sflag:$0x3] =	stream.indirect_vreg.gather [hbm4b:s1+s4], $0x80, v5, vm0, $0xb8;
	[tilespmem:$0x1A200] =	vst v63  }
0x1fe: {  	s23 =	simm.s32 $0xFA00;
	v4 =	vadd.s32 v1, v4  }
0x1ff: {  	[tilespmem:s23], [sflag:$0x3] =	stream.indirect_vreg.gather [hbm4b:s6+s4], $0x80, v5, vm0, $0xb8;
	[tilespmem:$0x1A200] =	vst v63  }
0x200: {  	s24 =	simm.s32 $0x10200  }
0x201: {  	[tilespmem:s24], [sflag:$0x3] =	stream.indirect_vreg.gather [hbm4b:s7+s4], $0x80, v5, vm0, $0xb8;
	[tilespmem:$0x1A200] =	vst v63  }
0x202: {  	s25 =	simm.s32 $0x10A00  }
0x203: {  	[tilespmem:s25], [sflag:$0x3] =	stream.indirect_vreg.gather [hbm4b:s1+s4], $0x80, v4, vm0, $0xb8;
	[tilespmem:$0x1A200] =	vst v63  }
0x204: {  	s22 =	simm.s32 $0x11200  }
0x205: {  	[tilespmem:s22], [sflag:$0x3] =	stream.indirect_vreg.gather [hbm4b:s6+s4], $0x80, v4, vm0, $0xb8;
	[tilespmem:$0x1A200] =	vst v63  }
0x206: {  	s23 =	simm.s32 $0x11A00  }
0x207: {  	[tilespmem:s23], [sflag:$0x3] =	stream.indirect_vreg.gather [hbm4b:s7+s4], $0x80, v4, vm0, $0xb8;
	[tilespmem:$0x1A200] =	vst v63  }
0x208: {  	v4 =	vld [tilespmem:$0x1A0];
	_ =	sdelay $0x4  }
0x209: {  	v5 =	vshrl.u32 v4, $0x3  }
0x20a: {  	v5 =	vmul.u32 $0x30, v5  }
0x20b: {  	v4 =	vand.u32 $0x7, v4  }
0x20c: {  	v4 =	vor.u32 v4, v5  }
0x20d: {  	v5 =	vperm.xlane v4, v0;
	_ =	sdelay $0x1  }
0x20e: {  	v5 =	vadd.s32 v1, v5;
	_ =	sdelay $0x3  }
0x20f: {  	s24 =	simm.s32 $0x12200;
	v4 =	vperm.xlane v4, v2  }
0x210: {  	[tilespmem:s24], [sflag:$0x3] =	stream.indirect_vreg.gather [hbm4b:s1+s4], $0x80, v5, vm0, $0xb8;
	[tilespmem:$0x1A200] =	vst v63  }
0x211: {  	s25 =	simm.s32 $0x12A00;
	v4 =	vadd.s32 v1, v4  }
0x212: {  	[tilespmem:s25], [sflag:$0x3] =	stream.indirect_vreg.gather [hbm4b:s6+s4], $0x80, v5, vm0, $0xb8;
	[tilespmem:$0x1A200] =	vst v63  }
0x213: {  	s22 =	simm.s32 $0x13200  }
0x214: {  	[tilespmem:s22], [sflag:$0x3] =	stream.indirect_vreg.gather [hbm4b:s7+s4], $0x80, v5, vm0, $0xb8;
	[tilespmem:$0x1A200] =	vst v63  }
0x215: {  	s23 =	simm.s32 $0x13A00  }
0x216: {  	[tilespmem:s23], [sflag:$0x3] =	stream.indirect_vreg.gather [hbm4b:s1+s4], $0x80, v4, vm0, $0xb8;
	[tilespmem:$0x1A200] =	vst v63  }
0x217: {  	s24 =	simm.s32 $0x14200  }
0x218: {  	[tilespmem:s24], [sflag:$0x3] =	stream.indirect_vreg.gather [hbm4b:s6+s4], $0x80, v4, vm0, $0xb8;
	[tilespmem:$0x1A200] =	vst v63  }
0x219: {  	s25 =	simm.s32 $0x14A00  }
0x21a: {  	[tilespmem:s25], [sflag:$0x3] =	stream.indirect_vreg.gather [hbm4b:s7+s4], $0x80, v4, vm0, $0xb8;
	[tilespmem:$0x1A200] =	vst v63  }
0x21b: {  	v4 =	vld [tilespmem:$0x1B0];
	_ =	sdelay $0x4  }
0x21c: {  	v5 =	vshrl.u32 v4, $0x3  }
0x21d: {  	v5 =	vmul.u32 $0x30, v5  }
0x21e: {  	v4 =	vand.u32 $0x7, v4  }
0x21f: {  	v4 =	vor.u32 v4, v5  }
0x220: {  	v5 =	vperm.xlane v4, v0;
	_ =	sdelay $0x1  }
0x221: {  	v5 =	vadd.s32 v1, v5;
	_ =	sdelay $0x3  }
0x222: {  	s22 =	simm.s32 $0x15200;
	v4 =	vperm.xlane v4, v2  }
0x223: {  	[tilespmem:s22], [sflag:$0x3] =	stream.indirect_vreg.gather [hbm4b:s1+s4], $0x80, v5, vm0, $0xb8;
	[tilespmem:$0x1A200] =	vst v63  }
0x224: {  	s23 =	simm.s32 $0x15A00;
	v4 =	vadd.s32 v1, v4  }
0x225: {  	[tilespmem:s23], [sflag:$0x3] =	stream.indirect_vreg.gather [hbm4b:s6+s4], $0x80, v5, vm0, $0xb8;
	[tilespmem:$0x1A200] =	vst v63  }
0x226: {  	s24 =	simm.s32 $0x16200  }
0x227: {  	[tilespmem:s24], [sflag:$0x3] =	stream.indirect_vreg.gather [hbm4b:s7+s4], $0x80, v5, vm0, $0xb8;
	[tilespmem:$0x1A200] =	vst v63  }
0x228: {  	s25 =	simm.s32 $0x16A00  }
0x229: {  	[tilespmem:s25], [sflag:$0x3] =	stream.indirect_vreg.gather [hbm4b:s1+s4], $0x80, v4, vm0, $0xb8;
	[tilespmem:$0x1A200] =	vst v63  }
0x22a: {  	s22 =	simm.s32 $0x17200  }
0x22b: {  	[tilespmem:s22], [sflag:$0x3] =	stream.indirect_vreg.gather [hbm4b:s6+s4], $0x80, v4, vm0, $0xb8;
	[tilespmem:$0x1A200] =	vst v63  }
0x22c: {  	s23 =	simm.s32 $0x17A00  }
0x22d: {  	[tilespmem:s23], [sflag:$0x3] =	stream.indirect_vreg.gather [hbm4b:s7+s4], $0x80, v4, vm0, $0xb8;
	[tilespmem:$0x1A200] =	vst v63  }
0x22e: {  	_ =	swait.ge [sflag:s19], $0xC000  }
0x22f: {  	[sflag:s19] =	ssyncset.done $0x0  }
0x230: {  	s24 =	rddreg [dreg:$0xe];
	[sflag:s19] =	ssyncadd.s32 $0xFFFF4000  }
0x231: {  	[hbm4b:s24+s4] =	stream.linear.scatter [tilespmem:s13], [sflag:$0x5], $0xC000, $0x38;
	[tilespmem:$0x1A200] =	vst v63  }
0x232: {  	_ =	swait.ge [sflag:s21], $0xC000  }
0x233: {  	[sflag:s21] =	ssyncset.done $0x0  }
0x234: {  	s25 =	rddreg [dreg:$0xf];
	[sflag:s21] =	ssyncadd.s32 $0xFFFF4000  }
0x235: {  	[hbm4b:s25+s4] =	stream.linear.scatter [tilespmem:s0], [sflag:$0x5], $0xC000, $0x38;
	[tilespmem:$0x1A200] =	vst v63  }
0x236: {  	_ =	swait.ge [sflag:s20], $0x400  }
0x237: {  	[sflag:s20] =	ssyncset.done $0x0  }
0x238: {  	[sflag:s20] =	ssyncadd.s32 $0xFFFFFC00  }
0x239: {  	_ =	swait.ge [sflag:s20], $0x400  }
0x23a: {  	[sflag:s20] =	ssyncset.done $0x0  }
0x23b: {  	[sflag:s20] =	ssyncadd.s32 $0xFFFFFC00  }
0x23c: {  	p0 =	sne.s32 s8, $0x1;
	_ =	swait.ge [sflag:s20], $0xC000  }
.Ltmp0:
0x23d: {  	[sflag:s20] =	ssyncset.done $0x0;
	(pc) =	sbr.rel @p0 .LBB2_1-.Ltmp0, $4  }
0x23e: {  	[sflag:s20] =	ssyncadd.s32 $0xFFFF4000  }
0x23f: {  	_ =	swait.ge [sflag:s20], $0xC000  }
0x240: {  	[sflag:s20] =	ssyncset.done $0x0  }
0x241: {  	s8 =	sadd.s32 $0xFFFFFFFF, s8;
	[sflag:s20] =	ssyncadd.s32 $0xFFFF4000  }
0x242: {  	_ =	sfence.sel $0x180000  }
0x243: {  	[bflag:$0x0] =	sbarrier.arrive $0xFFFF  }
0x244: {  	_ =	strace $0x90000047  }
0x245: {  	s0 =	stileid.u32;
	[bflag:$0x2] =	sbarrier.arrive $0xFFFF  }
0x246: {  	p0 =	sne.s32 s0, $0x0;
	s0 =	rddreg [dreg:$0x6]  }
0x247: {  	s0 =	sadd.s32 @!p0 $0x100000, s0  }
0x248: {  	[sflag:s0] =	ssyncadd.tile.s32 @!p0 $0x1;
	_ =	shalt  }
.Lfunc_end2:
_tile_overlayer_lowered:
.L_overlay_start_2:
0x249: {  	(tag) =	ssettag $0x2  }
0x24a: {  	s0 =	rddreg [dreg:$0x0];
	s2 =	stileid.u32  }
0x24b: {  	s1 =	rddreg [dreg:$0x1];
	p0 =	sne.s32 s2, $0x0  }
0x24c: {  	s3 =	rddreg [dreg:$0x2];
	[bflag:$0x3] =	sbarrier.arrive $0xFFFF;
	s2 =	simm.s32 @!p0 $0x1C06  }
0x24d: {  	[timem:s3], [sflag:s2] =	dma.local @!p0 [hbm:s0], s1  }
0x24e: {  	s0 =	simm.s32 @!p0 $0x6  }
0x24f: {  	_ =	swait.ge @!p0 [sflag:s0], s1  }
0x250: {  	s1 =	ssub.s32 @!p0 $0x0, s1;
	[sflag:s0] =	ssyncset.done @!p0 $0x0  }
0x251: {  	[sflag:s0] =	ssyncadd.s32 @!p0 s1  }
0x252: {  	[bflag:$0x3] =	sbarrier.arrive $0xFFFF  }
0x253: {  	_ =	shalt  }

</sc_bundles>
